<compile_context>
chip_gen: v7x
topology: tpu7x:2x2x1
jax: 0.10.2.dev20260603
libtpu: 0.0.44.dev20260713+nightly
codegen_flags: <defaults>
</compile_context>

<pallas_src>
import jax
import jax.numpy as jnp
from jax import lax
from jax.experimental import pallas as pl
from jax.experimental.pallas import tpu as pltpu
from jax.experimental.pallas import tpu_sc as plsc

N = 10000
E = 320000
D = 128
L = 3

NPAD = 10240
NC = 2
NS = 16
NW = NC * NS
EW = E // NW
ACC_N = 10000
ROWS_T = ACC_N // NS

_mesh = plsc.VectorSubcoreMesh(core_axis_name="c", subcore_axis_name="s")


IDXP = 25


def _make_sc_agg(with_deg, nbuf, look, ch):

    nch = EW // ch

    def body(sdr_hbm, h_hbm, *refs):
        if with_deg:
            (agg_hbm, deg_hbm, sd_v, rows_v, deg_v,
             sem_g, sem_s, sem_z, acc_sh) = refs
        else:
            agg_hbm, sd_v, rows_v, sem_g, sem_s, sem_z, acc_sh = refs
        c = lax.axis_index("c")
        s = lax.axis_index("s")
        w = s * NC + c

        def _ldidx(p, _):
            pltpu.sync_copy(sdr_hbm.at[w, :, pl.ds(p * IDXP, IDXP), :],
                            sd_v.at[:, pl.ds(p * IDXP, IDXP), :])
            return 0
        lax.fori_loop(0, nch // IDXP, _ldidx, 0)

        zeros16 = jnp.zeros((16,), jnp.float32)
        ones16 = jnp.ones((16,), jnp.float32)

        def _zrow(i, _):
            rows_v[0, i // 8, pl.ds((i % 8) * 16, 16)] = zeros16
            return 0
        lax.fori_loop(0, ch * (D // 16), _zrow, 0)

        if with_deg:
            def _zdeg(i, _):
                deg_v[pl.ds(i * 16, 16)] = zeros16
                return 0
            lax.fori_loop(0, NPAD // 16, _zdeg, 0)

        rem = ROWS_T % ch
        for r in range(ROWS_T // ch):
            pltpu.async_copy(rows_v.at[0],
                             acc_sh.at[pl.ds(s * ROWS_T + r * ch, ch), :],
                             sem_z)
        if rem:
            pltpu.async_copy(
                rows_v.at[0, pl.ds(0, rem), :],
                acc_sh.at[pl.ds(s * ROWS_T + (ROWS_T // ch) * ch, rem), :],
                sem_z)
        for r in range(ROWS_T // ch):
            pltpu.make_async_copy(
                rows_v.at[0],
                acc_sh.at[pl.ds(s * ROWS_T + r * ch, ch), :], sem_z).wait()
        if rem:
            pltpu.make_async_copy(
                rows_v.at[0, pl.ds(0, rem), :],
                acc_sh.at[pl.ds(s * ROWS_T + (ROWS_T // ch) * ch, rem), :],
                sem_z).wait()
        plsc.subcore_barrier()

        def _prime(i, _):
            pltpu.async_copy(h_hbm.at[sd_v.at[0, i]], rows_v.at[i],
                             sem_g.at[i])
            return 0
        lax.fori_loop(0, look, _prime, 0)

        def _chunk(k, _):
            b = k % nbuf
            kn = k + look
            bn = kn % nbuf

            @pl.when(jnp.logical_and(k >= nbuf - look, kn < nch))
            def _():
                pltpu.make_async_copy(rows_v.at[bn],
                                      acc_sh.at[sd_v.at[1, kn - nbuf]],
                                      sem_s.at[bn]).wait()

            @pl.when(kn < nch)
            def _():
                pltpu.async_copy(h_hbm.at[sd_v.at[0, kn]], rows_v.at[bn],
                                 sem_g.at[bn])

            pltpu.make_async_copy(h_hbm.at[sd_v.at[0, k]], rows_v.at[b],
                                  sem_g.at[b]).wait()
            pltpu.async_copy(rows_v.at[b], acc_sh.at[sd_v.at[1, k]],
                             sem_s.at[b], add=True)

            if with_deg:
                def _dsub(j, _):
                    dv = sd_v[1, k, pl.ds(j * 16, 16)]
                    plsc.addupdate_scatter(deg_v, [dv], ones16)
                    return 0
                lax.fori_loop(0, ch // 16, _dsub, 0)
            return 0

        lax.fori_loop(0, nch, _chunk, 0)
        for j in range(nbuf):
            kk = nch - nbuf + j
            pltpu.make_async_copy(rows_v.at[kk % nbuf],
                                  acc_sh.at[sd_v.at[1, kk]],
                                  sem_s.at[kk % nbuf]).wait()
        plsc.subcore_barrier()

        pltpu.sync_copy(acc_sh.at[pl.ds(s * ROWS_T, ROWS_T), :],
                        agg_hbm.at[c, pl.ds(s * ROWS_T, ROWS_T), :])
        if with_deg:
            pltpu.sync_copy(deg_v, deg_hbm.at[w])

    out_type = [jax.ShapeDtypeStruct((NC, NPAD, D), jnp.float32)]
    scratch = [
        pltpu.VMEM((2, nch, ch), jnp.int32),
        pltpu.VMEM((nbuf, ch, D), jnp.float32),
    ]
    if with_deg:
        out_type.append(jax.ShapeDtypeStruct((NW, NPAD), jnp.float32))
        scratch.append(pltpu.VMEM((NPAD,), jnp.float32))
    scratch += [
        pltpu.SemaphoreType.DMA((nbuf,)),
        pltpu.SemaphoreType.DMA((nbuf,)),
        pltpu.SemaphoreType.DMA,
        pltpu.VMEM_SHARED((ACC_N, D), jnp.float32),
    ]
    return pl.kernel(
        body,
        out_type=tuple(out_type),
        mesh=_mesh,
        scratch_types=scratch,
        compiler_params=pltpu.CompilerParams(use_tc_tiling_on_sc=False,
                                             needs_layout_passes=False),
    )


CH_NODEG = 80
_sc_agg_nodeg = _make_sc_agg(False, 3, 2, CH_NODEG)


def _sc_deg_body(dstr_hbm, deg_hbm, dst_v, deg_v):
    c = lax.axis_index("c")
    s = lax.axis_index("s")
    w = s * NC + c

    def _ldidx(p, _):
        pltpu.sync_copy(dstr_hbm.at[w, pl.ds(p * 2000, 2000)],
                        dst_v.at[pl.ds(p * 2000, 2000)])
        return 0
    lax.fori_loop(0, EW // 2000, _ldidx, 0)

    zeros16 = jnp.zeros((16,), jnp.float32)
    ones16 = jnp.ones((16,), jnp.float32)

    def _zdeg(i, _):
        deg_v[pl.ds(i * 16, 16)] = zeros16
        return 0
    lax.fori_loop(0, NPAD // 16, _zdeg, 0)

    def _dsub(j, _):
        dv = dst_v[pl.ds(j * 16, 16)]
        plsc.addupdate_scatter(deg_v, [dv], ones16)
        return 0
    lax.fori_loop(0, EW // 16, _dsub, 0)

    pltpu.sync_copy(deg_v, deg_hbm.at[w])


_sc_deg = pl.kernel(
    _sc_deg_body,
    out_type=jax.ShapeDtypeStruct((NW, NPAD), jnp.float32),
    mesh=_mesh,
    scratch_types=[
        pltpu.VMEM((EW,), jnp.int32),
        pltpu.VMEM((NPAD,), jnp.float32),
    ],
    compiler_params=pltpu.CompilerParams(use_tc_tiling_on_sc=False,
                                         needs_layout_passes=False),
)


R = 512
GRID = NPAD // R


def _tc_layer_body(agg_ref, deg_ref, h_ref, wl_ref, bl_ref, wr_ref, out_ref):
    a = agg_ref[0] + agg_ref[1]
    dd = deg_ref[...]
    ones_c = jnp.full((NW, 1), 1.0, jnp.float32)
    deg_col = lax.dot_general(dd, ones_c, (((0,), (0,)), ((), ())),
                              preferred_element_type=jnp.float32)
    scale = 1.0 / jnp.maximum(deg_col, 1.0)
    mean = a * scale
    hn = (jnp.dot(mean, wl_ref[...], preferred_element_type=jnp.float32)
          + bl_ref[...]
          + jnp.dot(h_ref[...], wr_ref[...], preferred_element_type=jnp.float32))
    hn = jnp.maximum(hn, 0.0)
    row = (pl.program_id(0) * R
           + lax.broadcasted_iota(jnp.int32, (R, 1), 0))
    out_ref[...] = jnp.where(row < N, hn, 0.0)


_tc_layer = pl.pallas_call(
    _tc_layer_body,
    grid=(GRID,),
    in_specs=[
        pl.BlockSpec((NC, R, D), lambda i: (0, i, 0)),
        pl.BlockSpec((NW, R), lambda i: (0, i)),
        pl.BlockSpec((R, D), lambda i: (i, 0)),
        pl.BlockSpec((D, D), lambda i: (0, 0)),
        pl.BlockSpec((1, D), lambda i: (0, 0)),
        pl.BlockSpec((D, D), lambda i: (0, 0)),
    ],
    out_specs=pl.BlockSpec((R, D), lambda i: (i, 0)),
    out_shape=jax.ShapeDtypeStruct((NPAD, D), jnp.float32),
)


def _tc_last_body(agg_ref, deg_ref, h_ref, wl_ref, bl_ref, wr_ref,
                  x_ref, h1_ref, wf_ref, bf_ref, out_ref):
    a = agg_ref[0] + agg_ref[1]
    dd = deg_ref[...]
    ones_c = jnp.full((NW, 1), 1.0, jnp.float32)
    deg_col = lax.dot_general(dd, ones_c, (((0,), (0,)), ((), ())),
                              preferred_element_type=jnp.float32)
    scale = 1.0 / jnp.maximum(deg_col, 1.0)
    mean = a * scale
    h3 = (jnp.dot(mean, wl_ref[...], preferred_element_type=jnp.float32)
          + bl_ref[...]
          + jnp.dot(h_ref[...], wr_ref[...], preferred_element_type=jnp.float32))
    h3 = jnp.maximum(h3, 0.0)
    acc = jnp.dot(x_ref[...], wf_ref[pl.ds(0, D), :],
                  preferred_element_type=jnp.float32)
    acc += jnp.dot(h1_ref[...], wf_ref[pl.ds(D, D), :],
                   preferred_element_type=jnp.float32)
    acc += jnp.dot(h_ref[...], wf_ref[pl.ds(2 * D, D), :],
                   preferred_element_type=jnp.float32)
    acc += jnp.dot(h3, wf_ref[pl.ds(3 * D, D), :],
                   preferred_element_type=jnp.float32)
    out_ref[...] = acc + bf_ref[...]


_tc_last = pl.pallas_call(
    _tc_last_body,
    grid=(GRID,),
    in_specs=[
        pl.BlockSpec((NC, R, D), lambda i: (0, i, 0)),
        pl.BlockSpec((NW, R), lambda i: (0, i)),
        pl.BlockSpec((R, D), lambda i: (i, 0)),
        pl.BlockSpec((D, D), lambda i: (0, 0)),
        pl.BlockSpec((1, D), lambda i: (0, 0)),
        pl.BlockSpec((D, D), lambda i: (0, 0)),
        pl.BlockSpec((R, D), lambda i: (i, 0)),
        pl.BlockSpec((R, D), lambda i: (i, 0)),
        pl.BlockSpec(((1 + L) * D, D), lambda i: (0, 0)),
        pl.BlockSpec((1, D), lambda i: (0, 0)),
    ],
    out_specs=pl.BlockSpec((R, D), lambda i: (i, 0)),
    out_shape=jax.ShapeDtypeStruct((NPAD, D), jnp.float32),
)


def kernel(x, edge_index, edge_attr, Wl, bl, Wr, Wf, bf):
    del edge_attr
    sd_flat = jnp.stack([edge_index[0].reshape(NW, EW),
                         edge_index[1].reshape(NW, EW)], axis=1)
    sdr_nodeg = sd_flat.reshape(NW, 2, EW // CH_NODEG, CH_NODEG)
    dstr = edge_index[1].reshape(NW, EW)

    x_pad = jnp.zeros((NPAD, D), jnp.float32).at[:N].set(x)

    deg = _sc_deg(dstr)
    if isinstance(deg, (tuple, list)):
        deg = deg[0]

    agg = _sc_agg_nodeg(sdr_nodeg, x_pad)
    if isinstance(agg, (tuple, list)):
        agg = agg[0]
    h1 = _tc_layer(agg, deg, x_pad, Wl[0], bl[0][None], Wr[0])

    agg = _sc_agg_nodeg(sdr_nodeg, h1)
    if isinstance(agg, (tuple, list)):
        agg = agg[0]
    h2 = _tc_layer(agg, deg, h1, Wl[1], bl[1][None], Wr[1])

    agg = _sc_agg_nodeg(sdr_nodeg, h2)
    if isinstance(agg, (tuple, list)):
        agg = agg[0]
    out = _tc_last(agg, deg, h2, Wl[2], bl[2][None], Wr[2],
                   x_pad, h1, Wf, bf[None])
    return out[:N]

# --- scband reference (transcript-rebuilt; emitter-appended) ---
"""Pipeline reference for scband-graph-sage-40888088658021 (READ-ONLY COPY).

The authoritative reference and input builder live on the scoring server;
editing this copy changes nothing except your own understanding.
"""

import jax, jax.numpy as jnp
import numpy as np

N = 10000
E = 320000
D = 128
L = 3
D_EDGE = 16


def setup_inputs(seed: int = 0) -> dict:
    key = jax.random.key(seed)
    ks = jax.random.split(key, 8)
    x = jax.random.normal(ks[0], (N, D), dtype=jnp.float32)
    edge_index = jax.random.randint(ks[1], (2, E), 0, N, dtype=jnp.int32)
    edge_attr = jax.random.normal(ks[2], (E, D_EDGE), dtype=jnp.float32)
    s = 1.0 / np.sqrt(D)
    Wl = jax.random.normal(ks[3], (L, D, D), dtype=jnp.float32) * s
    bl = jnp.zeros((L, D), dtype=jnp.float32)
    Wr = jax.random.normal(ks[4], (L, D, D), dtype=jnp.float32) * s
    cat_dim = D + L * D
    Wf = jax.random.normal(ks[5], (cat_dim, D), dtype=jnp.float32) * (1.0 / np.sqrt(cat_dim))
    bf = jnp.zeros((D,), dtype=jnp.float32)
    return {"x": x, "edge_index": edge_index, "edge_attr": edge_attr,
            "Wl": Wl, "bl": bl, "Wr": Wr, "Wf": Wf, "bf": bf}


def _sage_conv(h, src, dst, Wl_i, bl_i, Wr_i):
    # PyG SAGEConv with mean aggregation: lin_l(mean_{j in N(i)} x_j) + lin_r(x_i)
    msg = h[src]
    agg = jax.ops.segment_sum(msg, dst, num_segments=N)
    deg = jax.ops.segment_sum(jnp.ones((E,), dtype=h.dtype), dst, num_segments=N)
    mean = agg / jnp.maximum(deg, 1.0)[:, None]
    return mean @ Wl_i + bl_i + h @ Wr_i


def reference(x, edge_index, edge_attr, Wl, bl, Wr, Wf, bf):
    src = edge_index[0]
    dst = edge_index[1]
    xs = [x]
    h = x
    for i in range(L):
        h = jax.nn.relu(_sage_conv(h, src, dst, Wl[i], bl[i], Wr[i]))
        xs.append(h)
    out = jnp.concatenate(xs, axis=-1)
    # dropout p=0.0 (eval) -> identity
    out = out @ Wf + bf
    return out

if __name__ == "__main__":
    import jax
    _d = setup_inputs()
    print(jax.jit(kernel)(*tuple(_d.values())))

</pallas_src>

<mosaic_0001>
#map = affine_map<(d0, d1) -> (0, 0, 0, 0)>
#map1 = affine_map<(d0, d1) -> (0, 0)>
#map2 = affine_map<(d0, d1) -> (0, 0, 0)>
module attributes {stable_mosaic.version = 14 : i64} {
  func.func @body(%arg0: i32, %arg1: i32, %arg2: memref<32x2x125x80xi32, #tpu.memory_space<hbm>>, %arg3: memref<10240x128xf32, #tpu.memory_space<hbm>>, %arg4: memref<2x10240x128xf32, #tpu.memory_space<hbm>>, %arg5: memref<2x125x80xi32, #tpu.memory_space<vmem>>, %arg6: memref<3x80x128xf32, #tpu.memory_space<vmem>>, %arg7: memref<3x!tpu.dma_semaphore, #tpu.memory_space<semaphore_mem>>, %arg8: memref<3x!tpu.dma_semaphore, #tpu.memory_space<semaphore_mem>>, %arg9: memref<!tpu.dma_semaphore, #tpu.memory_space<semaphore_mem>>, %arg10: memref<10000x128xf32, #tpu.memory_space<vmem_shared>>) attributes {dimension_semantics = [#tpu.dimension_semantics<core_parallel>, #tpu.dimension_semantics<subcore_parallel>], iteration_bounds = array<i64: 2, 16>, scalar_prefetch = 0 : i64, scratch_operands = 6 : i64, tpu.core_type = #tpu.core_type<sc_vector_subcore>, window_params = [{transform_indices = #map}, {transform_indices = #map1}, {transform_indices = #map2}]} {
    %mul3A = arith.constant 2 : i32
    %mul3A_0 = arith.muli %arg1, %mul3A : i32
    %add3A = arith.addi %mul3A_0, %arg0 : i32
    %scan3A = arith.constant 0 : i32
    %scan3A_1 = arith.constant 0 : i32
    %scan3A_2 = arith.constant 5 : i32
    %scan3A_3 = arith.addi %scan3A_1, %scan3A_2 : i32
    %scan3A_4 = arith.constant 1 : i32
    %scan3A_5 = scf.for %scan3A_354 = %scan3A_1 to %scan3A_3 step %scan3A_4 iter_args(%scan3A_355 = %scan3A) -> (i32)  : i32 {
      %mul3A_356 = arith.constant 25 : i32
      %mul3A_357 = arith.muli %scan3A_354, %mul3A_356 : i32
      %mul3A_358 = arith.constant 25 : i32
      %mul3A_359 = arith.muli %scan3A_354, %mul3A_358 : i32
      "tpu.region"() ({
        %run_scoped3A = tpu.sem_alloc : memref<!tpu.dma_semaphore, #tpu.memory_space<semaphore_mem>>
        %dma_start3A_361 = arith.constant 0 : i32
        %dma_start3A_362 = arith.constant 0 : i32
        %dma_start3A_363 = tpu.memref_slice %arg5[%dma_start3A_361, %mul3A_359, %dma_start3A_362] : memref<2x125x80xi32, #tpu.memory_space<vmem>> -> memref<2x25x80xi32, #tpu.memory_space<vmem>>
        %dma_start3A_364 = arith.constant 0 : i32
        %dma_start3A_365 = arith.constant 0 : i32
        %dma_start3A_366 = tpu.memref_slice %arg2[%add3A, %dma_start3A_364, %mul3A_357, %dma_start3A_365] : memref<32x2x125x80xi32, #tpu.memory_space<hbm>> -> memref<1x2x25x80xi32, #tpu.memory_space<hbm>>
        %dma_start3A_367 = tpu.memref_squeeze %dma_start3A_366 : memref<1x2x25x80xi32, #tpu.memory_space<hbm>> -> memref<2x25x80xi32, #tpu.memory_space<hbm>>
        %dma_start3A_368 = arith.constant 0 : i32
        %dma_start3A_369 = arith.constant 0 : i32
        %dma_start3A_370 = tpu.memref_slice %arg5[%dma_start3A_368, %mul3A_359, %dma_start3A_369] : memref<2x125x80xi32, #tpu.memory_space<vmem>> -> memref<2x25x80xi32, #tpu.memory_space<vmem>>
        %dma_start3A_371 = arith.constant 0 : i32
        %dma_start3A_372 = arith.constant 0 : i32
        %dma_start3A_373 = tpu.memref_slice %arg2[%add3A, %dma_start3A_371, %mul3A_357, %dma_start3A_372] : memref<32x2x125x80xi32, #tpu.memory_space<hbm>> -> memref<1x2x25x80xi32, #tpu.memory_space<hbm>>
        %dma_start3A_374 = tpu.memref_squeeze %dma_start3A_373 : memref<1x2x25x80xi32, #tpu.memory_space<hbm>> -> memref<2x25x80xi32, #tpu.memory_space<hbm>>
        tpu.enqueue_dma source(%dma_start3A_374 : memref<2x25x80xi32, #tpu.memory_space<hbm>>) target(%dma_start3A_370 : memref<2x25x80xi32, #tpu.memory_space<vmem>>) target_semaphore(%run_scoped3A : memref<!tpu.dma_semaphore, #tpu.memory_space<semaphore_mem>>)
        %dma_wait3A_375 = arith.constant 0 : i32
        %dma_wait3A_376 = arith.constant 0 : i32
        %dma_wait3A_377 = tpu.memref_slice %arg5[%dma_wait3A_375, %mul3A_359, %dma_wait3A_376] : memref<2x125x80xi32, #tpu.memory_space<vmem>> -> memref<2x25x80xi32, #tpu.memory_space<vmem>>
        %dma_wait3A_378 = arith.constant 0 : i32
        %dma_wait3A_379 = arith.constant 0 : i32
        %dma_wait3A_380 = tpu.memref_slice %arg2[%add3A, %dma_wait3A_378, %mul3A_357, %dma_wait3A_379] : memref<32x2x125x80xi32, #tpu.memory_space<hbm>> -> memref<1x2x25x80xi32, #tpu.memory_space<hbm>>
        %dma_wait3A_381 = tpu.memref_squeeze %dma_wait3A_380 : memref<1x2x25x80xi32, #tpu.memory_space<hbm>> -> memref<2x25x80xi32, #tpu.memory_space<hbm>>
        %dma_wait3A_382 = arith.constant 0 : i32
        %dma_wait3A_383 = arith.constant 0 : i32
        %dma_wait3A_384 = tpu.memref_slice %arg5[%dma_wait3A_382, %mul3A_359, %dma_wait3A_383] : memref<2x125x80xi32, #tpu.memory_space<vmem>> -> memref<2x25x80xi32, #tpu.memory_space<vmem>>
        %dma_wait3A_385 = arith.constant 0 : i32
        %dma_wait3A_386 = arith.constant 0 : i32
        %dma_wait3A_387 = tpu.memref_slice %arg2[%add3A, %dma_wait3A_385, %mul3A_357, %dma_wait3A_386] : memref<32x2x125x80xi32, #tpu.memory_space<hbm>> -> memref<1x2x25x80xi32, #tpu.memory_space<hbm>>
        %dma_wait3A_388 = tpu.memref_squeeze %dma_wait3A_387 : memref<1x2x25x80xi32, #tpu.memory_space<hbm>> -> memref<2x25x80xi32, #tpu.memory_space<hbm>>
        tpu.wait_dma2 semaphore(%run_scoped3A : memref<!tpu.dma_semaphore, #tpu.memory_space<semaphore_mem>>) src(%dma_wait3A_388 : memref<2x25x80xi32, #tpu.memory_space<hbm>>) dst(%dma_wait3A_384 : memref<2x25x80xi32, #tpu.memory_space<vmem>>)
        tpu.yield
      }) : () -> ()
      %scan3A_360 = arith.constant 0 : i32
      scf.yield %scan3A_360 : i32
    }
    %scan3A_6 = arith.constant 5 : i32
    %broadcast_in_dim3A = arith.constant 0.000000e+00 : f32
    %broadcast_in_dim3A_7 = vector.broadcast %broadcast_in_dim3A : f32 to vector<16xf32>
    %broadcast_in_dim3A_8 = arith.constant 1.000000e+00 : f32
    %broadcast_in_dim3A_9 = vector.broadcast %broadcast_in_dim3A_8 : f32 to vector<16xf32>
    %scan3A_10 = arith.constant 0 : i32
    %scan3A_11 = arith.constant 0 : i32
    %scan3A_12 = arith.constant 640 : i32
    %scan3A_13 = arith.addi %scan3A_11, %scan3A_12 : i32
    %scan3A_14 = arith.constant 1 : i32
    %scan3A_15 = scf.for %scan3A_354 = %scan3A_11 to %scan3A_13 step %scan3A_14 iter_args(%scan3A_355 = %scan3A_10) -> (i32)  : i32 {
      %jit3A = arith.constant 8 : i32
      %div3A = arith.divsi %scan3A_354, %jit3A : i32
      %sign3A = arith.constant 0 : i32
      %sign3A_356 = arith.cmpi sgt, %scan3A_354, %sign3A : i32
      %sign3A_357 = arith.extui %sign3A_356 : i1 to i32
      %sign3A_358 = arith.constant 0 : i32
      %sign3A_359 = arith.cmpi slt, %scan3A_354, %sign3A_358 : i32
      %sign3A_360 = arith.extui %sign3A_359 : i1 to i32
      %sign3A_361 = arith.subi %sign3A_357, %sign3A_360 : i32
      %sign3A_362 = arith.constant 0 : i32
      %sign3A_363 = arith.cmpi sgt, %jit3A, %sign3A_362 : i32
      %sign3A_364 = arith.extui %sign3A_363 : i1 to i32
      %sign3A_365 = arith.constant 0 : i32
      %sign3A_366 = arith.cmpi slt, %jit3A, %sign3A_365 : i32
      %sign3A_367 = arith.extui %sign3A_366 : i1 to i32
      %sign3A_368 = arith.subi %sign3A_364, %sign3A_367 : i32
      %ne3A = arith.cmpi ne, %sign3A_361, %sign3A_368 : i32
      %rem3A = arith.remsi %scan3A_354, %jit3A : i32
      %ne3A_369 = arith.constant 0 : i32
      %ne3A_370 = arith.cmpi ne, %rem3A, %ne3A_369 : i32
      %and3A = arith.andi %ne3A, %ne3A_370 : i1
      %sub3A = arith.constant 1 : i32
      %sub3A_371 = arith.subi %div3A, %sub3A : i32
      %select_n3A = arith.select %and3A, %sub3A_371, %div3A : i32
      %jit3A_372 = arith.constant 8 : i32
      %eq3A = arith.constant 0 : i32
      %eq3A_373 = arith.cmpi eq, %jit3A_372, %eq3A : i32
      %jit3A_374 = arith.constant 1 : i32
      %select_n3A_375 = arith.select %eq3A_373, %jit3A_374, %jit3A_372 : i32
      %rem3A_376 = arith.remsi %scan3A_354, %select_n3A_375 : i32
      %ne3A_377 = arith.constant 0 : i32
      %ne3A_378 = arith.cmpi ne, %rem3A_376, %ne3A_377 : i32
      %lt3A = arith.constant 0 : i32
      %lt3A_379 = arith.cmpi slt, %rem3A_376, %lt3A : i32
      %lt3A_380 = arith.constant 0 : i32
      %lt3A_381 = arith.cmpi slt, %select_n3A_375, %lt3A_380 : i32
      %ne3A_382 = arith.xori %lt3A_379, %lt3A_381 : i1
      %and3A_383 = arith.andi %ne3A_382, %ne3A_378 : i1
      %add3A_384 = arith.addi %rem3A_376, %select_n3A_375 : i32
      %select_n3A_385 = arith.select %and3A_383, %add3A_384, %rem3A_376 : i32
      %mul3A_386 = arith.constant 16 : i32
      %mul3A_387 = arith.muli %select_n3A_385, %mul3A_386 : i32
      %swap3A = arith.constant 0 : i32
      %swap3A_388 = arith.index_cast %swap3A : i32 to index
      %swap3A_389 = arith.index_cast %select_n3A : i32 to index
      %swap3A_390 = arith.index_cast %mul3A_387 : i32 to index
      %swap3A_391 = tpu.vector_load %arg6[%swap3A_388, %swap3A_389, %swap3A_390] {strides = array<i32>} : memref<3x80x128xf32, #tpu.memory_space<vmem>>, vector<16xf32>,
      tpu.vector_store %arg6[%swap3A_388, %swap3A_389, %swap3A_390], %broadcast_in_dim3A_7 {strides = array<i32>} : memref<3x80x128xf32, #tpu.memory_space<vmem>>, vector<16xf32>,
      %scan3A_392 = arith.constant 0 : i32
      scf.yield %scan3A_392 : i32
    }
    %scan3A_16 = arith.constant 640 : i32
    %mul3A_17 = arith.constant 625 : i32
    %mul3A_18 = arith.muli %arg1, %mul3A_17 : i32
    %add3A_19 = arith.constant 0 : i32
    %add3A_20 = arith.addi %mul3A_18, %add3A_19 : i32
    %dma_start3A = arith.constant 0 : i32
    %dma_start3A_21 = arith.constant 0 : i32
    %dma_start3A_22 = arith.constant 0 : i32
    %dma_start3A_23 = tpu.memref_slice %arg6[%dma_start3A, %dma_start3A_21, %dma_start3A_22] : memref<3x80x128xf32, #tpu.memory_space<vmem>> -> memref<1x80x128xf32, #tpu.memory_space<vmem>>
    %dma_start3A_24 = tpu.memref_squeeze %dma_start3A_23 : memref<1x80x128xf32, #tpu.memory_space<vmem>> -> memref<80x128xf32, #tpu.memory_space<vmem>>
    %dma_start3A_25 = arith.constant 0 : i32
    %dma_start3A_26 = tpu.memref_slice %arg10[%add3A_20, %dma_start3A_25] : memref<10000x128xf32, #tpu.memory_space<vmem_shared>> -> memref<80x128xf32, #tpu.memory_space<vmem_shared>>
    %dma_start3A_27 = arith.constant 0 : i32
    %dma_start3A_28 = tpu.memref_slice %arg10[%add3A_20, %dma_start3A_27] : memref<10000x128xf32, #tpu.memory_space<vmem_shared>> -> memref<80x128xf32, #tpu.memory_space<vmem_shared>>
    %dma_start3A_29 = arith.constant 0 : i32
    %dma_start3A_30 = arith.constant 0 : i32
    %dma_start3A_31 = tpu.memref_slice %arg6[%dma_start3A, %dma_start3A_29, %dma_start3A_30] : memref<3x80x128xf32, #tpu.memory_space<vmem>> -> memref<1x80x128xf32, #tpu.memory_space<vmem>>
    %dma_start3A_32 = tpu.memref_squeeze %dma_start3A_31 : memref<1x80x128xf32, #tpu.memory_space<vmem>> -> memref<80x128xf32, #tpu.memory_space<vmem>>
    tpu.enqueue_dma source(%dma_start3A_32 : memref<80x128xf32, #tpu.memory_space<vmem>>) target(%dma_start3A_28 : memref<80x128xf32, #tpu.memory_space<vmem_shared>>) target_semaphore(%arg9 : memref<!tpu.dma_semaphore, #tpu.memory_space<semaphore_mem>>)
    %mul3A_33 = arith.constant 625 : i32
    %mul3A_34 = arith.muli %arg1, %mul3A_33 : i32
    %add3A_35 = arith.constant 80 : i32
    %add3A_36 = arith.addi %mul3A_34, %add3A_35 : i32
    %dma_start3A_37 = arith.constant 0 : i32
    %dma_start3A_38 = arith.constant 0 : i32
    %dma_start3A_39 = arith.constant 0 : i32
    %dma_start3A_40 = tpu.memref_slice %arg6[%dma_start3A_37, %dma_start3A_38, %dma_start3A_39] : memref<3x80x128xf32, #tpu.memory_space<vmem>> -> memref<1x80x128xf32, #tpu.memory_space<vmem>>
    %dma_start3A_41 = tpu.memref_squeeze %dma_start3A_40 : memref<1x80x128xf32, #tpu.memory_space<vmem>> -> memref<80x128xf32, #tpu.memory_space<vmem>>
    %dma_start3A_42 = arith.constant 0 : i32
    %dma_start3A_43 = tpu.memref_slice %arg10[%add3A_36, %dma_start3A_42] : memref<10000x128xf32, #tpu.memory_space<vmem_shared>> -> memref<80x128xf32, #tpu.memory_space<vmem_shared>>
    %dma_start3A_44 = arith.constant 0 : i32
    %dma_start3A_45 = tpu.memref_slice %arg10[%add3A_36, %dma_start3A_44] : memref<10000x128xf32, #tpu.memory_space<vmem_shared>> -> memref<80x128xf32, #tpu.memory_space<vmem_shared>>
    %dma_start3A_46 = arith.constant 0 : i32
    %dma_start3A_47 = arith.constant 0 : i32
    %dma_start3A_48 = tpu.memref_slice %arg6[%dma_start3A_37, %dma_start3A_46, %dma_start3A_47] : memref<3x80x128xf32, #tpu.memory_space<vmem>> -> memref<1x80x128xf32, #tpu.memory_space<vmem>>
    %dma_start3A_49 = tpu.memref_squeeze %dma_start3A_48 : memref<1x80x128xf32, #tpu.memory_space<vmem>> -> memref<80x128xf32, #tpu.memory_space<vmem>>
    tpu.enqueue_dma source(%dma_start3A_49 : memref<80x128xf32, #tpu.memory_space<vmem>>) target(%dma_start3A_45 : memref<80x128xf32, #tpu.memory_space<vmem_shared>>) target_semaphore(%arg9 : memref<!tpu.dma_semaphore, #tpu.memory_space<semaphore_mem>>)
    %mul3A_50 = arith.constant 625 : i32
    %mul3A_51 = arith.muli %arg1, %mul3A_50 : i32
    %add3A_52 = arith.constant 160 : i32
    %add3A_53 = arith.addi %mul3A_51, %add3A_52 : i32
    %dma_start3A_54 = arith.constant 0 : i32
    %dma_start3A_55 = arith.constant 0 : i32
    %dma_start3A_56 = arith.constant 0 : i32
    %dma_start3A_57 = tpu.memref_slice %arg6[%dma_start3A_54, %dma_start3A_55, %dma_start3A_56] : memref<3x80x128xf32, #tpu.memory_space<vmem>> -> memref<1x80x128xf32, #tpu.memory_space<vmem>>
    %dma_start3A_58 = tpu.memref_squeeze %dma_start3A_57 : memref<1x80x128xf32, #tpu.memory_space<vmem>> -> memref<80x128xf32, #tpu.memory_space<vmem>>
    %dma_start3A_59 = arith.constant 0 : i32
    %dma_start3A_60 = tpu.memref_slice %arg10[%add3A_53, %dma_start3A_59] : memref<10000x128xf32, #tpu.memory_space<vmem_shared>> -> memref<80x128xf32, #tpu.memory_space<vmem_shared>>
    %dma_start3A_61 = arith.constant 0 : i32
    %dma_start3A_62 = tpu.memref_slice %arg10[%add3A_53, %dma_start3A_61] : memref<10000x128xf32, #tpu.memory_space<vmem_shared>> -> memref<80x128xf32, #tpu.memory_space<vmem_shared>>
    %dma_start3A_63 = arith.constant 0 : i32
    %dma_start3A_64 = arith.constant 0 : i32
    %dma_start3A_65 = tpu.memref_slice %arg6[%dma_start3A_54, %dma_start3A_63, %dma_start3A_64] : memref<3x80x128xf32, #tpu.memory_space<vmem>> -> memref<1x80x128xf32, #tpu.memory_space<vmem>>
    %dma_start3A_66 = tpu.memref_squeeze %dma_start3A_65 : memref<1x80x128xf32, #tpu.memory_space<vmem>> -> memref<80x128xf32, #tpu.memory_space<vmem>>
    tpu.enqueue_dma source(%dma_start3A_66 : memref<80x128xf32, #tpu.memory_space<vmem>>) target(%dma_start3A_62 : memref<80x128xf32, #tpu.memory_space<vmem_shared>>) target_semaphore(%arg9 : memref<!tpu.dma_semaphore, #tpu.memory_space<semaphore_mem>>)
    %mul3A_67 = arith.constant 625 : i32
    %mul3A_68 = arith.muli %arg1, %mul3A_67 : i32
    %add3A_69 = arith.constant 240 : i32
    %add3A_70 = arith.addi %mul3A_68, %add3A_69 : i32
    %dma_start3A_71 = arith.constant 0 : i32
    %dma_start3A_72 = arith.constant 0 : i32
    %dma_start3A_73 = arith.constant 0 : i32
    %dma_start3A_74 = tpu.memref_slice %arg6[%dma_start3A_71, %dma_start3A_72, %dma_start3A_73] : memref<3x80x128xf32, #tpu.memory_space<vmem>> -> memref<1x80x128xf32, #tpu.memory_space<vmem>>
    %dma_start3A_75 = tpu.memref_squeeze %dma_start3A_74 : memref<1x80x128xf32, #tpu.memory_space<vmem>> -> memref<80x128xf32, #tpu.memory_space<vmem>>
    %dma_start3A_76 = arith.constant 0 : i32
    %dma_start3A_77 = tpu.memref_slice %arg10[%add3A_70, %dma_start3A_76] : memref<10000x128xf32, #tpu.memory_space<vmem_shared>> -> memref<80x128xf32, #tpu.memory_space<vmem_shared>>
    %dma_start3A_78 = arith.constant 0 : i32
    %dma_start3A_79 = tpu.memref_slice %arg10[%add3A_70, %dma_start3A_78] : memref<10000x128xf32, #tpu.memory_space<vmem_shared>> -> memref<80x128xf32, #tpu.memory_space<vmem_shared>>
    %dma_start3A_80 = arith.constant 0 : i32
    %dma_start3A_81 = arith.constant 0 : i32
    %dma_start3A_82 = tpu.memref_slice %arg6[%dma_start3A_71, %dma_start3A_80, %dma_start3A_81] : memref<3x80x128xf32, #tpu.memory_space<vmem>> -> memref<1x80x128xf32, #tpu.memory_space<vmem>>
    %dma_start3A_83 = tpu.memref_squeeze %dma_start3A_82 : memref<1x80x128xf32, #tpu.memory_space<vmem>> -> memref<80x128xf32, #tpu.memory_space<vmem>>
    tpu.enqueue_dma source(%dma_start3A_83 : memref<80x128xf32, #tpu.memory_space<vmem>>) target(%dma_start3A_79 : memref<80x128xf32, #tpu.memory_space<vmem_shared>>) target_semaphore(%arg9 : memref<!tpu.dma_semaphore, #tpu.memory_space<semaphore_mem>>)
    %mul3A_84 = arith.constant 625 : i32
    %mul3A_85 = arith.muli %arg1, %mul3A_84 : i32
    %add3A_86 = arith.constant 320 : i32
    %add3A_87 = arith.addi %mul3A_85, %add3A_86 : i32
    %dma_start3A_88 = arith.constant 0 : i32
    %dma_start3A_89 = arith.constant 0 : i32
    %dma_start3A_90 = arith.constant 0 : i32
    %dma_start3A_91 = tpu.memref_slice %arg6[%dma_start3A_88, %dma_start3A_89, %dma_start3A_90] : memref<3x80x128xf32, #tpu.memory_space<vmem>> -> memref<1x80x128xf32, #tpu.memory_space<vmem>>
    %dma_start3A_92 = tpu.memref_squeeze %dma_start3A_91 : memref<1x80x128xf32, #tpu.memory_space<vmem>> -> memref<80x128xf32, #tpu.memory_space<vmem>>
    %dma_start3A_93 = arith.constant 0 : i32
    %dma_start3A_94 = tpu.memref_slice %arg10[%add3A_87, %dma_start3A_93] : memref<10000x128xf32, #tpu.memory_space<vmem_shared>> -> memref<80x128xf32, #tpu.memory_space<vmem_shared>>
    %dma_start3A_95 = arith.constant 0 : i32
    %dma_start3A_96 = tpu.memref_slice %arg10[%add3A_87, %dma_start3A_95] : memref<10000x128xf32, #tpu.memory_space<vmem_shared>> -> memref<80x128xf32, #tpu.memory_space<vmem_shared>>
    %dma_start3A_97 = arith.constant 0 : i32
    %dma_start3A_98 = arith.constant 0 : i32
    %dma_start3A_99 = tpu.memref_slice %arg6[%dma_start3A_88, %dma_start3A_97, %dma_start3A_98] : memref<3x80x128xf32, #tpu.memory_space<vmem>> -> memref<1x80x128xf32, #tpu.memory_space<vmem>>
    %dma_start3A_100 = tpu.memref_squeeze %dma_start3A_99 : memref<1x80x128xf32, #tpu.memory_space<vmem>> -> memref<80x128xf32, #tpu.memory_space<vmem>>
    tpu.enqueue_dma source(%dma_start3A_100 : memref<80x128xf32, #tpu.memory_space<vmem>>) target(%dma_start3A_96 : memref<80x128xf32, #tpu.memory_space<vmem_shared>>) target_semaphore(%arg9 : memref<!tpu.dma_semaphore, #tpu.memory_space<semaphore_mem>>)
    %mul3A_101 = arith.constant 625 : i32
    %mul3A_102 = arith.muli %arg1, %mul3A_101 : i32
    %add3A_103 = arith.constant 400 : i32
    %add3A_104 = arith.addi %mul3A_102, %add3A_103 : i32
    %dma_start3A_105 = arith.constant 0 : i32
    %dma_start3A_106 = arith.constant 0 : i32
    %dma_start3A_107 = arith.constant 0 : i32
    %dma_start3A_108 = tpu.memref_slice %arg6[%dma_start3A_105, %dma_start3A_106, %dma_start3A_107] : memref<3x80x128xf32, #tpu.memory_space<vmem>> -> memref<1x80x128xf32, #tpu.memory_space<vmem>>
    %dma_start3A_109 = tpu.memref_squeeze %dma_start3A_108 : memref<1x80x128xf32, #tpu.memory_space<vmem>> -> memref<80x128xf32, #tpu.memory_space<vmem>>
    %dma_start3A_110 = arith.constant 0 : i32
    %dma_start3A_111 = tpu.memref_slice %arg10[%add3A_104, %dma_start3A_110] : memref<10000x128xf32, #tpu.memory_space<vmem_shared>> -> memref<80x128xf32, #tpu.memory_space<vmem_shared>>
    %dma_start3A_112 = arith.constant 0 : i32
    %dma_start3A_113 = tpu.memref_slice %arg10[%add3A_104, %dma_start3A_112] : memref<10000x128xf32, #tpu.memory_space<vmem_shared>> -> memref<80x128xf32, #tpu.memory_space<vmem_shared>>
    %dma_start3A_114 = arith.constant 0 : i32
    %dma_start3A_115 = arith.constant 0 : i32
    %dma_start3A_116 = tpu.memref_slice %arg6[%dma_start3A_105, %dma_start3A_114, %dma_start3A_115] : memref<3x80x128xf32, #tpu.memory_space<vmem>> -> memref<1x80x128xf32, #tpu.memory_space<vmem>>
    %dma_start3A_117 = tpu.memref_squeeze %dma_start3A_116 : memref<1x80x128xf32, #tpu.memory_space<vmem>> -> memref<80x128xf32, #tpu.memory_space<vmem>>
    tpu.enqueue_dma source(%dma_start3A_117 : memref<80x128xf32, #tpu.memory_space<vmem>>) target(%dma_start3A_113 : memref<80x128xf32, #tpu.memory_space<vmem_shared>>) target_semaphore(%arg9 : memref<!tpu.dma_semaphore, #tpu.memory_space<semaphore_mem>>)
    %mul3A_118 = arith.constant 625 : i32
    %mul3A_119 = arith.muli %arg1, %mul3A_118 : i32
    %add3A_120 = arith.constant 480 : i32
    %add3A_121 = arith.addi %mul3A_119, %add3A_120 : i32
    %dma_start3A_122 = arith.constant 0 : i32
    %dma_start3A_123 = arith.constant 0 : i32
    %dma_start3A_124 = arith.constant 0 : i32
    %dma_start3A_125 = tpu.memref_slice %arg6[%dma_start3A_122, %dma_start3A_123, %dma_start3A_124] : memref<3x80x128xf32, #tpu.memory_space<vmem>> -> memref<1x80x128xf32, #tpu.memory_space<vmem>>
    %dma_start3A_126 = tpu.memref_squeeze %dma_start3A_125 : memref<1x80x128xf32, #tpu.memory_space<vmem>> -> memref<80x128xf32, #tpu.memory_space<vmem>>
    %dma_start3A_127 = arith.constant 0 : i32
    %dma_start3A_128 = tpu.memref_slice %arg10[%add3A_121, %dma_start3A_127] : memref<10000x128xf32, #tpu.memory_space<vmem_shared>> -> memref<80x128xf32, #tpu.memory_space<vmem_shared>>
    %dma_start3A_129 = arith.constant 0 : i32
    %dma_start3A_130 = tpu.memref_slice %arg10[%add3A_121, %dma_start3A_129] : memref<10000x128xf32, #tpu.memory_space<vmem_shared>> -> memref<80x128xf32, #tpu.memory_space<vmem_shared>>
    %dma_start3A_131 = arith.constant 0 : i32
    %dma_start3A_132 = arith.constant 0 : i32
    %dma_start3A_133 = tpu.memref_slice %arg6[%dma_start3A_122, %dma_start3A_131, %dma_start3A_132] : memref<3x80x128xf32, #tpu.memory_space<vmem>> -> memref<1x80x128xf32, #tpu.memory_space<vmem>>
    %dma_start3A_134 = tpu.memref_squeeze %dma_start3A_133 : memref<1x80x128xf32, #tpu.memory_space<vmem>> -> memref<80x128xf32, #tpu.memory_space<vmem>>
    tpu.enqueue_dma source(%dma_start3A_134 : memref<80x128xf32, #tpu.memory_space<vmem>>) target(%dma_start3A_130 : memref<80x128xf32, #tpu.memory_space<vmem_shared>>) target_semaphore(%arg9 : memref<!tpu.dma_semaphore, #tpu.memory_space<semaphore_mem>>)
    %mul3A_135 = arith.constant 625 : i32
    %mul3A_136 = arith.muli %arg1, %mul3A_135 : i32
    %add3A_137 = arith.constant 560 : i32
    %add3A_138 = arith.addi %mul3A_136, %add3A_137 : i32
    %dma_start3A_139 = arith.constant 0 : i32
    %dma_start3A_140 = arith.constant 0 : i32
    %dma_start3A_141 = arith.constant 0 : i32
    %dma_start3A_142 = tpu.memref_slice %arg6[%dma_start3A_139, %dma_start3A_140, %dma_start3A_141] : memref<3x80x128xf32, #tpu.memory_space<vmem>> -> memref<1x65x128xf32, #tpu.memory_space<vmem>>
    %dma_start3A_143 = tpu.memref_squeeze %dma_start3A_142 : memref<1x65x128xf32, #tpu.memory_space<vmem>> -> memref<65x128xf32, #tpu.memory_space<vmem>>
    %dma_start3A_144 = arith.constant 0 : i32
    %dma_start3A_145 = tpu.memref_slice %arg10[%add3A_138, %dma_start3A_144] : memref<10000x128xf32, #tpu.memory_space<vmem_shared>> -> memref<65x128xf32, #tpu.memory_space<vmem_shared>>
    %dma_start3A_146 = arith.constant 0 : i32
    %dma_start3A_147 = tpu.memref_slice %arg10[%add3A_138, %dma_start3A_146] : memref<10000x128xf32, #tpu.memory_space<vmem_shared>> -> memref<65x128xf32, #tpu.memory_space<vmem_shared>>
    %dma_start3A_148 = arith.constant 0 : i32
    %dma_start3A_149 = arith.constant 0 : i32
    %dma_start3A_150 = tpu.memref_slice %arg6[%dma_start3A_139, %dma_start3A_148, %dma_start3A_149] : memref<3x80x128xf32, #tpu.memory_space<vmem>> -> memref<1x65x128xf32, #tpu.memory_space<vmem>>
    %dma_start3A_151 = tpu.memref_squeeze %dma_start3A_150 : memref<1x65x128xf32, #tpu.memory_space<vmem>> -> memref<65x128xf32, #tpu.memory_space<vmem>>
    tpu.enqueue_dma source(%dma_start3A_151 : memref<65x128xf32, #tpu.memory_space<vmem>>) target(%dma_start3A_147 : memref<65x128xf32, #tpu.memory_space<vmem_shared>>) target_semaphore(%arg9 : memref<!tpu.dma_semaphore, #tpu.memory_space<semaphore_mem>>)
    %mul3A_152 = arith.constant 625 : i32
    %mul3A_153 = arith.muli %arg1, %mul3A_152 : i32
    %add3A_154 = arith.constant 0 : i32
    %add3A_155 = arith.addi %mul3A_153, %add3A_154 : i32
    %dma_wait3A = arith.constant 0 : i32
    %dma_wait3A_156 = arith.constant 0 : i32
    %dma_wait3A_157 = arith.constant 0 : i32
    %dma_wait3A_158 = tpu.memref_slice %arg6[%dma_wait3A, %dma_wait3A_156, %dma_wait3A_157] : memref<3x80x128xf32, #tpu.memory_space<vmem>> -> memref<1x80x128xf32, #tpu.memory_space<vmem>>
    %dma_wait3A_159 = tpu.memref_squeeze %dma_wait3A_158 : memref<1x80x128xf32, #tpu.memory_space<vmem>> -> memref<80x128xf32, #tpu.memory_space<vmem>>
    %dma_wait3A_160 = arith.constant 0 : i32
    %dma_wait3A_161 = tpu.memref_slice %arg10[%add3A_155, %dma_wait3A_160] : memref<10000x128xf32, #tpu.memory_space<vmem_shared>> -> memref<80x128xf32, #tpu.memory_space<vmem_shared>>
    %dma_wait3A_162 = arith.constant 0 : i32
    %dma_wait3A_163 = tpu.memref_slice %arg10[%add3A_155, %dma_wait3A_162] : memref<10000x128xf32, #tpu.memory_space<vmem_shared>> -> memref<80x128xf32, #tpu.memory_space<vmem_shared>>
    %dma_wait3A_164 = arith.constant 0 : i32
    %dma_wait3A_165 = arith.constant 0 : i32
    %dma_wait3A_166 = tpu.memref_slice %arg6[%dma_wait3A, %dma_wait3A_164, %dma_wait3A_165] : memref<3x80x128xf32, #tpu.memory_space<vmem>> -> memref<1x80x128xf32, #tpu.memory_space<vmem>>
    %dma_wait3A_167 = tpu.memref_squeeze %dma_wait3A_166 : memref<1x80x128xf32, #tpu.memory_space<vmem>> -> memref<80x128xf32, #tpu.memory_space<vmem>>
    tpu.wait_dma2 semaphore(%arg9 : memref<!tpu.dma_semaphore, #tpu.memory_space<semaphore_mem>>) src(%dma_wait3A_167 : memref<80x128xf32, #tpu.memory_space<vmem>>) dst(%dma_wait3A_163 : memref<80x128xf32, #tpu.memory_space<vmem_shared>>)
    %mul3A_168 = arith.constant 625 : i32
    %mul3A_169 = arith.muli %arg1, %mul3A_168 : i32
    %add3A_170 = arith.constant 80 : i32
    %add3A_171 = arith.addi %mul3A_169, %add3A_170 : i32
    %dma_wait3A_172 = arith.constant 0 : i32
    %dma_wait3A_173 = arith.constant 0 : i32
    %dma_wait3A_174 = arith.constant 0 : i32
    %dma_wait3A_175 = tpu.memref_slice %arg6[%dma_wait3A_172, %dma_wait3A_173, %dma_wait3A_174] : memref<3x80x128xf32, #tpu.memory_space<vmem>> -> memref<1x80x128xf32, #tpu.memory_space<vmem>>
    %dma_wait3A_176 = tpu.memref_squeeze %dma_wait3A_175 : memref<1x80x128xf32, #tpu.memory_space<vmem>> -> memref<80x128xf32, #tpu.memory_space<vmem>>
    %dma_wait3A_177 = arith.constant 0 : i32
    %dma_wait3A_178 = tpu.memref_slice %arg10[%add3A_171, %dma_wait3A_177] : memref<10000x128xf32, #tpu.memory_space<vmem_shared>> -> memref<80x128xf32, #tpu.memory_space<vmem_shared>>
    %dma_wait3A_179 = arith.constant 0 : i32
    %dma_wait3A_180 = tpu.memref_slice %arg10[%add3A_171, %dma_wait3A_179] : memref<10000x128xf32, #tpu.memory_space<vmem_shared>> -> memref<80x128xf32, #tpu.memory_space<vmem_shared>>
    %dma_wait3A_181 = arith.constant 0 : i32
    %dma_wait3A_182 = arith.constant 0 : i32
    %dma_wait3A_183 = tpu.memref_slice %arg6[%dma_wait3A_172, %dma_wait3A_181, %dma_wait3A_182] : memref<3x80x128xf32, #tpu.memory_space<vmem>> -> memref<1x80x128xf32, #tpu.memory_space<vmem>>
    %dma_wait3A_184 = tpu.memref_squeeze %dma_wait3A_183 : memref<1x80x128xf32, #tpu.memory_space<vmem>> -> memref<80x128xf32, #tpu.memory_space<vmem>>
    tpu.wait_dma2 semaphore(%arg9 : memref<!tpu.dma_semaphore, #tpu.memory_space<semaphore_mem>>) src(%dma_wait3A_184 : memref<80x128xf32, #tpu.memory_space<vmem>>) dst(%dma_wait3A_180 : memref<80x128xf32, #tpu.memory_space<vmem_shared>>)
    %mul3A_185 = arith.constant 625 : i32
    %mul3A_186 = arith.muli %arg1, %mul3A_185 : i32
    %add3A_187 = arith.constant 160 : i32
    %add3A_188 = arith.addi %mul3A_186, %add3A_187 : i32
    %dma_wait3A_189 = arith.constant 0 : i32
    %dma_wait3A_190 = arith.constant 0 : i32
    %dma_wait3A_191 = arith.constant 0 : i32
    %dma_wait3A_192 = tpu.memref_slice %arg6[%dma_wait3A_189, %dma_wait3A_190, %dma_wait3A_191] : memref<3x80x128xf32, #tpu.memory_space<vmem>> -> memref<1x80x128xf32, #tpu.memory_space<vmem>>
    %dma_wait3A_193 = tpu.memref_squeeze %dma_wait3A_192 : memref<1x80x128xf32, #tpu.memory_space<vmem>> -> memref<80x128xf32, #tpu.memory_space<vmem>>
    %dma_wait3A_194 = arith.constant 0 : i32
    %dma_wait3A_195 = tpu.memref_slice %arg10[%add3A_188, %dma_wait3A_194] : memref<10000x128xf32, #tpu.memory_space<vmem_shared>> -> memref<80x128xf32, #tpu.memory_space<vmem_shared>>
    %dma_wait3A_196 = arith.constant 0 : i32
    %dma_wait3A_197 = tpu.memref_slice %arg10[%add3A_188, %dma_wait3A_196] : memref<10000x128xf32, #tpu.memory_space<vmem_shared>> -> memref<80x128xf32, #tpu.memory_space<vmem_shared>>
    %dma_wait3A_198 = arith.constant 0 : i32
    %dma_wait3A_199 = arith.constant 0 : i32
    %dma_wait3A_200 = tpu.memref_slice %arg6[%dma_wait3A_189, %dma_wait3A_198, %dma_wait3A_199] : memref<3x80x128xf32, #tpu.memory_space<vmem>> -> memref<1x80x128xf32, #tpu.memory_space<vmem>>
    %dma_wait3A_201 = tpu.memref_squeeze %dma_wait3A_200 : memref<1x80x128xf32, #tpu.memory_space<vmem>> -> memref<80x128xf32, #tpu.memory_space<vmem>>
    tpu.wait_dma2 semaphore(%arg9 : memref<!tpu.dma_semaphore, #tpu.memory_space<semaphore_mem>>) src(%dma_wait3A_201 : memref<80x128xf32, #tpu.memory_space<vmem>>) dst(%dma_wait3A_197 : memref<80x128xf32, #tpu.memory_space<vmem_shared>>)
    %mul3A_202 = arith.constant 625 : i32
    %mul3A_203 = arith.muli %arg1, %mul3A_202 : i32
    %add3A_204 = arith.constant 240 : i32
    %add3A_205 = arith.addi %mul3A_203, %add3A_204 : i32
    %dma_wait3A_206 = arith.constant 0 : i32
    %dma_wait3A_207 = arith.constant 0 : i32
    %dma_wait3A_208 = arith.constant 0 : i32
    %dma_wait3A_209 = tpu.memref_slice %arg6[%dma_wait3A_206, %dma_wait3A_207, %dma_wait3A_208] : memref<3x80x128xf32, #tpu.memory_space<vmem>> -> memref<1x80x128xf32, #tpu.memory_space<vmem>>
    %dma_wait3A_210 = tpu.memref_squeeze %dma_wait3A_209 : memref<1x80x128xf32, #tpu.memory_space<vmem>> -> memref<80x128xf32, #tpu.memory_space<vmem>>
    %dma_wait3A_211 = arith.constant 0 : i32
    %dma_wait3A_212 = tpu.memref_slice %arg10[%add3A_205, %dma_wait3A_211] : memref<10000x128xf32, #tpu.memory_space<vmem_shared>> -> memref<80x128xf32, #tpu.memory_space<vmem_shared>>
    %dma_wait3A_213 = arith.constant 0 : i32
    %dma_wait3A_214 = tpu.memref_slice %arg10[%add3A_205, %dma_wait3A_213] : memref<10000x128xf32, #tpu.memory_space<vmem_shared>> -> memref<80x128xf32, #tpu.memory_space<vmem_shared>>
    %dma_wait3A_215 = arith.constant 0 : i32
    %dma_wait3A_216 = arith.constant 0 : i32
    %dma_wait3A_217 = tpu.memref_slice %arg6[%dma_wait3A_206, %dma_wait3A_215, %dma_wait3A_216] : memref<3x80x128xf32, #tpu.memory_space<vmem>> -> memref<1x80x128xf32, #tpu.memory_space<vmem>>
    %dma_wait3A_218 = tpu.memref_squeeze %dma_wait3A_217 : memref<1x80x128xf32, #tpu.memory_space<vmem>> -> memref<80x128xf32, #tpu.memory_space<vmem>>
    tpu.wait_dma2 semaphore(%arg9 : memref<!tpu.dma_semaphore, #tpu.memory_space<semaphore_mem>>) src(%dma_wait3A_218 : memref<80x128xf32, #tpu.memory_space<vmem>>) dst(%dma_wait3A_214 : memref<80x128xf32, #tpu.memory_space<vmem_shared>>)
    %mul3A_219 = arith.constant 625 : i32
    %mul3A_220 = arith.muli %arg1, %mul3A_219 : i32
    %add3A_221 = arith.constant 320 : i32
    %add3A_222 = arith.addi %mul3A_220, %add3A_221 : i32
    %dma_wait3A_223 = arith.constant 0 : i32
    %dma_wait3A_224 = arith.constant 0 : i32
    %dma_wait3A_225 = arith.constant 0 : i32
    %dma_wait3A_226 = tpu.memref_slice %arg6[%dma_wait3A_223, %dma_wait3A_224, %dma_wait3A_225] : memref<3x80x128xf32, #tpu.memory_space<vmem>> -> memref<1x80x128xf32, #tpu.memory_space<vmem>>
    %dma_wait3A_227 = tpu.memref_squeeze %dma_wait3A_226 : memref<1x80x128xf32, #tpu.memory_space<vmem>> -> memref<80x128xf32, #tpu.memory_space<vmem>>
    %dma_wait3A_228 = arith.constant 0 : i32
    %dma_wait3A_229 = tpu.memref_slice %arg10[%add3A_222, %dma_wait3A_228] : memref<10000x128xf32, #tpu.memory_space<vmem_shared>> -> memref<80x128xf32, #tpu.memory_space<vmem_shared>>
    %dma_wait3A_230 = arith.constant 0 : i32
    %dma_wait3A_231 = tpu.memref_slice %arg10[%add3A_222, %dma_wait3A_230] : memref<10000x128xf32, #tpu.memory_space<vmem_shared>> -> memref<80x128xf32, #tpu.memory_space<vmem_shared>>
    %dma_wait3A_232 = arith.constant 0 : i32
    %dma_wait3A_233 = arith.constant 0 : i32
    %dma_wait3A_234 = tpu.memref_slice %arg6[%dma_wait3A_223, %dma_wait3A_232, %dma_wait3A_233] : memref<3x80x128xf32, #tpu.memory_space<vmem>> -> memref<1x80x128xf32, #tpu.memory_space<vmem>>
    %dma_wait3A_235 = tpu.memref_squeeze %dma_wait3A_234 : memref<1x80x128xf32, #tpu.memory_space<vmem>> -> memref<80x128xf32, #tpu.memory_space<vmem>>
    tpu.wait_dma2 semaphore(%arg9 : memref<!tpu.dma_semaphore, #tpu.memory_space<semaphore_mem>>) src(%dma_wait3A_235 : memref<80x128xf32, #tpu.memory_space<vmem>>) dst(%dma_wait3A_231 : memref<80x128xf32, #tpu.memory_space<vmem_shared>>)
    %mul3A_236 = arith.constant 625 : i32
    %mul3A_237 = arith.muli %arg1, %mul3A_236 : i32
    %add3A_238 = arith.constant 400 : i32
    %add3A_239 = arith.addi %mul3A_237, %add3A_238 : i32
    %dma_wait3A_240 = arith.constant 0 : i32
    %dma_wait3A_241 = arith.constant 0 : i32
    %dma_wait3A_242 = arith.constant 0 : i32
    %dma_wait3A_243 = tpu.memref_slice %arg6[%dma_wait3A_240, %dma_wait3A_241, %dma_wait3A_242] : memref<3x80x128xf32, #tpu.memory_space<vmem>> -> memref<1x80x128xf32, #tpu.memory_space<vmem>>
    %dma_wait3A_244 = tpu.memref_squeeze %dma_wait3A_243 : memref<1x80x128xf32, #tpu.memory_space<vmem>> -> memref<80x128xf32, #tpu.memory_space<vmem>>
    %dma_wait3A_245 = arith.constant 0 : i32
    %dma_wait3A_246 = tpu.memref_slice %arg10[%add3A_239, %dma_wait3A_245] : memref<10000x128xf32, #tpu.memory_space<vmem_shared>> -> memref<80x128xf32, #tpu.memory_space<vmem_shared>>
    %dma_wait3A_247 = arith.constant 0 : i32
    %dma_wait3A_248 = tpu.memref_slice %arg10[%add3A_239, %dma_wait3A_247] : memref<10000x128xf32, #tpu.memory_space<vmem_shared>> -> memref<80x128xf32, #tpu.memory_space<vmem_shared>>
    %dma_wait3A_249 = arith.constant 0 : i32
    %dma_wait3A_250 = arith.constant 0 : i32
    %dma_wait3A_251 = tpu.memref_slice %arg6[%dma_wait3A_240, %dma_wait3A_249, %dma_wait3A_250] : memref<3x80x128xf32, #tpu.memory_space<vmem>> -> memref<1x80x128xf32, #tpu.memory_space<vmem>>
    %dma_wait3A_252 = tpu.memref_squeeze %dma_wait3A_251 : memref<1x80x128xf32, #tpu.memory_space<vmem>> -> memref<80x128xf32, #tpu.memory_space<vmem>>
    tpu.wait_dma2 semaphore(%arg9 : memref<!tpu.dma_semaphore, #tpu.memory_space<semaphore_mem>>) src(%dma_wait3A_252 : memref<80x128xf32, #tpu.memory_space<vmem>>) dst(%dma_wait3A_248 : memref<80x128xf32, #tpu.memory_space<vmem_shared>>)
    %mul3A_253 = arith.constant 625 : i32
    %mul3A_254 = arith.muli %arg1, %mul3A_253 : i32
    %add3A_255 = arith.constant 480 : i32
    %add3A_256 = arith.addi %mul3A_254, %add3A_255 : i32
    %dma_wait3A_257 = arith.constant 0 : i32
    %dma_wait3A_258 = arith.constant 0 : i32
    %dma_wait3A_259 = arith.constant 0 : i32
    %dma_wait3A_260 = tpu.memref_slice %arg6[%dma_wait3A_257, %dma_wait3A_258, %dma_wait3A_259] : memref<3x80x128xf32, #tpu.memory_space<vmem>> -> memref<1x80x128xf32, #tpu.memory_space<vmem>>
    %dma_wait3A_261 = tpu.memref_squeeze %dma_wait3A_260 : memref<1x80x128xf32, #tpu.memory_space<vmem>> -> memref<80x128xf32, #tpu.memory_space<vmem>>
    %dma_wait3A_262 = arith.constant 0 : i32
    %dma_wait3A_263 = tpu.memref_slice %arg10[%add3A_256, %dma_wait3A_262] : memref<10000x128xf32, #tpu.memory_space<vmem_shared>> -> memref<80x128xf32, #tpu.memory_space<vmem_shared>>
    %dma_wait3A_264 = arith.constant 0 : i32
    %dma_wait3A_265 = tpu.memref_slice %arg10[%add3A_256, %dma_wait3A_264] : memref<10000x128xf32, #tpu.memory_space<vmem_shared>> -> memref<80x128xf32, #tpu.memory_space<vmem_shared>>
    %dma_wait3A_266 = arith.constant 0 : i32
    %dma_wait3A_267 = arith.constant 0 : i32
    %dma_wait3A_268 = tpu.memref_slice %arg6[%dma_wait3A_257, %dma_wait3A_266, %dma_wait3A_267] : memref<3x80x128xf32, #tpu.memory_space<vmem>> -> memref<1x80x128xf32, #tpu.memory_space<vmem>>
    %dma_wait3A_269 = tpu.memref_squeeze %dma_wait3A_268 : memref<1x80x128xf32, #tpu.memory_space<vmem>> -> memref<80x128xf32, #tpu.memory_space<vmem>>
    tpu.wait_dma2 semaphore(%arg9 : memref<!tpu.dma_semaphore, #tpu.memory_space<semaphore_mem>>) src(%dma_wait3A_269 : memref<80x128xf32, #tpu.memory_space<vmem>>) dst(%dma_wait3A_265 : memref<80x128xf32, #tpu.memory_space<vmem_shared>>)
    %mul3A_270 = arith.constant 625 : i32
    %mul3A_271 = arith.muli %arg1, %mul3A_270 : i32
    %add3A_272 = arith.constant 560 : i32
    %add3A_273 = arith.addi %mul3A_271, %add3A_272 : i32
    %dma_wait3A_274 = arith.constant 0 : i32
    %dma_wait3A_275 = arith.constant 0 : i32
    %dma_wait3A_276 = arith.constant 0 : i32
    %dma_wait3A_277 = tpu.memref_slice %arg6[%dma_wait3A_274, %dma_wait3A_275, %dma_wait3A_276] : memref<3x80x128xf32, #tpu.memory_space<vmem>> -> memref<1x65x128xf32, #tpu.memory_space<vmem>>
    %dma_wait3A_278 = tpu.memref_squeeze %dma_wait3A_277 : memref<1x65x128xf32, #tpu.memory_space<vmem>> -> memref<65x128xf32, #tpu.memory_space<vmem>>
    %dma_wait3A_279 = arith.constant 0 : i32
    %dma_wait3A_280 = tpu.memref_slice %arg10[%add3A_273, %dma_wait3A_279] : memref<10000x128xf32, #tpu.memory_space<vmem_shared>> -> memref<65x128xf32, #tpu.memory_space<vmem_shared>>
    %dma_wait3A_281 = arith.constant 0 : i32
    %dma_wait3A_282 = tpu.memref_slice %arg10[%add3A_273, %dma_wait3A_281] : memref<10000x128xf32, #tpu.memory_space<vmem_shared>> -> memref<65x128xf32, #tpu.memory_space<vmem_shared>>
    %dma_wait3A_283 = arith.constant 0 : i32
    %dma_wait3A_284 = arith.constant 0 : i32
    %dma_wait3A_285 = tpu.memref_slice %arg6[%dma_wait3A_274, %dma_wait3A_283, %dma_wait3A_284] : memref<3x80x128xf32, #tpu.memory_space<vmem>> -> memref<1x65x128xf32, #tpu.memory_space<vmem>>
    %dma_wait3A_286 = tpu.memref_squeeze %dma_wait3A_285 : memref<1x65x128xf32, #tpu.memory_space<vmem>> -> memref<65x128xf32, #tpu.memory_space<vmem>>
    tpu.wait_dma2 semaphore(%arg9 : memref<!tpu.dma_semaphore, #tpu.memory_space<semaphore_mem>>) src(%dma_wait3A_286 : memref<65x128xf32, #tpu.memory_space<vmem>>) dst(%dma_wait3A_282 : memref<65x128xf32, #tpu.memory_space<vmem_shared>>)
    %barrier3A = arith.constant 0 : index
    tpu.barrier barrier_id(%barrier3A)
    %scan3A_287 = arith.constant 0 : i32
    %scan3A_288 = arith.constant 0 : i32
    %scan3A_289 = arith.constant 2 : i32
    %scan3A_290 = arith.addi %scan3A_288, %scan3A_289 : i32
    %scan3A_291 = arith.constant 1 : i32
    %scan3A_292 = scf.for %scan3A_354 = %scan3A_288 to %scan3A_290 step %scan3A_291 iter_args(%scan3A_355 = %scan3A_287) -> (i32)  : i32 {
      %dma_start3A_356 = arith.constant 0 : i32
      %dma_start3A_357 = arith.constant 0 : i32
      %dma_start3A_358 = arith.constant 0 : i32
      %dma_start3A_359 = tpu.memref_slice %arg6[%scan3A_354, %dma_start3A_357, %dma_start3A_358] : memref<3x80x128xf32, #tpu.memory_space<vmem>> -> memref<1x80x128xf32, #tpu.memory_space<vmem>>
      %dma_start3A_360 = tpu.memref_squeeze %dma_start3A_359 : memref<1x80x128xf32, #tpu.memory_space<vmem>> -> memref<80x128xf32, #tpu.memory_space<vmem>>
      %dma_start3A_361 = arith.constant 0 : i32
      %dma_start3A_362 = tpu.memref_slice %arg5[%dma_start3A_356, %scan3A_354, %dma_start3A_361] : memref<2x125x80xi32, #tpu.memory_space<vmem>> -> memref<1x1x80xi32, #tpu.memory_space<vmem>>
      %dma_start3A_363 = tpu.memref_squeeze %dma_start3A_362 : memref<1x1x80xi32, #tpu.memory_space<vmem>> -> memref<80xi32, #tpu.memory_space<vmem>>
      %dma_start3A_364 = arith.constant 0 : i32
      %dma_start3A_365 = arith.constant 0 : i32
      %dma_start3A_366 = tpu.memref_slice %arg3[%dma_start3A_364, %dma_start3A_365] : memref<10240x128xf32, #tpu.memory_space<hbm>> -> memref<10240x128xf32, #tpu.memory_space<hbm>>
      %dma_start3A_367 = tpu.memref_slice %arg7[%scan3A_354] : memref<3x!tpu.dma_semaphore, #tpu.memory_space<semaphore_mem>> -> memref<1x!tpu.dma_semaphore, #tpu.memory_space<semaphore_mem>>
      %dma_start3A_368 = tpu.memref_squeeze %dma_start3A_367 : memref<1x!tpu.dma_semaphore, #tpu.memory_space<semaphore_mem>> -> memref<!tpu.dma_semaphore, #tpu.memory_space<semaphore_mem>>
      tpu.enqueue_indirect_dma source(%dma_start3A_366 : memref<10240x128xf32, #tpu.memory_space<hbm>>) target(%dma_start3A_360 : memref<80x128xf32, #tpu.memory_space<vmem>>) offsets(%dma_start3A_363 : memref<80xi32, #tpu.memory_space<vmem>>) semaphore(%dma_start3A_368 : memref<!tpu.dma_semaphore, #tpu.memory_space<semaphore_mem>>)
      %scan3A_369 = arith.constant 0 : i32
      scf.yield %scan3A_369 : i32
    }
    %scan3A_293 = arith.constant 2 : i32
    %scan3A_294 = arith.constant 0 : i32
    %scan3A_295 = arith.constant 0 : i32
    %scan3A_296 = arith.constant 125 : i32
    %scan3A_297 = arith.addi %scan3A_295, %scan3A_296 : i32
    %scan3A_298 = arith.constant 1 : i32
    %scan3A_299 = scf.for %scan3A_354 = %scan3A_295 to %scan3A_297 step %scan3A_298 iter_args(%scan3A_355 = %scan3A_294) -> (i32)  : i32 {
      %jit3A = arith.constant 3 : i32
      %eq3A = arith.constant 0 : i32
      %eq3A_356 = arith.cmpi eq, %jit3A, %eq3A : i32
      %jit3A_357 = arith.constant 1 : i32
      %select_n3A = arith.select %eq3A_356, %jit3A_357, %jit3A : i32
      %rem3A = arith.remsi %scan3A_354, %select_n3A : i32
      %ne3A = arith.constant 0 : i32
      %ne3A_358 = arith.cmpi ne, %rem3A, %ne3A : i32
      %lt3A = arith.constant 0 : i32
      %lt3A_359 = arith.cmpi slt, %rem3A, %lt3A : i32
      %lt3A_360 = arith.constant 0 : i32
      %lt3A_361 = arith.cmpi slt, %select_n3A, %lt3A_360 : i32
      %ne3A_362 = arith.xori %lt3A_359, %lt3A_361 : i1
      %and3A = arith.andi %ne3A_362, %ne3A_358 : i1
      %add3A_363 = arith.addi %rem3A, %select_n3A : i32
      %select_n3A_364 = arith.select %and3A, %add3A_363, %rem3A : i32
      %add3A_365 = arith.constant 2 : i32
      %add3A_366 = arith.addi %scan3A_354, %add3A_365 : i32
      %jit3A_367 = arith.constant 3 : i32
      %eq3A_368 = arith.constant 0 : i32
      %eq3A_369 = arith.cmpi eq, %jit3A_367, %eq3A_368 : i32
      %jit3A_370 = arith.constant 1 : i32
      %select_n3A_371 = arith.select %eq3A_369, %jit3A_370, %jit3A_367 : i32
      %rem3A_372 = arith.remsi %add3A_366, %select_n3A_371 : i32
      %ne3A_373 = arith.constant 0 : i32
      %ne3A_374 = arith.cmpi ne, %rem3A_372, %ne3A_373 : i32
      %lt3A_375 = arith.constant 0 : i32
      %lt3A_376 = arith.cmpi slt, %rem3A_372, %lt3A_375 : i32
      %lt3A_377 = arith.constant 0 : i32
      %lt3A_378 = arith.cmpi slt, %select_n3A_371, %lt3A_377 : i32
      %ne3A_379 = arith.xori %lt3A_376, %lt3A_378 : i1
      %and3A_380 = arith.andi %ne3A_379, %ne3A_374 : i1
      %add3A_381 = arith.addi %rem3A_372, %select_n3A_371 : i32
      %select_n3A_382 = arith.select %and3A_380, %add3A_381, %rem3A_372 : i32
      %ge3A = arith.constant 1 : i32
      %ge3A_383 = arith.cmpi sge, %scan3A_354, %ge3A : i32
      %lt3A_384 = arith.constant 125 : i32
      %lt3A_385 = arith.cmpi slt, %add3A_366, %lt3A_384 : i32
      %and3A_386 = arith.andi %ge3A_383, %lt3A_385 : i1
      %convert_element_type3A = arith.extui %and3A_386 : i1 to i32
      %cond3A = arith.constant 0 : i32
      %cond3A_387 = arith.cmpi ne, %convert_element_type3A, %cond3A : i32
      scf.if %cond3A_387 {
        %sub3A = arith.constant 3 : i32
        %sub3A_420 = arith.subi %add3A_366, %sub3A : i32
        %dma_wait3A_421 = arith.constant 1 : i32
        %dma_wait3A_422 = arith.constant 0 : i32
        %dma_wait3A_423 = arith.constant 0 : i32
        %dma_wait3A_424 = tpu.memref_slice %arg6[%select_n3A_382, %dma_wait3A_422, %dma_wait3A_423] : memref<3x80x128xf32, #tpu.memory_space<vmem>> -> memref<1x80x128xf32, #tpu.memory_space<vmem>>
        %dma_wait3A_425 = tpu.memref_squeeze %dma_wait3A_424 : memref<1x80x128xf32, #tpu.memory_space<vmem>> -> memref<80x128xf32, #tpu.memory_space<vmem>>
        %dma_wait3A_426 = arith.constant 0 : i32
        %dma_wait3A_427 = tpu.memref_slice %arg5[%dma_wait3A_421, %sub3A_420, %dma_wait3A_426] : memref<2x125x80xi32, #tpu.memory_space<vmem>> -> memref<1x1x80xi32, #tpu.memory_space<vmem>>
        %dma_wait3A_428 = tpu.memref_squeeze %dma_wait3A_427 : memref<1x1x80xi32, #tpu.memory_space<vmem>> -> memref<80xi32, #tpu.memory_space<vmem>>
        %dma_wait3A_429 = arith.constant 0 : i32
        %dma_wait3A_430 = arith.constant 0 : i32
        %dma_wait3A_431 = tpu.memref_slice %arg10[%dma_wait3A_429, %dma_wait3A_430] : memref<10000x128xf32, #tpu.memory_space<vmem_shared>> -> memref<10000x128xf32, #tpu.memory_space<vmem_shared>>
        %dma_wait3A_432 = tpu.memref_slice %arg8[%select_n3A_382] : memref<3x!tpu.dma_semaphore, #tpu.memory_space<semaphore_mem>> -> memref<1x!tpu.dma_semaphore, #tpu.memory_space<semaphore_mem>>
        %dma_wait3A_433 = tpu.memref_squeeze %dma_wait3A_432 : memref<1x!tpu.dma_semaphore, #tpu.memory_space<semaphore_mem>> -> memref<!tpu.dma_semaphore, #tpu.memory_space<semaphore_mem>>
        tpu.wait_indirect_dma semaphore(%dma_wait3A_433 : memref<!tpu.dma_semaphore, #tpu.memory_space<semaphore_mem>>) src(%dma_wait3A_425 : memref<80x128xf32, #tpu.memory_space<vmem>>) dst(%dma_wait3A_431 : memref<10000x128xf32, #tpu.memory_space<vmem_shared>>)
      } else {
      }
      %lt3A_388 = arith.constant 125 : i32
      %lt3A_389 = arith.cmpi slt, %add3A_366, %lt3A_388 : i32
      %convert_element_type3A_390 = arith.extui %lt3A_389 : i1 to i32
      %cond3A_391 = arith.constant 0 : i32
      %cond3A_392 = arith.cmpi ne, %convert_element_type3A_390, %cond3A_391 : i32
      scf.if %cond3A_392 {
        %dma_start3A_420 = arith.constant 0 : i32
        %dma_start3A_421 = arith.constant 0 : i32
        %dma_start3A_422 = arith.constant 0 : i32
        %dma_start3A_423 = tpu.memref_slice %arg6[%select_n3A_382, %dma_start3A_421, %dma_start3A_422] : memref<3x80x128xf32, #tpu.memory_space<vmem>> -> memref<1x80x128xf32, #tpu.memory_space<vmem>>
        %dma_start3A_424 = tpu.memref_squeeze %dma_start3A_423 : memref<1x80x128xf32, #tpu.memory_space<vmem>> -> memref<80x128xf32, #tpu.memory_space<vmem>>
        %dma_start3A_425 = arith.constant 0 : i32
        %dma_start3A_426 = tpu.memref_slice %arg5[%dma_start3A_420, %add3A_366, %dma_start3A_425] : memref<2x125x80xi32, #tpu.memory_space<vmem>> -> memref<1x1x80xi32, #tpu.memory_space<vmem>>
        %dma_start3A_427 = tpu.memref_squeeze %dma_start3A_426 : memref<1x1x80xi32, #tpu.memory_space<vmem>> -> memref<80xi32, #tpu.memory_space<vmem>>
        %dma_start3A_428 = arith.constant 0 : i32
        %dma_start3A_429 = arith.constant 0 : i32
        %dma_start3A_430 = tpu.memref_slice %arg3[%dma_start3A_428, %dma_start3A_429] : memref<10240x128xf32, #tpu.memory_space<hbm>> -> memref<10240x128xf32, #tpu.memory_space<hbm>>
        %dma_start3A_431 = tpu.memref_slice %arg7[%select_n3A_382] : memref<3x!tpu.dma_semaphore, #tpu.memory_space<semaphore_mem>> -> memref<1x!tpu.dma_semaphore, #tpu.memory_space<semaphore_mem>>
        %dma_start3A_432 = tpu.memref_squeeze %dma_start3A_431 : memref<1x!tpu.dma_semaphore, #tpu.memory_space<semaphore_mem>> -> memref<!tpu.dma_semaphore, #tpu.memory_space<semaphore_mem>>
        tpu.enqueue_indirect_dma source(%dma_start3A_430 : memref<10240x128xf32, #tpu.memory_space<hbm>>) target(%dma_start3A_424 : memref<80x128xf32, #tpu.memory_space<vmem>>) offsets(%dma_start3A_427 : memref<80xi32, #tpu.memory_space<vmem>>) semaphore(%dma_start3A_432 : memref<!tpu.dma_semaphore, #tpu.memory_space<semaphore_mem>>)
      } else {
      }
      %dma_wait3A_393 = arith.constant 0 : i32
      %dma_wait3A_394 = arith.constant 0 : i32
      %dma_wait3A_395 = arith.constant 0 : i32
      %dma_wait3A_396 = tpu.memref_slice %arg6[%select_n3A_364, %dma_wait3A_394, %dma_wait3A_395] : memref<3x80x128xf32, #tpu.memory_space<vmem>> -> memref<1x80x128xf32, #tpu.memory_space<vmem>>
      %dma_wait3A_397 = tpu.memref_squeeze %dma_wait3A_396 : memref<1x80x128xf32, #tpu.memory_space<vmem>> -> memref<80x128xf32, #tpu.memory_space<vmem>>
      %dma_wait3A_398 = arith.constant 0 : i32
      %dma_wait3A_399 = tpu.memref_slice %arg5[%dma_wait3A_393, %scan3A_354, %dma_wait3A_398] : memref<2x125x80xi32, #tpu.memory_space<vmem>> -> memref<1x1x80xi32, #tpu.memory_space<vmem>>
      %dma_wait3A_400 = tpu.memref_squeeze %dma_wait3A_399 : memref<1x1x80xi32, #tpu.memory_space<vmem>> -> memref<80xi32, #tpu.memory_space<vmem>>
      %dma_wait3A_401 = arith.constant 0 : i32
      %dma_wait3A_402 = arith.constant 0 : i32
      %dma_wait3A_403 = tpu.memref_slice %arg3[%dma_wait3A_401, %dma_wait3A_402] : memref<10240x128xf32, #tpu.memory_space<hbm>> -> memref<10240x128xf32, #tpu.memory_space<hbm>>
      %dma_wait3A_404 = tpu.memref_slice %arg7[%select_n3A_364] : memref<3x!tpu.dma_semaphore, #tpu.memory_space<semaphore_mem>> -> memref<1x!tpu.dma_semaphore, #tpu.memory_space<semaphore_mem>>
      %dma_wait3A_405 = tpu.memref_squeeze %dma_wait3A_404 : memref<1x!tpu.dma_semaphore, #tpu.memory_space<semaphore_mem>> -> memref<!tpu.dma_semaphore, #tpu.memory_space<semaphore_mem>>
      tpu.wait_indirect_dma semaphore(%dma_wait3A_405 : memref<!tpu.dma_semaphore, #tpu.memory_space<semaphore_mem>>) src(%dma_wait3A_403 : memref<10240x128xf32, #tpu.memory_space<hbm>>) dst(%dma_wait3A_397 : memref<80x128xf32, #tpu.memory_space<vmem>>)
      %dma_start3A_406 = arith.constant 1 : i32
      %dma_start3A_407 = arith.constant 0 : i32
      %dma_start3A_408 = arith.constant 0 : i32
      %dma_start3A_409 = tpu.memref_slice %arg6[%select_n3A_364, %dma_start3A_407, %dma_start3A_408] : memref<3x80x128xf32, #tpu.memory_space<vmem>> -> memref<1x80x128xf32, #tpu.memory_space<vmem>>
      %dma_start3A_410 = tpu.memref_squeeze %dma_start3A_409 : memref<1x80x128xf32, #tpu.memory_space<vmem>> -> memref<80x128xf32, #tpu.memory_space<vmem>>
      %dma_start3A_411 = arith.constant 0 : i32
      %dma_start3A_412 = tpu.memref_slice %arg5[%dma_start3A_406, %scan3A_354, %dma_start3A_411] : memref<2x125x80xi32, #tpu.memory_space<vmem>> -> memref<1x1x80xi32, #tpu.memory_space<vmem>>
      %dma_start3A_413 = tpu.memref_squeeze %dma_start3A_412 : memref<1x1x80xi32, #tpu.memory_space<vmem>> -> memref<80xi32, #tpu.memory_space<vmem>>
      %dma_start3A_414 = arith.constant 0 : i32
      %dma_start3A_415 = arith.constant 0 : i32
      %dma_start3A_416 = tpu.memref_slice %arg10[%dma_start3A_414, %dma_start3A_415] : memref<10000x128xf32, #tpu.memory_space<vmem_shared>> -> memref<10000x128xf32, #tpu.memory_space<vmem_shared>>
      %dma_start3A_417 = tpu.memref_slice %arg8[%select_n3A_364] : memref<3x!tpu.dma_semaphore, #tpu.memory_space<semaphore_mem>> -> memref<1x!tpu.dma_semaphore, #tpu.memory_space<semaphore_mem>>
      %dma_start3A_418 = tpu.memref_squeeze %dma_start3A_417 : memref<1x!tpu.dma_semaphore, #tpu.memory_space<semaphore_mem>> -> memref<!tpu.dma_semaphore, #tpu.memory_space<semaphore_mem>>
      tpu.enqueue_indirect_dma source(%dma_start3A_410 : memref<80x128xf32, #tpu.memory_space<vmem>>) target(%dma_start3A_416 : memref<10000x128xf32, #tpu.memory_space<vmem_shared>>) offsets(%dma_start3A_413 : memref<80xi32, #tpu.memory_space<vmem>>) semaphore(%dma_start3A_418 : memref<!tpu.dma_semaphore, #tpu.memory_space<semaphore_mem>>) {add = true}
      %scan3A_419 = arith.constant 0 : i32
      scf.yield %scan3A_419 : i32
    }
    %scan3A_300 = arith.constant 125 : i32
    %dma_wait3A_301 = arith.constant 2 : i32
    %dma_wait3A_302 = arith.constant 1 : i32
    %dma_wait3A_303 = arith.constant 122 : i32
    %dma_wait3A_304 = arith.constant 2 : i32
    %dma_wait3A_305 = arith.constant 0 : i32
    %dma_wait3A_306 = arith.constant 0 : i32
    %dma_wait3A_307 = tpu.memref_slice %arg6[%dma_wait3A_301, %dma_wait3A_305, %dma_wait3A_306] : memref<3x80x128xf32, #tpu.memory_space<vmem>> -> memref<1x80x128xf32, #tpu.memory_space<vmem>>
    %dma_wait3A_308 = tpu.memref_squeeze %dma_wait3A_307 : memref<1x80x128xf32, #tpu.memory_space<vmem>> -> memref<80x128xf32, #tpu.memory_space<vmem>>
    %dma_wait3A_309 = arith.constant 0 : i32
    %dma_wait3A_310 = tpu.memref_slice %arg5[%dma_wait3A_302, %dma_wait3A_303, %dma_wait3A_309] : memref<2x125x80xi32, #tpu.memory_space<vmem>> -> memref<1x1x80xi32, #tpu.memory_space<vmem>>
    %dma_wait3A_311 = tpu.memref_squeeze %dma_wait3A_310 : memref<1x1x80xi32, #tpu.memory_space<vmem>> -> memref<80xi32, #tpu.memory_space<vmem>>
    %dma_wait3A_312 = arith.constant 0 : i32
    %dma_wait3A_313 = arith.constant 0 : i32
    %dma_wait3A_314 = tpu.memref_slice %arg10[%dma_wait3A_312, %dma_wait3A_313] : memref<10000x128xf32, #tpu.memory_space<vmem_shared>> -> memref<10000x128xf32, #tpu.memory_space<vmem_shared>>
    %dma_wait3A_315 = tpu.memref_slice %arg8[%dma_wait3A_304] : memref<3x!tpu.dma_semaphore, #tpu.memory_space<semaphore_mem>> -> memref<1x!tpu.dma_semaphore, #tpu.memory_space<semaphore_mem>>
    %dma_wait3A_316 = tpu.memref_squeeze %dma_wait3A_315 : memref<1x!tpu.dma_semaphore, #tpu.memory_space<semaphore_mem>> -> memref<!tpu.dma_semaphore, #tpu.memory_space<semaphore_mem>>
    tpu.wait_indirect_dma semaphore(%dma_wait3A_316 : memref<!tpu.dma_semaphore, #tpu.memory_space<semaphore_mem>>) src(%dma_wait3A_308 : memref<80x128xf32, #tpu.memory_space<vmem>>) dst(%dma_wait3A_314 : memref<10000x128xf32, #tpu.memory_space<vmem_shared>>)
    %dma_wait3A_317 = arith.constant 0 : i32
    %dma_wait3A_318 = arith.constant 1 : i32
    %dma_wait3A_319 = arith.constant 123 : i32
    %dma_wait3A_320 = arith.constant 0 : i32
    %dma_wait3A_321 = arith.constant 0 : i32
    %dma_wait3A_322 = arith.constant 0 : i32
    %dma_wait3A_323 = tpu.memref_slice %arg6[%dma_wait3A_317, %dma_wait3A_321, %dma_wait3A_322] : memref<3x80x128xf32, #tpu.memory_space<vmem>> -> memref<1x80x128xf32, #tpu.memory_space<vmem>>
    %dma_wait3A_324 = tpu.memref_squeeze %dma_wait3A_323 : memref<1x80x128xf32, #tpu.memory_space<vmem>> -> memref<80x128xf32, #tpu.memory_space<vmem>>
    %dma_wait3A_325 = arith.constant 0 : i32
    %dma_wait3A_326 = tpu.memref_slice %arg5[%dma_wait3A_318, %dma_wait3A_319, %dma_wait3A_325] : memref<2x125x80xi32, #tpu.memory_space<vmem>> -> memref<1x1x80xi32, #tpu.memory_space<vmem>>
    %dma_wait3A_327 = tpu.memref_squeeze %dma_wait3A_326 : memref<1x1x80xi32, #tpu.memory_space<vmem>> -> memref<80xi32, #tpu.memory_space<vmem>>
    %dma_wait3A_328 = arith.constant 0 : i32
    %dma_wait3A_329 = arith.constant 0 : i32
    %dma_wait3A_330 = tpu.memref_slice %arg10[%dma_wait3A_328, %dma_wait3A_329] : memref<10000x128xf32, #tpu.memory_space<vmem_shared>> -> memref<10000x128xf32, #tpu.memory_space<vmem_shared>>
    %dma_wait3A_331 = tpu.memref_slice %arg8[%dma_wait3A_320] : memref<3x!tpu.dma_semaphore, #tpu.memory_space<semaphore_mem>> -> memref<1x!tpu.dma_semaphore, #tpu.memory_space<semaphore_mem>>
    %dma_wait3A_332 = tpu.memref_squeeze %dma_wait3A_331 : memref<1x!tpu.dma_semaphore, #tpu.memory_space<semaphore_mem>> -> memref<!tpu.dma_semaphore, #tpu.memory_space<semaphore_mem>>
    tpu.wait_indirect_dma semaphore(%dma_wait3A_332 : memref<!tpu.dma_semaphore, #tpu.memory_space<semaphore_mem>>) src(%dma_wait3A_324 : memref<80x128xf32, #tpu.memory_space<vmem>>) dst(%dma_wait3A_330 : memref<10000x128xf32, #tpu.memory_space<vmem_shared>>)
    %dma_wait3A_333 = arith.constant 1 : i32
    %dma_wait3A_334 = arith.constant 1 : i32
    %dma_wait3A_335 = arith.constant 124 : i32
    %dma_wait3A_336 = arith.constant 1 : i32
    %dma_wait3A_337 = arith.constant 0 : i32
    %dma_wait3A_338 = arith.constant 0 : i32
    %dma_wait3A_339 = tpu.memref_slice %arg6[%dma_wait3A_333, %dma_wait3A_337, %dma_wait3A_338] : memref<3x80x128xf32, #tpu.memory_space<vmem>> -> memref<1x80x128xf32, #tpu.memory_space<vmem>>
    %dma_wait3A_340 = tpu.memref_squeeze %dma_wait3A_339 : memref<1x80x128xf32, #tpu.memory_space<vmem>> -> memref<80x128xf32, #tpu.memory_space<vmem>>
    %dma_wait3A_341 = arith.constant 0 : i32
    %dma_wait3A_342 = tpu.memref_slice %arg5[%dma_wait3A_334, %dma_wait3A_335, %dma_wait3A_341] : memref<2x125x80xi32, #tpu.memory_space<vmem>> -> memref<1x1x80xi32, #tpu.memory_space<vmem>>
    %dma_wait3A_343 = tpu.memref_squeeze %dma_wait3A_342 : memref<1x1x80xi32, #tpu.memory_space<vmem>> -> memref<80xi32, #tpu.memory_space<vmem>>
    %dma_wait3A_344 = arith.constant 0 : i32
    %dma_wait3A_345 = arith.constant 0 : i32
    %dma_wait3A_346 = tpu.memref_slice %arg10[%dma_wait3A_344, %dma_wait3A_345] : memref<10000x128xf32, #tpu.memory_space<vmem_shared>> -> memref<10000x128xf32, #tpu.memory_space<vmem_shared>>
    %dma_wait3A_347 = tpu.memref_slice %arg8[%dma_wait3A_336] : memref<3x!tpu.dma_semaphore, #tpu.memory_space<semaphore_mem>> -> memref<1x!tpu.dma_semaphore, #tpu.memory_space<semaphore_mem>>
    %dma_wait3A_348 = tpu.memref_squeeze %dma_wait3A_347 : memref<1x!tpu.dma_semaphore, #tpu.memory_space<semaphore_mem>> -> memref<!tpu.dma_semaphore, #tpu.memory_space<semaphore_mem>>
    tpu.wait_indirect_dma semaphore(%dma_wait3A_348 : memref<!tpu.dma_semaphore, #tpu.memory_space<semaphore_mem>>) src(%dma_wait3A_340 : memref<80x128xf32, #tpu.memory_space<vmem>>) dst(%dma_wait3A_346 : memref<10000x128xf32, #tpu.memory_space<vmem_shared>>)
    %barrier3A_349 = arith.constant 0 : index
    tpu.barrier barrier_id(%barrier3A_349)
    %mul3A_350 = arith.constant 625 : i32
    %mul3A_351 = arith.muli %arg1, %mul3A_350 : i32
    %mul3A_352 = arith.constant 625 : i32
    %mul3A_353 = arith.muli %arg1, %mul3A_352 : i32
    "tpu.region"() ({
      %run_scoped3A = tpu.sem_alloc : memref<!tpu.dma_semaphore, #tpu.memory_space<semaphore_mem>>
      %dma_start3A_354 = arith.constant 0 : i32
      %dma_start3A_355 = tpu.memref_slice %arg4[%arg0, %mul3A_353, %dma_start3A_354] : memref<2x10240x128xf32, #tpu.memory_space<hbm>> -> memref<1x625x128xf32, #tpu.memory_space<hbm>>
      %dma_start3A_356 = tpu.memref_squeeze %dma_start3A_355 : memref<1x625x128xf32, #tpu.memory_space<hbm>> -> memref<625x128xf32, #tpu.memory_space<hbm>>
      %dma_start3A_357 = arith.constant 0 : i32
      %dma_start3A_358 = tpu.memref_slice %arg10[%mul3A_351, %dma_start3A_357] : memref<10000x128xf32, #tpu.memory_space<vmem_shared>> -> memref<625x128xf32, #tpu.memory_space<vmem_shared>>
      tpu.enqueue_dma source(%dma_start3A_358 : memref<625x128xf32, #tpu.memory_space<vmem_shared>>) target(%dma_start3A_356 : memref<625x128xf32, #tpu.memory_space<hbm>>) target_semaphore(%run_scoped3A : memref<!tpu.dma_semaphore, #tpu.memory_space<semaphore_mem>>)
      %dma_wait3A_359 = arith.constant 0 : i32
      %dma_wait3A_360 = tpu.memref_slice %arg4[%arg0, %mul3A_353, %dma_wait3A_359] : memref<2x10240x128xf32, #tpu.memory_space<hbm>> -> memref<1x625x128xf32, #tpu.memory_space<hbm>>
      %dma_wait3A_361 = tpu.memref_squeeze %dma_wait3A_360 : memref<1x625x128xf32, #tpu.memory_space<hbm>> -> memref<625x128xf32, #tpu.memory_space<hbm>>
      %dma_wait3A_362 = arith.constant 0 : i32
      %dma_wait3A_363 = tpu.memref_slice %arg10[%mul3A_351, %dma_wait3A_362] : memref<10000x128xf32, #tpu.memory_space<vmem_shared>> -> memref<625x128xf32, #tpu.memory_space<vmem_shared>>
      tpu.wait_dma2 semaphore(%run_scoped3A : memref<!tpu.dma_semaphore, #tpu.memory_space<semaphore_mem>>) src(%dma_wait3A_363 : memref<625x128xf32, #tpu.memory_space<vmem_shared>>) dst(%dma_wait3A_361 : memref<625x128xf32, #tpu.memory_space<hbm>>)
      tpu.yield
    }) : () -> ()
    return
  }
}

#map = affine_map<(d0, d1) -> (0, 0, 0, 0)>
#map1 = affine_map<(d0, d1) -> (0, 0)>
#map2 = affine_map<(d0, d1) -> (0, 0, 0)>
module attributes {stable_mosaic.version = 14 : i64} {
  func.func @body(%arg0: i32, %arg1: i32, %arg2: memref<32x2x125x80xi32, #tpu.memory_space<hbm>>, %arg3: memref<10240x128xf32, #tpu.memory_space<hbm>>, %arg4: memref<2x10240x128xf32, #tpu.memory_space<hbm>>, %arg5: memref<2x125x80xi32, #tpu.memory_space<vmem>>, %arg6: memref<3x80x128xf32, #tpu.memory_space<vmem>>, %arg7: memref<3x!tpu.dma_semaphore, #tpu.memory_space<semaphore_mem>>, %arg8: memref<3x!tpu.dma_semaphore, #tpu.memory_space<semaphore_mem>>, %arg9: memref<!tpu.dma_semaphore, #tpu.memory_space<semaphore_mem>>, %arg10: memref<10000x128xf32, #tpu.memory_space<vmem_shared>>) attributes {dimension_semantics = [#tpu.dimension_semantics<core_parallel>, #tpu.dimension_semantics<subcore_parallel>], iteration_bounds = array<i64: 2, 16>, scalar_prefetch = 0 : i64, scratch_operands = 6 : i64, tpu.core_type = #tpu.core_type<sc_vector_subcore>, window_params = [{transform_indices = #map}, {transform_indices = #map1}, {transform_indices = #map2}]} {
    %mul3A = arith.constant 2 : i32
    %mul3A_0 = arith.muli %arg1, %mul3A : i32
    %add3A = arith.addi %mul3A_0, %arg0 : i32
    %scan3A = arith.constant 0 : i32
    %scan3A_1 = arith.constant 0 : i32
    %scan3A_2 = arith.constant 5 : i32
    %scan3A_3 = arith.addi %scan3A_1, %scan3A_2 : i32
    %scan3A_4 = arith.constant 1 : i32
    %scan3A_5 = scf.for %scan3A_354 = %scan3A_1 to %scan3A_3 step %scan3A_4 iter_args(%scan3A_355 = %scan3A) -> (i32)  : i32 {
      %mul3A_356 = arith.constant 25 : i32
      %mul3A_357 = arith.muli %scan3A_354, %mul3A_356 : i32
      %mul3A_358 = arith.constant 25 : i32
      %mul3A_359 = arith.muli %scan3A_354, %mul3A_358 : i32
      "tpu.region"() ({
        %run_scoped3A = tpu.sem_alloc : memref<!tpu.dma_semaphore, #tpu.memory_space<semaphore_mem>>
        %dma_start3A_361 = arith.constant 0 : i32
        %dma_start3A_362 = arith.constant 0 : i32
        %dma_start3A_363 = tpu.memref_slice %arg5[%dma_start3A_361, %mul3A_359, %dma_start3A_362] : memref<2x125x80xi32, #tpu.memory_space<vmem>> -> memref<2x25x80xi32, #tpu.memory_space<vmem>>
        %dma_start3A_364 = arith.constant 0 : i32
        %dma_start3A_365 = arith.constant 0 : i32
        %dma_start3A_366 = tpu.memref_slice %arg2[%add3A, %dma_start3A_364, %mul3A_357, %dma_start3A_365] : memref<32x2x125x80xi32, #tpu.memory_space<hbm>> -> memref<1x2x25x80xi32, #tpu.memory_space<hbm>>
        %dma_start3A_367 = tpu.memref_squeeze %dma_start3A_366 : memref<1x2x25x80xi32, #tpu.memory_space<hbm>> -> memref<2x25x80xi32, #tpu.memory_space<hbm>>
        %dma_start3A_368 = arith.constant 0 : i32
        %dma_start3A_369 = arith.constant 0 : i32
        %dma_start3A_370 = tpu.memref_slice %arg5[%dma_start3A_368, %mul3A_359, %dma_start3A_369] : memref<2x125x80xi32, #tpu.memory_space<vmem>> -> memref<2x25x80xi32, #tpu.memory_space<vmem>>
        %dma_start3A_371 = arith.constant 0 : i32
        %dma_start3A_372 = arith.constant 0 : i32
        %dma_start3A_373 = tpu.memref_slice %arg2[%add3A, %dma_start3A_371, %mul3A_357, %dma_start3A_372] : memref<32x2x125x80xi32, #tpu.memory_space<hbm>> -> memref<1x2x25x80xi32, #tpu.memory_space<hbm>>
        %dma_start3A_374 = tpu.memref_squeeze %dma_start3A_373 : memref<1x2x25x80xi32, #tpu.memory_space<hbm>> -> memref<2x25x80xi32, #tpu.memory_space<hbm>>
        tpu.enqueue_dma source(%dma_start3A_374 : memref<2x25x80xi32, #tpu.memory_space<hbm>>) target(%dma_start3A_370 : memref<2x25x80xi32, #tpu.memory_space<vmem>>) target_semaphore(%run_scoped3A : memref<!tpu.dma_semaphore, #tpu.memory_space<semaphore_mem>>)
        %dma_wait3A_375 = arith.constant 0 : i32
        %dma_wait3A_376 = arith.constant 0 : i32
        %dma_wait3A_377 = tpu.memref_slice %arg5[%dma_wait3A_375, %mul3A_359, %dma_wait3A_376] : memref<2x125x80xi32, #tpu.memory_space<vmem>> -> memref<2x25x80xi32, #tpu.memory_space<vmem>>
        %dma_wait3A_378 = arith.constant 0 : i32
        %dma_wait3A_379 = arith.constant 0 : i32
        %dma_wait3A_380 = tpu.memref_slice %arg2[%add3A, %dma_wait3A_378, %mul3A_357, %dma_wait3A_379] : memref<32x2x125x80xi32, #tpu.memory_space<hbm>> -> memref<1x2x25x80xi32, #tpu.memory_space<hbm>>
        %dma_wait3A_381 = tpu.memref_squeeze %dma_wait3A_380 : memref<1x2x25x80xi32, #tpu.memory_space<hbm>> -> memref<2x25x80xi32, #tpu.memory_space<hbm>>
        %dma_wait3A_382 = arith.constant 0 : i32
        %dma_wait3A_383 = arith.constant 0 : i32
        %dma_wait3A_384 = tpu.memref_slice %arg5[%dma_wait3A_382, %mul3A_359, %dma_wait3A_383] : memref<2x125x80xi32, #tpu.memory_space<vmem>> -> memref<2x25x80xi32, #tpu.memory_space<vmem>>
        %dma_wait3A_385 = arith.constant 0 : i32
        %dma_wait3A_386 = arith.constant 0 : i32
        %dma_wait3A_387 = tpu.memref_slice %arg2[%add3A, %dma_wait3A_385, %mul3A_357, %dma_wait3A_386] : memref<32x2x125x80xi32, #tpu.memory_space<hbm>> -> memref<1x2x25x80xi32, #tpu.memory_space<hbm>>
        %dma_wait3A_388 = tpu.memref_squeeze %dma_wait3A_387 : memref<1x2x25x80xi32, #tpu.memory_space<hbm>> -> memref<2x25x80xi32, #tpu.memory_space<hbm>>
        tpu.wait_dma2 semaphore(%run_scoped3A : memref<!tpu.dma_semaphore, #tpu.memory_space<semaphore_mem>>) src(%dma_wait3A_388 : memref<2x25x80xi32, #tpu.memory_space<hbm>>) dst(%dma_wait3A_384 : memref<2x25x80xi32, #tpu.memory_space<vmem>>)
        tpu.yield
      }) : () -> ()
      %scan3A_360 = arith.constant 0 : i32
      scf.yield %scan3A_360 : i32
    }
    %scan3A_6 = arith.constant 5 : i32
    %broadcast_in_dim3A = arith.constant 0.000000e+00 : f32
    %broadcast_in_dim3A_7 = vector.broadcast %broadcast_in_dim3A : f32 to vector<16xf32>
    %broadcast_in_dim3A_8 = arith.constant 1.000000e+00 : f32
    %broadcast_in_dim3A_9 = vector.broadcast %broadcast_in_dim3A_8 : f32 to vector<16xf32>
    %scan3A_10 = arith.constant 0 : i32
    %scan3A_11 = arith.constant 0 : i32
    %scan3A_12 = arith.constant 640 : i32
    %scan3A_13 = arith.addi %scan3A_11, %scan3A_12 : i32
    %scan3A_14 = arith.constant 1 : i32
    %scan3A_15 = scf.for %scan3A_354 = %scan3A_11 to %scan3A_13 step %scan3A_14 iter_args(%scan3A_355 = %scan3A_10) -> (i32)  : i32 {
      %jit3A = arith.constant 8 : i32
      %div3A = arith.divsi %scan3A_354, %jit3A : i32
      %sign3A = arith.constant 0 : i32
      %sign3A_356 = arith.cmpi sgt, %scan3A_354, %sign3A : i32
      %sign3A_357 = arith.extui %sign3A_356 : i1 to i32
      %sign3A_358 = arith.constant 0 : i32
      %sign3A_359 = arith.cmpi slt, %scan3A_354, %sign3A_358 : i32
      %sign3A_360 = arith.extui %sign3A_359 : i1 to i32
      %sign3A_361 = arith.subi %sign3A_357, %sign3A_360 : i32
      %sign3A_362 = arith.constant 0 : i32
      %sign3A_363 = arith.cmpi sgt, %jit3A, %sign3A_362 : i32
      %sign3A_364 = arith.extui %sign3A_363 : i1 to i32
      %sign3A_365 = arith.constant 0 : i32
      %sign3A_366 = arith.cmpi slt, %jit3A, %sign3A_365 : i32
      %sign3A_367 = arith.extui %sign3A_366 : i1 to i32
      %sign3A_368 = arith.subi %sign3A_364, %sign3A_367 : i32
      %ne3A = arith.cmpi ne, %sign3A_361, %sign3A_368 : i32
      %rem3A = arith.remsi %scan3A_354, %jit3A : i32
      %ne3A_369 = arith.constant 0 : i32
      %ne3A_370 = arith.cmpi ne, %rem3A, %ne3A_369 : i32
      %and3A = arith.andi %ne3A, %ne3A_370 : i1
      %sub3A = arith.constant 1 : i32
      %sub3A_371 = arith.subi %div3A, %sub3A : i32
      %select_n3A = arith.select %and3A, %sub3A_371, %div3A : i32
      %jit3A_372 = arith.constant 8 : i32
      %eq3A = arith.constant 0 : i32
      %eq3A_373 = arith.cmpi eq, %jit3A_372, %eq3A : i32
      %jit3A_374 = arith.constant 1 : i32
      %select_n3A_375 = arith.select %eq3A_373, %jit3A_374, %jit3A_372 : i32
      %rem3A_376 = arith.remsi %scan3A_354, %select_n3A_375 : i32
      %ne3A_377 = arith.constant 0 : i32
      %ne3A_378 = arith.cmpi ne, %rem3A_376, %ne3A_377 : i32
      %lt3A = arith.constant 0 : i32
      %lt3A_379 = arith.cmpi slt, %rem3A_376, %lt3A : i32
      %lt3A_380 = arith.constant 0 : i32
      %lt3A_381 = arith.cmpi slt, %select_n3A_375, %lt3A_380 : i32
      %ne3A_382 = arith.xori %lt3A_379, %lt3A_381 : i1
      %and3A_383 = arith.andi %ne3A_382, %ne3A_378 : i1
      %add3A_384 = arith.addi %rem3A_376, %select_n3A_375 : i32
      %select_n3A_385 = arith.select %and3A_383, %add3A_384, %rem3A_376 : i32
      %mul3A_386 = arith.constant 16 : i32
      %mul3A_387 = arith.muli %select_n3A_385, %mul3A_386 : i32
      %swap3A = arith.constant 0 : i32
      %swap3A_388 = arith.index_cast %swap3A : i32 to index
      %swap3A_389 = arith.index_cast %select_n3A : i32 to index
      %swap3A_390 = arith.index_cast %mul3A_387 : i32 to index
      %swap3A_391 = tpu.vector_load %arg6[%swap3A_388, %swap3A_389, %swap3A_390] {strides = array<i32>} : memref<3x80x128xf32, #tpu.memory_space<vmem>>, vector<16xf32>,
      tpu.vector_store %arg6[%swap3A_388, %swap3A_389, %swap3A_390], %broadcast_in_dim3A_7 {strides = array<i32>} : memref<3x80x128xf32, #tpu.memory_space<vmem>>, vector<16xf32>,
      %scan3A_392 = arith.constant 0 : i32
      scf.yield %scan3A_392 : i32
    }
    %scan3A_16 = arith.constant 640 : i32
    %mul3A_17 = arith.constant 625 : i32
    %mul3A_18 = arith.muli %arg1, %mul3A_17 : i32
    %add3A_19 = arith.constant 0 : i32
    %add3A_20 = arith.addi %mul3A_18, %add3A_19 : i32
    %dma_start3A = arith.constant 0 : i32
    %dma_start3A_21 = arith.constant 0 : i32
    %dma_start3A_22 = arith.constant 0 : i32
    %dma_start3A_23 = tpu.memref_slice %arg6[%dma_start3A, %dma_start3A_21, %dma_start3A_22] : memref<3x80x128xf32, #tpu.memory_space<vmem>> -> memref<1x80x128xf32, #tpu.memory_space<vmem>>
    %dma_start3A_24 = tpu.memref_squeeze %dma_start3A_23 : memref<1x80x128xf32, #tpu.memory_space<vmem>> -> memref<80x128xf32, #tpu.memory_space<vmem>>
    %dma_start3A_25 = arith.constant 0 : i32
    %dma_start3A_26 = tpu.memref_slice %arg10[%add3A_20, %dma_start3A_25] : memref<10000x128xf32, #tpu.memory_space<vmem_shared>> -> memref<80x128xf32, #tpu.memory_space<vmem_shared>>
    %dma_start3A_27 = arith.constant 0 : i32
    %dma_start3A_28 = tpu.memref_slice %arg10[%add3A_20, %dma_start3A_27] : memref<10000x128xf32, #tpu.memory_space<vmem_shared>> -> memref<80x128xf32, #tpu.memory_space<vmem_shared>>
    %dma_start3A_29 = arith.constant 0 : i32
    %dma_start3A_30 = arith.constant 0 : i32
    %dma_start3A_31 = tpu.memref_slice %arg6[%dma_start3A, %dma_start3A_29, %dma_start3A_30] : memref<3x80x128xf32, #tpu.memory_space<vmem>> -> memref<1x80x128xf32, #tpu.memory_space<vmem>>
    %dma_start3A_32 = tpu.memref_squeeze %dma_start3A_31 : memref<1x80x128xf32, #tpu.memory_space<vmem>> -> memref<80x128xf32, #tpu.memory_space<vmem>>
    tpu.enqueue_dma source(%dma_start3A_32 : memref<80x128xf32, #tpu.memory_space<vmem>>) target(%dma_start3A_28 : memref<80x128xf32, #tpu.memory_space<vmem_shared>>) target_semaphore(%arg9 : memref<!tpu.dma_semaphore, #tpu.memory_space<semaphore_mem>>)
    %mul3A_33 = arith.constant 625 : i32
    %mul3A_34 = arith.muli %arg1, %mul3A_33 : i32
    %add3A_35 = arith.constant 80 : i32
    %add3A_36 = arith.addi %mul3A_34, %add3A_35 : i32
    %dma_start3A_37 = arith.constant 0 : i32
    %dma_start3A_38 = arith.constant 0 : i32
    %dma_start3A_39 = arith.constant 0 : i32
    %dma_start3A_40 = tpu.memref_slice %arg6[%dma_start3A_37, %dma_start3A_38, %dma_start3A_39] : memref<3x80x128xf32, #tpu.memory_space<vmem>> -> memref<1x80x128xf32, #tpu.memory_space<vmem>>
    %dma_start3A_41 = tpu.memref_squeeze %dma_start3A_40 : memref<1x80x128xf32, #tpu.memory_space<vmem>> -> memref<80x128xf32, #tpu.memory_space<vmem>>
    %dma_start3A_42 = arith.constant 0 : i32
    %dma_start3A_43 = tpu.memref_slice %arg10[%add3A_36, %dma_start3A_42] : memref<10000x128xf32, #tpu.memory_space<vmem_shared>> -> memref<80x128xf32, #tpu.memory_space<vmem_shared>>
    %dma_start3A_44 = arith.constant 0 : i32
    %dma_start3A_45 = tpu.memref_slice %arg10[%add3A_36, %dma_start3A_44] : memref<10000x128xf32, #tpu.memory_space<vmem_shared>> -> memref<80x128xf32, #tpu.memory_space<vmem_shared>>
    %dma_start3A_46 = arith.constant 0 : i32
    %dma_start3A_47 = arith.constant 0 : i32
    %dma_start3A_48 = tpu.memref_slice %arg6[%dma_start3A_37, %dma_start3A_46, %dma_start3A_47] : memref<3x80x128xf32, #tpu.memory_space<vmem>> -> memref<1x80x128xf32, #tpu.memory_space<vmem>>
    %dma_start3A_49 = tpu.memref_squeeze %dma_start3A_48 : memref<1x80x128xf32, #tpu.memory_space<vmem>> -> memref<80x128xf32, #tpu.memory_space<vmem>>
    tpu.enqueue_dma source(%dma_start3A_49 : memref<80x128xf32, #tpu.memory_space<vmem>>) target(%dma_start3A_45 : memref<80x128xf32, #tpu.memory_space<vmem_shared>>) target_semaphore(%arg9 : memref<!tpu.dma_semaphore, #tpu.memory_space<semaphore_mem>>)
    %mul3A_50 = arith.constant 625 : i32
    %mul3A_51 = arith.muli %arg1, %mul3A_50 : i32
    %add3A_52 = arith.constant 160 : i32
    %add3A_53 = arith.addi %mul3A_51, %add3A_52 : i32
    %dma_start3A_54 = arith.constant 0 : i32
    %dma_start3A_55 = arith.constant 0 : i32
    %dma_start3A_56 = arith.constant 0 : i32
    %dma_start3A_57 = tpu.memref_slice %arg6[%dma_start3A_54, %dma_start3A_55, %dma_start3A_56] : memref<3x80x128xf32, #tpu.memory_space<vmem>> -> memref<1x80x128xf32, #tpu.memory_space<vmem>>
    %dma_start3A_58 = tpu.memref_squeeze %dma_start3A_57 : memref<1x80x128xf32, #tpu.memory_space<vmem>> -> memref<80x128xf32, #tpu.memory_space<vmem>>
    %dma_start3A_59 = arith.constant 0 : i32
    %dma_start3A_60 = tpu.memref_slice %arg10[%add3A_53, %dma_start3A_59] : memref<10000x128xf32, #tpu.memory_space<vmem_shared>> -> memref<80x128xf32, #tpu.memory_space<vmem_shared>>
    %dma_start3A_61 = arith.constant 0 : i32
    %dma_start3A_62 = tpu.memref_slice %arg10[%add3A_53, %dma_start3A_61] : memref<10000x128xf32, #tpu.memory_space<vmem_shared>> -> memref<80x128xf32, #tpu.memory_space<vmem_shared>>
    %dma_start3A_63 = arith.constant 0 : i32
    %dma_start3A_64 = arith.constant 0 : i32
    %dma_start3A_65 = tpu.memref_slice %arg6[%dma_start3A_54, %dma_start3A_63, %dma_start3A_64] : memref<3x80x128xf32, #tpu.memory_space<vmem>> -> memref<1x80x128xf32, #tpu.memory_space<vmem>>
    %dma_start3A_66 = tpu.memref_squeeze %dma_start3A_65 : memref<1x80x128xf32, #tpu.memory_space<vmem>> -> memref<80x128xf32, #tpu.memory_space<vmem>>
    tpu.enqueue_dma source(%dma_start3A_66 : memref<80x128xf32, #tpu.memory_space<vmem>>) target(%dma_start3A_62 : memref<80x128xf32, #tpu.memory_space<vmem_shared>>) target_semaphore(%arg9 : memref<!tpu.dma_semaphore, #tpu.memory_space<semaphore_mem>>)
    %mul3A_67 = arith.constant 625 : i32
    %mul3A_68 = arith.muli %arg1, %mul3A_67 : i32
    %add3A_69 = arith.constant 240 : i32
    %add3A_70 = arith.addi %mul3A_68, %add3A_69 : i32
    %dma_start3A_71 = arith.constant 0 : i32
    %dma_start3A_72 = arith.constant 0 : i32
    %dma_start3A_73 = arith.constant 0 : i32
    %dma_start3A_74 = tpu.memref_slice %arg6[%dma_start3A_71, %dma_start3A_72, %dma_start3A_73] : memref<3x80x128xf32, #tpu.memory_space<vmem>> -> memref<1x80x128xf32, #tpu.memory_space<vmem>>
    %dma_start3A_75 = tpu.memref_squeeze %dma_start3A_74 : memref<1x80x128xf32, #tpu.memory_space<vmem>> -> memref<80x128xf32, #tpu.memory_space<vmem>>
    %dma_start3A_76 = arith.constant 0 : i32
    %dma_start3A_77 = tpu.memref_slice %arg10[%add3A_70, %dma_start3A_76] : memref<10000x128xf32, #tpu.memory_space<vmem_shared>> -> memref<80x128xf32, #tpu.memory_space<vmem_shared>>
    %dma_start3A_78 = arith.constant 0 : i32
    %dma_start3A_79 = tpu.memref_slice %arg10[%add3A_70, %dma_start3A_78] : memref<10000x128xf32, #tpu.memory_space<vmem_shared>> -> memref<80x128xf32, #tpu.memory_space<vmem_shared>>
    %dma_start3A_80 = arith.constant 0 : i32
    %dma_start3A_81 = arith.constant 0 : i32
    %dma_start3A_82 = tpu.memref_slice %arg6[%dma_start3A_71, %dma_start3A_80, %dma_start3A_81] : memref<3x80x128xf32, #tpu.memory_space<vmem>> -> memref<1x80x128xf32, #tpu.memory_space<vmem>>
    %dma_start3A_83 = tpu.memref_squeeze %dma_start3A_82 : memref<1x80x128xf32, #tpu.memory_space<vmem>> -> memref<80x128xf32, #tpu.memory_space<vmem>>
    tpu.enqueue_dma source(%dma_start3A_83 : memref<80x128xf32, #tpu.memory_space<vmem>>) target(%dma_start3A_79 : memref<80x128xf32, #tpu.memory_space<vmem_shared>>) target_semaphore(%arg9 : memref<!tpu.dma_semaphore, #tpu.memory_space<semaphore_mem>>)
    %mul3A_84 = arith.constant 625 : i32
    %mul3A_85 = arith.muli %arg1, %mul3A_84 : i32
    %add3A_86 = arith.constant 320 : i32
    %add3A_87 = arith.addi %mul3A_85, %add3A_86 : i32
    %dma_start3A_88 = arith.constant 0 : i32
    %dma_start3A_89 = arith.constant 0 : i32
    %dma_start3A_90 = arith.constant 0 : i32
    %dma_start3A_91 = tpu.memref_slice %arg6[%dma_start3A_88, %dma_start3A_89, %dma_start3A_90] : memref<3x80x128xf32, #tpu.memory_space<vmem>> -> memref<1x80x128xf32, #tpu.memory_space<vmem>>
    %dma_start3A_92 = tpu.memref_squeeze %dma_start3A_91 : memref<1x80x128xf32, #tpu.memory_space<vmem>> -> memref<80x128xf32, #tpu.memory_space<vmem>>
    %dma_start3A_93 = arith.constant 0 : i32
    %dma_start3A_94 = tpu.memref_slice %arg10[%add3A_87, %dma_start3A_93] : memref<10000x128xf32, #tpu.memory_space<vmem_shared>> -> memref<80x128xf32, #tpu.memory_space<vmem_shared>>
    %dma_start3A_95 = arith.constant 0 : i32
    %dma_start3A_96 = tpu.memref_slice %arg10[%add3A_87, %dma_start3A_95] : memref<10000x128xf32, #tpu.memory_space<vmem_shared>> -> memref<80x128xf32, #tpu.memory_space<vmem_shared>>
    %dma_start3A_97 = arith.constant 0 : i32
    %dma_start3A_98 = arith.constant 0 : i32
    %dma_start3A_99 = tpu.memref_slice %arg6[%dma_start3A_88, %dma_start3A_97, %dma_start3A_98] : memref<3x80x128xf32, #tpu.memory_space<vmem>> -> memref<1x80x128xf32, #tpu.memory_space<vmem>>
    %dma_start3A_100 = tpu.memref_squeeze %dma_start3A_99 : memref<1x80x128xf32, #tpu.memory_space<vmem>> -> memref<80x128xf32, #tpu.memory_space<vmem>>
    tpu.enqueue_dma source(%dma_start3A_100 : memref<80x128xf32, #tpu.memory_space<vmem>>) target(%dma_start3A_96 : memref<80x128xf32, #tpu.memory_space<vmem_shared>>) target_semaphore(%arg9 : memref<!tpu.dma_semaphore, #tpu.memory_space<semaphore_mem>>)
    %mul3A_101 = arith.constant 625 : i32
    %mul3A_102 = arith.muli %arg1, %mul3A_101 : i32
    %add3A_103 = arith.constant 400 : i32
    %add3A_104 = arith.addi %mul3A_102, %add3A_103 : i32
    %dma_start3A_105 = arith.constant 0 : i32
    %dma_start3A_106 = arith.constant 0 : i32
    %dma_start3A_107 = arith.constant 0 : i32
    %dma_start3A_108 = tpu.memref_slice %arg6[%dma_start3A_105, %dma_start3A_106, %dma_start3A_107] : memref<3x80x128xf32, #tpu.memory_space<vmem>> -> memref<1x80x128xf32, #tpu.memory_space<vmem>>
    %dma_start3A_109 = tpu.memref_squeeze %dma_start3A_108 : memref<1x80x128xf32, #tpu.memory_space<vmem>> -> memref<80x128xf32, #tpu.memory_space<vmem>>
    %dma_start3A_110 = arith.constant 0 : i32
    %dma_start3A_111 = tpu.memref_slice %arg10[%add3A_104, %dma_start3A_110] : memref<10000x128xf32, #tpu.memory_space<vmem_shared>> -> memref<80x128xf32, #tpu.memory_space<vmem_shared>>
    %dma_start3A_112 = arith.constant 0 : i32
    %dma_start3A_113 = tpu.memref_slice %arg10[%add3A_104, %dma_start3A_112] : memref<10000x128xf32, #tpu.memory_space<vmem_shared>> -> memref<80x128xf32, #tpu.memory_space<vmem_shared>>
    %dma_start3A_114 = arith.constant 0 : i32
    %dma_start3A_115 = arith.constant 0 : i32
    %dma_start3A_116 = tpu.memref_slice %arg6[%dma_start3A_105, %dma_start3A_114, %dma_start3A_115] : memref<3x80x128xf32, #tpu.memory_space<vmem>> -> memref<1x80x128xf32, #tpu.memory_space<vmem>>
    %dma_start3A_117 = tpu.memref_squeeze %dma_start3A_116 : memref<1x80x128xf32, #tpu.memory_space<vmem>> -> memref<80x128xf32, #tpu.memory_space<vmem>>
    tpu.enqueue_dma source(%dma_start3A_117 : memref<80x128xf32, #tpu.memory_space<vmem>>) target(%dma_start3A_113 : memref<80x128xf32, #tpu.memory_space<vmem_shared>>) target_semaphore(%arg9 : memref<!tpu.dma_semaphore, #tpu.memory_space<semaphore_mem>>)
    %mul3A_118 = arith.constant 625 : i32
    %mul3A_119 = arith.muli %arg1, %mul3A_118 : i32
    %add3A_120 = arith.constant 480 : i32
    %add3A_121 = arith.addi %mul3A_119, %add3A_120 : i32
    %dma_start3A_122 = arith.constant 0 : i32
    %dma_start3A_123 = arith.constant 0 : i32
    %dma_start3A_124 = arith.constant 0 : i32
    %dma_start3A_125 = tpu.memref_slice %arg6[%dma_start3A_122, %dma_start3A_123, %dma_start3A_124] : memref<3x80x128xf32, #tpu.memory_space<vmem>> -> memref<1x80x128xf32, #tpu.memory_space<vmem>>
    %dma_start3A_126 = tpu.memref_squeeze %dma_start3A_125 : memref<1x80x128xf32, #tpu.memory_space<vmem>> -> memref<80x128xf32, #tpu.memory_space<vmem>>
    %dma_start3A_127 = arith.constant 0 : i32
    %dma_start3A_128 = tpu.memref_slice %arg10[%add3A_121, %dma_start3A_127] : memref<10000x128xf32, #tpu.memory_space<vmem_shared>> -> memref<80x128xf32, #tpu.memory_space<vmem_shared>>
    %dma_start3A_129 = arith.constant 0 : i32
    %dma_start3A_130 = tpu.memref_slice %arg10[%add3A_121, %dma_start3A_129] : memref<10000x128xf32, #tpu.memory_space<vmem_shared>> -> memref<80x128xf32, #tpu.memory_space<vmem_shared>>
    %dma_start3A_131 = arith.constant 0 : i32
    %dma_start3A_132 = arith.constant 0 : i32
    %dma_start3A_133 = tpu.memref_slice %arg6[%dma_start3A_122, %dma_start3A_131, %dma_start3A_132] : memref<3x80x128xf32, #tpu.memory_space<vmem>> -> memref<1x80x128xf32, #tpu.memory_space<vmem>>
    %dma_start3A_134 = tpu.memref_squeeze %dma_start3A_133 : memref<1x80x128xf32, #tpu.memory_space<vmem>> -> memref<80x128xf32, #tpu.memory_space<vmem>>
    tpu.enqueue_dma source(%dma_start3A_134 : memref<80x128xf32, #tpu.memory_space<vmem>>) target(%dma_start3A_130 : memref<80x128xf32, #tpu.memory_space<vmem_shared>>) target_semaphore(%arg9 : memref<!tpu.dma_semaphore, #tpu.memory_space<semaphore_mem>>)
    %mul3A_135 = arith.constant 625 : i32
    %mul3A_136 = arith.muli %arg1, %mul3A_135 : i32
    %add3A_137 = arith.constant 560 : i32
    %add3A_138 = arith.addi %mul3A_136, %add3A_137 : i32
    %dma_start3A_139 = arith.constant 0 : i32
    %dma_start3A_140 = arith.constant 0 : i32
    %dma_start3A_141 = arith.constant 0 : i32
    %dma_start3A_142 = tpu.memref_slice %arg6[%dma_start3A_139, %dma_start3A_140, %dma_start3A_141] : memref<3x80x128xf32, #tpu.memory_space<vmem>> -> memref<1x65x128xf32, #tpu.memory_space<vmem>>
    %dma_start3A_143 = tpu.memref_squeeze %dma_start3A_142 : memref<1x65x128xf32, #tpu.memory_space<vmem>> -> memref<65x128xf32, #tpu.memory_space<vmem>>
    %dma_start3A_144 = arith.constant 0 : i32
    %dma_start3A_145 = tpu.memref_slice %arg10[%add3A_138, %dma_start3A_144] : memref<10000x128xf32, #tpu.memory_space<vmem_shared>> -> memref<65x128xf32, #tpu.memory_space<vmem_shared>>
    %dma_start3A_146 = arith.constant 0 : i32
    %dma_start3A_147 = tpu.memref_slice %arg10[%add3A_138, %dma_start3A_146] : memref<10000x128xf32, #tpu.memory_space<vmem_shared>> -> memref<65x128xf32, #tpu.memory_space<vmem_shared>>
    %dma_start3A_148 = arith.constant 0 : i32
    %dma_start3A_149 = arith.constant 0 : i32
    %dma_start3A_150 = tpu.memref_slice %arg6[%dma_start3A_139, %dma_start3A_148, %dma_start3A_149] : memref<3x80x128xf32, #tpu.memory_space<vmem>> -> memref<1x65x128xf32, #tpu.memory_space<vmem>>
    %dma_start3A_151 = tpu.memref_squeeze %dma_start3A_150 : memref<1x65x128xf32, #tpu.memory_space<vmem>> -> memref<65x128xf32, #tpu.memory_space<vmem>>
    tpu.enqueue_dma source(%dma_start3A_151 : memref<65x128xf32, #tpu.memory_space<vmem>>) target(%dma_start3A_147 : memref<65x128xf32, #tpu.memory_space<vmem_shared>>) target_semaphore(%arg9 : memref<!tpu.dma_semaphore, #tpu.memory_space<semaphore_mem>>)
    %mul3A_152 = arith.constant 625 : i32
    %mul3A_153 = arith.muli %arg1, %mul3A_152 : i32
    %add3A_154 = arith.constant 0 : i32
    %add3A_155 = arith.addi %mul3A_153, %add3A_154 : i32
    %dma_wait3A = arith.constant 0 : i32
    %dma_wait3A_156 = arith.constant 0 : i32
    %dma_wait3A_157 = arith.constant 0 : i32
    %dma_wait3A_158 = tpu.memref_slice %arg6[%dma_wait3A, %dma_wait3A_156, %dma_wait3A_157] : memref<3x80x128xf32, #tpu.memory_space<vmem>> -> memref<1x80x128xf32, #tpu.memory_space<vmem>>
    %dma_wait3A_159 = tpu.memref_squeeze %dma_wait3A_158 : memref<1x80x128xf32, #tpu.memory_space<vmem>> -> memref<80x128xf32, #tpu.memory_space<vmem>>
    %dma_wait3A_160 = arith.constant 0 : i32
    %dma_wait3A_161 = tpu.memref_slice %arg10[%add3A_155, %dma_wait3A_160] : memref<10000x128xf32, #tpu.memory_space<vmem_shared>> -> memref<80x128xf32, #tpu.memory_space<vmem_shared>>
    %dma_wait3A_162 = arith.constant 0 : i32
    %dma_wait3A_163 = tpu.memref_slice %arg10[%add3A_155, %dma_wait3A_162] : memref<10000x128xf32, #tpu.memory_space<vmem_shared>> -> memref<80x128xf32, #tpu.memory_space<vmem_shared>>
    %dma_wait3A_164 = arith.constant 0 : i32
    %dma_wait3A_165 = arith.constant 0 : i32
    %dma_wait3A_166 = tpu.memref_slice %arg6[%dma_wait3A, %dma_wait3A_164, %dma_wait3A_165] : memref<3x80x128xf32, #tpu.memory_space<vmem>> -> memref<1x80x128xf32, #tpu.memory_space<vmem>>
    %dma_wait3A_167 = tpu.memref_squeeze %dma_wait3A_166 : memref<1x80x128xf32, #tpu.memory_space<vmem>> -> memref<80x128xf32, #tpu.memory_space<vmem>>
    tpu.wait_dma2 semaphore(%arg9 : memref<!tpu.dma_semaphore, #tpu.memory_space<semaphore_mem>>) src(%dma_wait3A_167 : memref<80x128xf32, #tpu.memory_space<vmem>>) dst(%dma_wait3A_163 : memref<80x128xf32, #tpu.memory_space<vmem_shared>>)
    %mul3A_168 = arith.constant 625 : i32
    %mul3A_169 = arith.muli %arg1, %mul3A_168 : i32
    %add3A_170 = arith.constant 80 : i32
    %add3A_171 = arith.addi %mul3A_169, %add3A_170 : i32
    %dma_wait3A_172 = arith.constant 0 : i32
    %dma_wait3A_173 = arith.constant 0 : i32
    %dma_wait3A_174 = arith.constant 0 : i32
    %dma_wait3A_175 = tpu.memref_slice %arg6[%dma_wait3A_172, %dma_wait3A_173, %dma_wait3A_174] : memref<3x80x128xf32, #tpu.memory_space<vmem>> -> memref<1x80x128xf32, #tpu.memory_space<vmem>>
    %dma_wait3A_176 = tpu.memref_squeeze %dma_wait3A_175 : memref<1x80x128xf32, #tpu.memory_space<vmem>> -> memref<80x128xf32, #tpu.memory_space<vmem>>
    %dma_wait3A_177 = arith.constant 0 : i32
    %dma_wait3A_178 = tpu.memref_slice %arg10[%add3A_171, %dma_wait3A_177] : memref<10000x128xf32, #tpu.memory_space<vmem_shared>> -> memref<80x128xf32, #tpu.memory_space<vmem_shared>>
    %dma_wait3A_179 = arith.constant 0 : i32
    %dma_wait3A_180 = tpu.memref_slice %arg10[%add3A_171, %dma_wait3A_179] : memref<10000x128xf32, #tpu.memory_space<vmem_shared>> -> memref<80x128xf32, #tpu.memory_space<vmem_shared>>
    %dma_wait3A_181 = arith.constant 0 : i32
    %dma_wait3A_182 = arith.constant 0 : i32
    %dma_wait3A_183 = tpu.memref_slice %arg6[%dma_wait3A_172, %dma_wait3A_181, %dma_wait3A_182] : memref<3x80x128xf32, #tpu.memory_space<vmem>> -> memref<1x80x128xf32, #tpu.memory_space<vmem>>
    %dma_wait3A_184 = tpu.memref_squeeze %dma_wait3A_183 : memref<1x80x128xf32, #tpu.memory_space<vmem>> -> memref<80x128xf32, #tpu.memory_space<vmem>>
    tpu.wait_dma2 semaphore(%arg9 : memref<!tpu.dma_semaphore, #tpu.memory_space<semaphore_mem>>) src(%dma_wait3A_184 : memref<80x128xf32, #tpu.memory_space<vmem>>) dst(%dma_wait3A_180 : memref<80x128xf32, #tpu.memory_space<vmem_shared>>)
    %mul3A_185 = arith.constant 625 : i32
    %mul3A_186 = arith.muli %arg1, %mul3A_185 : i32
    %add3A_187 = arith.constant 160 : i32
    %add3A_188 = arith.addi %mul3A_186, %add3A_187 : i32
    %dma_wait3A_189 = arith.constant 0 : i32
    %dma_wait3A_190 = arith.constant 0 : i32
    %dma_wait3A_191 = arith.constant 0 : i32
    %dma_wait3A_192 = tpu.memref_slice %arg6[%dma_wait3A_189, %dma_wait3A_190, %dma_wait3A_191] : memref<3x80x128xf32, #tpu.memory_space<vmem>> -> memref<1x80x128xf32, #tpu.memory_space<vmem>>
    %dma_wait3A_193 = tpu.memref_squeeze %dma_wait3A_192 : memref<1x80x128xf32, #tpu.memory_space<vmem>> -> memref<80x128xf32, #tpu.memory_space<vmem>>
    %dma_wait3A_194 = arith.constant 0 : i32
    %dma_wait3A_195 = tpu.memref_slice %arg10[%add3A_188, %dma_wait3A_194] : memref<10000x128xf32, #tpu.memory_space<vmem_shared>> -> memref<80x128xf32, #tpu.memory_space<vmem_shared>>
    %dma_wait3A_196 = arith.constant 0 : i32
    %dma_wait3A_197 = tpu.memref_slice %arg10[%add3A_188, %dma_wait3A_196] : memref<10000x128xf32, #tpu.memory_space<vmem_shared>> -> memref<80x128xf32, #tpu.memory_space<vmem_shared>>
    %dma_wait3A_198 = arith.constant 0 : i32
    %dma_wait3A_199 = arith.constant 0 : i32
    %dma_wait3A_200 = tpu.memref_slice %arg6[%dma_wait3A_189, %dma_wait3A_198, %dma_wait3A_199] : memref<3x80x128xf32, #tpu.memory_space<vmem>> -> memref<1x80x128xf32, #tpu.memory_space<vmem>>
    %dma_wait3A_201 = tpu.memref_squeeze %dma_wait3A_200 : memref<1x80x128xf32, #tpu.memory_space<vmem>> -> memref<80x128xf32, #tpu.memory_space<vmem>>
    tpu.wait_dma2 semaphore(%arg9 : memref<!tpu.dma_semaphore, #tpu.memory_space<semaphore_mem>>) src(%dma_wait3A_201 : memref<80x128xf32, #tpu.memory_space<vmem>>) dst(%dma_wait3A_197 : memref<80x128xf32, #tpu.memory_space<vmem_shared>>)
    %mul3A_202 = arith.constant 625 : i32
    %mul3A_203 = arith.muli %arg1, %mul3A_202 : i32
    %add3A_204 = arith.constant 240 : i32
    %add3A_205 = arith.addi %mul3A_203, %add3A_204 : i32
    %dma_wait3A_206 = arith.constant 0 : i32
    %dma_wait3A_207 = arith.constant 0 : i32
    %dma_wait3A_208 = arith.constant 0 : i32
    %dma_wait3A_209 = tpu.memref_slice %arg6[%dma_wait3A_206, %dma_wait3A_207, %dma_wait3A_208] : memref<3x80x128xf32, #tpu.memory_space<vmem>> -> memref<1x80x128xf32, #tpu.memory_space<vmem>>
    %dma_wait3A_210 = tpu.memref_squeeze %dma_wait3A_209 : memref<1x80x128xf32, #tpu.memory_space<vmem>> -> memref<80x128xf32, #tpu.memory_space<vmem>>
    %dma_wait3A_211 = arith.constant 0 : i32
    %dma_wait3A_212 = tpu.memref_slice %arg10[%add3A_205, %dma_wait3A_211] : memref<10000x128xf32, #tpu.memory_space<vmem_shared>> -> memref<80x128xf32, #tpu.memory_space<vmem_shared>>
    %dma_wait3A_213 = arith.constant 0 : i32
    %dma_wait3A_214 = tpu.memref_slice %arg10[%add3A_205, %dma_wait3A_213] : memref<10000x128xf32, #tpu.memory_space<vmem_shared>> -> memref<80x128xf32, #tpu.memory_space<vmem_shared>>
    %dma_wait3A_215 = arith.constant 0 : i32
    %dma_wait3A_216 = arith.constant 0 : i32
    %dma_wait3A_217 = tpu.memref_slice %arg6[%dma_wait3A_206, %dma_wait3A_215, %dma_wait3A_216] : memref<3x80x128xf32, #tpu.memory_space<vmem>> -> memref<1x80x128xf32, #tpu.memory_space<vmem>>
    %dma_wait3A_218 = tpu.memref_squeeze %dma_wait3A_217 : memref<1x80x128xf32, #tpu.memory_space<vmem>> -> memref<80x128xf32, #tpu.memory_space<vmem>>
    tpu.wait_dma2 semaphore(%arg9 : memref<!tpu.dma_semaphore, #tpu.memory_space<semaphore_mem>>) src(%dma_wait3A_218 : memref<80x128xf32, #tpu.memory_space<vmem>>) dst(%dma_wait3A_214 : memref<80x128xf32, #tpu.memory_space<vmem_shared>>)
    %mul3A_219 = arith.constant 625 : i32
    %mul3A_220 = arith.muli %arg1, %mul3A_219 : i32
    %add3A_221 = arith.constant 320 : i32
    %add3A_222 = arith.addi %mul3A_220, %add3A_221 : i32
    %dma_wait3A_223 = arith.constant 0 : i32
    %dma_wait3A_224 = arith.constant 0 : i32
    %dma_wait3A_225 = arith.constant 0 : i32
    %dma_wait3A_226 = tpu.memref_slice %arg6[%dma_wait3A_223, %dma_wait3A_224, %dma_wait3A_225] : memref<3x80x128xf32, #tpu.memory_space<vmem>> -> memref<1x80x128xf32, #tpu.memory_space<vmem>>
    %dma_wait3A_227 = tpu.memref_squeeze %dma_wait3A_226 : memref<1x80x128xf32, #tpu.memory_space<vmem>> -> memref<80x128xf32, #tpu.memory_space<vmem>>
    %dma_wait3A_228 = arith.constant 0 : i32
    %dma_wait3A_229 = tpu.memref_slice %arg10[%add3A_222, %dma_wait3A_228] : memref<10000x128xf32, #tpu.memory_space<vmem_shared>> -> memref<80x128xf32, #tpu.memory_space<vmem_shared>>
    %dma_wait3A_230 = arith.constant 0 : i32
    %dma_wait3A_231 = tpu.memref_slice %arg10[%add3A_222, %dma_wait3A_230] : memref<10000x128xf32, #tpu.memory_space<vmem_shared>> -> memref<80x128xf32, #tpu.memory_space<vmem_shared>>
    %dma_wait3A_232 = arith.constant 0 : i32
    %dma_wait3A_233 = arith.constant 0 : i32
    %dma_wait3A_234 = tpu.memref_slice %arg6[%dma_wait3A_223, %dma_wait3A_232, %dma_wait3A_233] : memref<3x80x128xf32, #tpu.memory_space<vmem>> -> memref<1x80x128xf32, #tpu.memory_space<vmem>>
    %dma_wait3A_235 = tpu.memref_squeeze %dma_wait3A_234 : memref<1x80x128xf32, #tpu.memory_space<vmem>> -> memref<80x128xf32, #tpu.memory_space<vmem>>
    tpu.wait_dma2 semaphore(%arg9 : memref<!tpu.dma_semaphore, #tpu.memory_space<semaphore_mem>>) src(%dma_wait3A_235 : memref<80x128xf32, #tpu.memory_space<vmem>>) dst(%dma_wait3A_231 : memref<80x128xf32, #tpu.memory_space<vmem_shared>>)
    %mul3A_236 = arith.constant 625 : i32
    %mul3A_237 = arith.muli %arg1, %mul3A_236 : i32
    %add3A_238 = arith.constant 400 : i32
    %add3A_239 = arith.addi %mul3A_237, %add3A_238 : i32
    %dma_wait3A_240 = arith.constant 0 : i32
    %dma_wait3A_241 = arith.constant 0 : i32
    %dma_wait3A_242 = arith.constant 0 : i32
    %dma_wait3A_243 = tpu.memref_slice %arg6[%dma_wait3A_240, %dma_wait3A_241, %dma_wait3A_242] : memref<3x80x128xf32, #tpu.memory_space<vmem>> -> memref<1x80x128xf32, #tpu.memory_space<vmem>>
    %dma_wait3A_244 = tpu.memref_squeeze %dma_wait3A_243 : memref<1x80x128xf32, #tpu.memory_space<vmem>> -> memref<80x128xf32, #tpu.memory_space<vmem>>
    %dma_wait3A_245 = arith.constant 0 : i32
    %dma_wait3A_246 = tpu.memref_slice %arg10[%add3A_239, %dma_wait3A_245] : memref<10000x128xf32, #tpu.memory_space<vmem_shared>> -> memref<80x128xf32, #tpu.memory_space<vmem_shared>>
    %dma_wait3A_247 = arith.constant 0 : i32
    %dma_wait3A_248 = tpu.memref_slice %arg10[%add3A_239, %dma_wait3A_247] : memref<10000x128xf32, #tpu.memory_space<vmem_shared>> -> memref<80x128xf32, #tpu.memory_space<vmem_shared>>
    %dma_wait3A_249 = arith.constant 0 : i32
    %dma_wait3A_250 = arith.constant 0 : i32
    %dma_wait3A_251 = tpu.memref_slice %arg6[%dma_wait3A_240, %dma_wait3A_249, %dma_wait3A_250] : memref<3x80x128xf32, #tpu.memory_space<vmem>> -> memref<1x80x128xf32, #tpu.memory_space<vmem>>
    %dma_wait3A_252 = tpu.memref_squeeze %dma_wait3A_251 : memref<1x80x128xf32, #tpu.memory_space<vmem>> -> memref<80x128xf32, #tpu.memory_space<vmem>>
    tpu.wait_dma2 semaphore(%arg9 : memref<!tpu.dma_semaphore, #tpu.memory_space<semaphore_mem>>) src(%dma_wait3A_252 : memref<80x128xf32, #tpu.memory_space<vmem>>) dst(%dma_wait3A_248 : memref<80x128xf32, #tpu.memory_space<vmem_shared>>)
    %mul3A_253 = arith.constant 625 : i32
    %mul3A_254 = arith.muli %arg1, %mul3A_253 : i32
    %add3A_255 = arith.constant 480 : i32
    %add3A_256 = arith.addi %mul3A_254, %add3A_255 : i32
    %dma_wait3A_257 = arith.constant 0 : i32
    %dma_wait3A_258 = arith.constant 0 : i32
    %dma_wait3A_259 = arith.constant 0 : i32
    %dma_wait3A_260 = tpu.memref_slice %arg6[%dma_wait3A_257, %dma_wait3A_258, %dma_wait3A_259] : memref<3x80x128xf32, #tpu.memory_space<vmem>> -> memref<1x80x128xf32, #tpu.memory_space<vmem>>
    %dma_wait3A_261 = tpu.memref_squeeze %dma_wait3A_260 : memref<1x80x128xf32, #tpu.memory_space<vmem>> -> memref<80x128xf32, #tpu.memory_space<vmem>>
    %dma_wait3A_262 = arith.constant 0 : i32
    %dma_wait3A_263 = tpu.memref_slice %arg10[%add3A_256, %dma_wait3A_262] : memref<10000x128xf32, #tpu.memory_space<vmem_shared>> -> memref<80x128xf32, #tpu.memory_space<vmem_shared>>
    %dma_wait3A_264 = arith.constant 0 : i32
    %dma_wait3A_265 = tpu.memref_slice %arg10[%add3A_256, %dma_wait3A_264] : memref<10000x128xf32, #tpu.memory_space<vmem_shared>> -> memref<80x128xf32, #tpu.memory_space<vmem_shared>>
    %dma_wait3A_266 = arith.constant 0 : i32
    %dma_wait3A_267 = arith.constant 0 : i32
    %dma_wait3A_268 = tpu.memref_slice %arg6[%dma_wait3A_257, %dma_wait3A_266, %dma_wait3A_267] : memref<3x80x128xf32, #tpu.memory_space<vmem>> -> memref<1x80x128xf32, #tpu.memory_space<vmem>>
    %dma_wait3A_269 = tpu.memref_squeeze %dma_wait3A_268 : memref<1x80x128xf32, #tpu.memory_space<vmem>> -> memref<80x128xf32, #tpu.memory_space<vmem>>
    tpu.wait_dma2 semaphore(%arg9 : memref<!tpu.dma_semaphore, #tpu.memory_space<semaphore_mem>>) src(%dma_wait3A_269 : memref<80x128xf32, #tpu.memory_space<vmem>>) dst(%dma_wait3A_265 : memref<80x128xf32, #tpu.memory_space<vmem_shared>>)
    %mul3A_270 = arith.constant 625 : i32
    %mul3A_271 = arith.muli %arg1, %mul3A_270 : i32
    %add3A_272 = arith.constant 560 : i32
    %add3A_273 = arith.addi %mul3A_271, %add3A_272 : i32
    %dma_wait3A_274 = arith.constant 0 : i32
    %dma_wait3A_275 = arith.constant 0 : i32
    %dma_wait3A_276 = arith.constant 0 : i32
    %dma_wait3A_277 = tpu.memref_slice %arg6[%dma_wait3A_274, %dma_wait3A_275, %dma_wait3A_276] : memref<3x80x128xf32, #tpu.memory_space<vmem>> -> memref<1x65x128xf32, #tpu.memory_space<vmem>>
    %dma_wait3A_278 = tpu.memref_squeeze %dma_wait3A_277 : memref<1x65x128xf32, #tpu.memory_space<vmem>> -> memref<65x128xf32, #tpu.memory_space<vmem>>
    %dma_wait3A_279 = arith.constant 0 : i32
    %dma_wait3A_280 = tpu.memref_slice %arg10[%add3A_273, %dma_wait3A_279] : memref<10000x128xf32, #tpu.memory_space<vmem_shared>> -> memref<65x128xf32, #tpu.memory_space<vmem_shared>>
    %dma_wait3A_281 = arith.constant 0 : i32
    %dma_wait3A_282 = tpu.memref_slice %arg10[%add3A_273, %dma_wait3A_281] : memref<10000x128xf32, #tpu.memory_space<vmem_shared>> -> memref<65x128xf32, #tpu.memory_space<vmem_shared>>
    %dma_wait3A_283 = arith.constant 0 : i32
    %dma_wait3A_284 = arith.constant 0 : i32
    %dma_wait3A_285 = tpu.memref_slice %arg6[%dma_wait3A_274, %dma_wait3A_283, %dma_wait3A_284] : memref<3x80x128xf32, #tpu.memory_space<vmem>> -> memref<1x65x128xf32, #tpu.memory_space<vmem>>
    %dma_wait3A_286 = tpu.memref_squeeze %dma_wait3A_285 : memref<1x65x128xf32, #tpu.memory_space<vmem>> -> memref<65x128xf32, #tpu.memory_space<vmem>>
    tpu.wait_dma2 semaphore(%arg9 : memref<!tpu.dma_semaphore, #tpu.memory_space<semaphore_mem>>) src(%dma_wait3A_286 : memref<65x128xf32, #tpu.memory_space<vmem>>) dst(%dma_wait3A_282 : memref<65x128xf32, #tpu.memory_space<vmem_shared>>)
    %barrier3A = arith.constant 0 : index
    tpu.barrier barrier_id(%barrier3A)
    %scan3A_287 = arith.constant 0 : i32
    %scan3A_288 = arith.constant 0 : i32
    %scan3A_289 = arith.constant 2 : i32
    %scan3A_290 = arith.addi %scan3A_288, %scan3A_289 : i32
    %scan3A_291 = arith.constant 1 : i32
    %scan3A_292 = scf.for %scan3A_354 = %scan3A_288 to %scan3A_290 step %scan3A_291 iter_args(%scan3A_355 = %scan3A_287) -> (i32)  : i32 {
      %dma_start3A_356 = arith.constant 0 : i32
      %dma_start3A_357 = arith.constant 0 : i32
      %dma_start3A_358 = arith.constant 0 : i32
      %dma_start3A_359 = tpu.memref_slice %arg6[%scan3A_354, %dma_start3A_357, %dma_start3A_358] : memref<3x80x128xf32, #tpu.memory_space<vmem>> -> memref<1x80x128xf32, #tpu.memory_space<vmem>>
      %dma_start3A_360 = tpu.memref_squeeze %dma_start3A_359 : memref<1x80x128xf32, #tpu.memory_space<vmem>> -> memref<80x128xf32, #tpu.memory_space<vmem>>
      %dma_start3A_361 = arith.constant 0 : i32
      %dma_start3A_362 = tpu.memref_slice %arg5[%dma_start3A_356, %scan3A_354, %dma_start3A_361] : memref<2x125x80xi32, #tpu.memory_space<vmem>> -> memref<1x1x80xi32, #tpu.memory_space<vmem>>
      %dma_start3A_363 = tpu.memref_squeeze %dma_start3A_362 : memref<1x1x80xi32, #tpu.memory_space<vmem>> -> memref<80xi32, #tpu.memory_space<vmem>>
      %dma_start3A_364 = arith.constant 0 : i32
      %dma_start3A_365 = arith.constant 0 : i32
      %dma_start3A_366 = tpu.memref_slice %arg3[%dma_start3A_364, %dma_start3A_365] : memref<10240x128xf32, #tpu.memory_space<hbm>> -> memref<10240x128xf32, #tpu.memory_space<hbm>>
      %dma_start3A_367 = tpu.memref_slice %arg7[%scan3A_354] : memref<3x!tpu.dma_semaphore, #tpu.memory_space<semaphore_mem>> -> memref<1x!tpu.dma_semaphore, #tpu.memory_space<semaphore_mem>>
      %dma_start3A_368 = tpu.memref_squeeze %dma_start3A_367 : memref<1x!tpu.dma_semaphore, #tpu.memory_space<semaphore_mem>> -> memref<!tpu.dma_semaphore, #tpu.memory_space<semaphore_mem>>
      tpu.enqueue_indirect_dma source(%dma_start3A_366 : memref<10240x128xf32, #tpu.memory_space<hbm>>) target(%dma_start3A_360 : memref<80x128xf32, #tpu.memory_space<vmem>>) offsets(%dma_start3A_363 : memref<80xi32, #tpu.memory_space<vmem>>) semaphore(%dma_start3A_368 : memref<!tpu.dma_semaphore, #tpu.memory_space<semaphore_mem>>)
      %scan3A_369 = arith.constant 0 : i32
      scf.yield %scan3A_369 : i32
    }
    %scan3A_293 = arith.constant 2 : i32
    %scan3A_294 = arith.constant 0 : i32
    %scan3A_295 = arith.constant 0 : i32
    %scan3A_296 = arith.constant 125 : i32
    %scan3A_297 = arith.addi %scan3A_295, %scan3A_296 : i32
    %scan3A_298 = arith.constant 1 : i32
    %scan3A_299 = scf.for %scan3A_354 = %scan3A_295 to %scan3A_297 step %scan3A_298 iter_args(%scan3A_355 = %scan3A_294) -> (i32)  : i32 {
      %jit3A = arith.constant 3 : i32
      %eq3A = arith.constant 0 : i32
      %eq3A_356 = arith.cmpi eq, %jit3A, %eq3A : i32
      %jit3A_357 = arith.constant 1 : i32
      %select_n3A = arith.select %eq3A_356, %jit3A_357, %jit3A : i32
      %rem3A = arith.remsi %scan3A_354, %select_n3A : i32
      %ne3A = arith.constant 0 : i32
      %ne3A_358 = arith.cmpi ne, %rem3A, %ne3A : i32
      %lt3A = arith.constant 0 : i32
      %lt3A_359 = arith.cmpi slt, %rem3A, %lt3A : i32
      %lt3A_360 = arith.constant 0 : i32
      %lt3A_361 = arith.cmpi slt, %select_n3A, %lt3A_360 : i32
      %ne3A_362 = arith.xori %lt3A_359, %lt3A_361 : i1
      %and3A = arith.andi %ne3A_362, %ne3A_358 : i1
      %add3A_363 = arith.addi %rem3A, %select_n3A : i32
      %select_n3A_364 = arith.select %and3A, %add3A_363, %rem3A : i32
      %add3A_365 = arith.constant 2 : i32
      %add3A_366 = arith.addi %scan3A_354, %add3A_365 : i32
      %jit3A_367 = arith.constant 3 : i32
      %eq3A_368 = arith.constant 0 : i32
      %eq3A_369 = arith.cmpi eq, %jit3A_367, %eq3A_368 : i32
      %jit3A_370 = arith.constant 1 : i32
      %select_n3A_371 = arith.select %eq3A_369, %jit3A_370, %jit3A_367 : i32
      %rem3A_372 = arith.remsi %add3A_366, %select_n3A_371 : i32
      %ne3A_373 = arith.constant 0 : i32
      %ne3A_374 = arith.cmpi ne, %rem3A_372, %ne3A_373 : i32
      %lt3A_375 = arith.constant 0 : i32
      %lt3A_376 = arith.cmpi slt, %rem3A_372, %lt3A_375 : i32
      %lt3A_377 = arith.constant 0 : i32
      %lt3A_378 = arith.cmpi slt, %select_n3A_371, %lt3A_377 : i32
      %ne3A_379 = arith.xori %lt3A_376, %lt3A_378 : i1
      %and3A_380 = arith.andi %ne3A_379, %ne3A_374 : i1
      %add3A_381 = arith.addi %rem3A_372, %select_n3A_371 : i32
      %select_n3A_382 = arith.select %and3A_380, %add3A_381, %rem3A_372 : i32
      %ge3A = arith.constant 1 : i32
      %ge3A_383 = arith.cmpi sge, %scan3A_354, %ge3A : i32
      %lt3A_384 = arith.constant 125 : i32
      %lt3A_385 = arith.cmpi slt, %add3A_366, %lt3A_384 : i32
      %and3A_386 = arith.andi %ge3A_383, %lt3A_385 : i1
      %convert_element_type3A = arith.extui %and3A_386 : i1 to i32
      %cond3A = arith.constant 0 : i32
      %cond3A_387 = arith.cmpi ne, %convert_element_type3A, %cond3A : i32
      scf.if %cond3A_387 {
        %sub3A = arith.constant 3 : i32
        %sub3A_420 = arith.subi %add3A_366, %sub3A : i32
        %dma_wait3A_421 = arith.constant 1 : i32
        %dma_wait3A_422 = arith.constant 0 : i32
        %dma_wait3A_423 = arith.constant 0 : i32
        %dma_wait3A_424 = tpu.memref_slice %arg6[%select_n3A_382, %dma_wait3A_422, %dma_wait3A_423] : memref<3x80x128xf32, #tpu.memory_space<vmem>> -> memref<1x80x128xf32, #tpu.memory_space<vmem>>
        %dma_wait3A_425 = tpu.memref_squeeze %dma_wait3A_424 : memref<1x80x128xf32, #tpu.memory_space<vmem>> -> memref<80x128xf32, #tpu.memory_space<vmem>>
        %dma_wait3A_426 = arith.constant 0 : i32
        %dma_wait3A_427 = tpu.memref_slice %arg5[%dma_wait3A_421, %sub3A_420, %dma_wait3A_426] : memref<2x125x80xi32, #tpu.memory_space<vmem>> -> memref<1x1x80xi32, #tpu.memory_space<vmem>>
        %dma_wait3A_428 = tpu.memref_squeeze %dma_wait3A_427 : memref<1x1x80xi32, #tpu.memory_space<vmem>> -> memref<80xi32, #tpu.memory_space<vmem>>
        %dma_wait3A_429 = arith.constant 0 : i32
        %dma_wait3A_430 = arith.constant 0 : i32
        %dma_wait3A_431 = tpu.memref_slice %arg10[%dma_wait3A_429, %dma_wait3A_430] : memref<10000x128xf32, #tpu.memory_space<vmem_shared>> -> memref<10000x128xf32, #tpu.memory_space<vmem_shared>>
        %dma_wait3A_432 = tpu.memref_slice %arg8[%select_n3A_382] : memref<3x!tpu.dma_semaphore, #tpu.memory_space<semaphore_mem>> -> memref<1x!tpu.dma_semaphore, #tpu.memory_space<semaphore_mem>>
        %dma_wait3A_433 = tpu.memref_squeeze %dma_wait3A_432 : memref<1x!tpu.dma_semaphore, #tpu.memory_space<semaphore_mem>> -> memref<!tpu.dma_semaphore, #tpu.memory_space<semaphore_mem>>
        tpu.wait_indirect_dma semaphore(%dma_wait3A_433 : memref<!tpu.dma_semaphore, #tpu.memory_space<semaphore_mem>>) src(%dma_wait3A_425 : memref<80x128xf32, #tpu.memory_space<vmem>>) dst(%dma_wait3A_431 : memref<10000x128xf32, #tpu.memory_space<vmem_shared>>)
      } else {
      }
      %lt3A_388 = arith.constant 125 : i32
      %lt3A_389 = arith.cmpi slt, %add3A_366, %lt3A_388 : i32
      %convert_element_type3A_390 = arith.extui %lt3A_389 : i1 to i32
      %cond3A_391 = arith.constant 0 : i32
      %cond3A_392 = arith.cmpi ne, %convert_element_type3A_390, %cond3A_391 : i32
      scf.if %cond3A_392 {
        %dma_start3A_420 = arith.constant 0 : i32
        %dma_start3A_421 = arith.constant 0 : i32
        %dma_start3A_422 = arith.constant 0 : i32
        %dma_start3A_423 = tpu.memref_slice %arg6[%select_n3A_382, %dma_start3A_421, %dma_start3A_422] : memref<3x80x128xf32, #tpu.memory_space<vmem>> -> memref<1x80x128xf32, #tpu.memory_space<vmem>>
        %dma_start3A_424 = tpu.memref_squeeze %dma_start3A_423 : memref<1x80x128xf32, #tpu.memory_space<vmem>> -> memref<80x128xf32, #tpu.memory_space<vmem>>
        %dma_start3A_425 = arith.constant 0 : i32
        %dma_start3A_426 = tpu.memref_slice %arg5[%dma_start3A_420, %add3A_366, %dma_start3A_425] : memref<2x125x80xi32, #tpu.memory_space<vmem>> -> memref<1x1x80xi32, #tpu.memory_space<vmem>>
        %dma_start3A_427 = tpu.memref_squeeze %dma_start3A_426 : memref<1x1x80xi32, #tpu.memory_space<vmem>> -> memref<80xi32, #tpu.memory_space<vmem>>
        %dma_start3A_428 = arith.constant 0 : i32
        %dma_start3A_429 = arith.constant 0 : i32
        %dma_start3A_430 = tpu.memref_slice %arg3[%dma_start3A_428, %dma_start3A_429] : memref<10240x128xf32, #tpu.memory_space<hbm>> -> memref<10240x128xf32, #tpu.memory_space<hbm>>
        %dma_start3A_431 = tpu.memref_slice %arg7[%select_n3A_382] : memref<3x!tpu.dma_semaphore, #tpu.memory_space<semaphore_mem>> -> memref<1x!tpu.dma_semaphore, #tpu.memory_space<semaphore_mem>>
        %dma_start3A_432 = tpu.memref_squeeze %dma_start3A_431 : memref<1x!tpu.dma_semaphore, #tpu.memory_space<semaphore_mem>> -> memref<!tpu.dma_semaphore, #tpu.memory_space<semaphore_mem>>
        tpu.enqueue_indirect_dma source(%dma_start3A_430 : memref<10240x128xf32, #tpu.memory_space<hbm>>) target(%dma_start3A_424 : memref<80x128xf32, #tpu.memory_space<vmem>>) offsets(%dma_start3A_427 : memref<80xi32, #tpu.memory_space<vmem>>) semaphore(%dma_start3A_432 : memref<!tpu.dma_semaphore, #tpu.memory_space<semaphore_mem>>)
      } else {
      }
      %dma_wait3A_393 = arith.constant 0 : i32
      %dma_wait3A_394 = arith.constant 0 : i32
      %dma_wait3A_395 = arith.constant 0 : i32
      %dma_wait3A_396 = tpu.memref_slice %arg6[%select_n3A_364, %dma_wait3A_394, %dma_wait3A_395] : memref<3x80x128xf32, #tpu.memory_space<vmem>> -> memref<1x80x128xf32, #tpu.memory_space<vmem>>
      %dma_wait3A_397 = tpu.memref_squeeze %dma_wait3A_396 : memref<1x80x128xf32, #tpu.memory_space<vmem>> -> memref<80x128xf32, #tpu.memory_space<vmem>>
      %dma_wait3A_398 = arith.constant 0 : i32
      %dma_wait3A_399 = tpu.memref_slice %arg5[%dma_wait3A_393, %scan3A_354, %dma_wait3A_398] : memref<2x125x80xi32, #tpu.memory_space<vmem>> -> memref<1x1x80xi32, #tpu.memory_space<vmem>>
      %dma_wait3A_400 = tpu.memref_squeeze %dma_wait3A_399 : memref<1x1x80xi32, #tpu.memory_space<vmem>> -> memref<80xi32, #tpu.memory_space<vmem>>
      %dma_wait3A_401 = arith.constant 0 : i32
      %dma_wait3A_402 = arith.constant 0 : i32
      %dma_wait3A_403 = tpu.memref_slice %arg3[%dma_wait3A_401, %dma_wait3A_402] : memref<10240x128xf32, #tpu.memory_space<hbm>> -> memref<10240x128xf32, #tpu.memory_space<hbm>>
      %dma_wait3A_404 = tpu.memref_slice %arg7[%select_n3A_364] : memref<3x!tpu.dma_semaphore, #tpu.memory_space<semaphore_mem>> -> memref<1x!tpu.dma_semaphore, #tpu.memory_space<semaphore_mem>>
      %dma_wait3A_405 = tpu.memref_squeeze %dma_wait3A_404 : memref<1x!tpu.dma_semaphore, #tpu.memory_space<semaphore_mem>> -> memref<!tpu.dma_semaphore, #tpu.memory_space<semaphore_mem>>
      tpu.wait_indirect_dma semaphore(%dma_wait3A_405 : memref<!tpu.dma_semaphore, #tpu.memory_space<semaphore_mem>>) src(%dma_wait3A_403 : memref<10240x128xf32, #tpu.memory_space<hbm>>) dst(%dma_wait3A_397 : memref<80x128xf32, #tpu.memory_space<vmem>>)
      %dma_start3A_406 = arith.constant 1 : i32
      %dma_start3A_407 = arith.constant 0 : i32
      %dma_start3A_408 = arith.constant 0 : i32
      %dma_start3A_409 = tpu.memref_slice %arg6[%select_n3A_364, %dma_start3A_407, %dma_start3A_408] : memref<3x80x128xf32, #tpu.memory_space<vmem>> -> memref<1x80x128xf32, #tpu.memory_space<vmem>>
      %dma_start3A_410 = tpu.memref_squeeze %dma_start3A_409 : memref<1x80x128xf32, #tpu.memory_space<vmem>> -> memref<80x128xf32, #tpu.memory_space<vmem>>
      %dma_start3A_411 = arith.constant 0 : i32
      %dma_start3A_412 = tpu.memref_slice %arg5[%dma_start3A_406, %scan3A_354, %dma_start3A_411] : memref<2x125x80xi32, #tpu.memory_space<vmem>> -> memref<1x1x80xi32, #tpu.memory_space<vmem>>
      %dma_start3A_413 = tpu.memref_squeeze %dma_start3A_412 : memref<1x1x80xi32, #tpu.memory_space<vmem>> -> memref<80xi32, #tpu.memory_space<vmem>>
      %dma_start3A_414 = arith.constant 0 : i32
      %dma_start3A_415 = arith.constant 0 : i32
      %dma_start3A_416 = tpu.memref_slice %arg10[%dma_start3A_414, %dma_start3A_415] : memref<10000x128xf32, #tpu.memory_space<vmem_shared>> -> memref<10000x128xf32, #tpu.memory_space<vmem_shared>>
      %dma_start3A_417 = tpu.memref_slice %arg8[%select_n3A_364] : memref<3x!tpu.dma_semaphore, #tpu.memory_space<semaphore_mem>> -> memref<1x!tpu.dma_semaphore, #tpu.memory_space<semaphore_mem>>
      %dma_start3A_418 = tpu.memref_squeeze %dma_start3A_417 : memref<1x!tpu.dma_semaphore, #tpu.memory_space<semaphore_mem>> -> memref<!tpu.dma_semaphore, #tpu.memory_space<semaphore_mem>>
      tpu.enqueue_indirect_dma source(%dma_start3A_410 : memref<80x128xf32, #tpu.memory_space<vmem>>) target(%dma_start3A_416 : memref<10000x128xf32, #tpu.memory_space<vmem_shared>>) offsets(%dma_start3A_413 : memref<80xi32, #tpu.memory_space<vmem>>) semaphore(%dma_start3A_418 : memref<!tpu.dma_semaphore, #tpu.memory_space<semaphore_mem>>) {add = true}
      %scan3A_419 = arith.constant 0 : i32
      scf.yield %scan3A_419 : i32
    }
    %scan3A_300 = arith.constant 125 : i32
    %dma_wait3A_301 = arith.constant 2 : i32
    %dma_wait3A_302 = arith.constant 1 : i32
    %dma_wait3A_303 = arith.constant 122 : i32
    %dma_wait3A_304 = arith.constant 2 : i32
    %dma_wait3A_305 = arith.constant 0 : i32
    %dma_wait3A_306 = arith.constant 0 : i32
    %dma_wait3A_307 = tpu.memref_slice %arg6[%dma_wait3A_301, %dma_wait3A_305, %dma_wait3A_306] : memref<3x80x128xf32, #tpu.memory_space<vmem>> -> memref<1x80x128xf32, #tpu.memory_space<vmem>>
    %dma_wait3A_308 = tpu.memref_squeeze %dma_wait3A_307 : memref<1x80x128xf32, #tpu.memory_space<vmem>> -> memref<80x128xf32, #tpu.memory_space<vmem>>
    %dma_wait3A_309 = arith.constant 0 : i32
    %dma_wait3A_310 = tpu.memref_slice %arg5[%dma_wait3A_302, %dma_wait3A_303, %dma_wait3A_309] : memref<2x125x80xi32, #tpu.memory_space<vmem>> -> memref<1x1x80xi32, #tpu.memory_space<vmem>>
    %dma_wait3A_311 = tpu.memref_squeeze %dma_wait3A_310 : memref<1x1x80xi32, #tpu.memory_space<vmem>> -> memref<80xi32, #tpu.memory_space<vmem>>
    %dma_wait3A_312 = arith.constant 0 : i32
    %dma_wait3A_313 = arith.constant 0 : i32
    %dma_wait3A_314 = tpu.memref_slice %arg10[%dma_wait3A_312, %dma_wait3A_313] : memref<10000x128xf32, #tpu.memory_space<vmem_shared>> -> memref<10000x128xf32, #tpu.memory_space<vmem_shared>>
    %dma_wait3A_315 = tpu.memref_slice %arg8[%dma_wait3A_304] : memref<3x!tpu.dma_semaphore, #tpu.memory_space<semaphore_mem>> -> memref<1x!tpu.dma_semaphore, #tpu.memory_space<semaphore_mem>>
    %dma_wait3A_316 = tpu.memref_squeeze %dma_wait3A_315 : memref<1x!tpu.dma_semaphore, #tpu.memory_space<semaphore_mem>> -> memref<!tpu.dma_semaphore, #tpu.memory_space<semaphore_mem>>
    tpu.wait_indirect_dma semaphore(%dma_wait3A_316 : memref<!tpu.dma_semaphore, #tpu.memory_space<semaphore_mem>>) src(%dma_wait3A_308 : memref<80x128xf32, #tpu.memory_space<vmem>>) dst(%dma_wait3A_314 : memref<10000x128xf32, #tpu.memory_space<vmem_shared>>)
    %dma_wait3A_317 = arith.constant 0 : i32
    %dma_wait3A_318 = arith.constant 1 : i32
    %dma_wait3A_319 = arith.constant 123 : i32
    %dma_wait3A_320 = arith.constant 0 : i32
    %dma_wait3A_321 = arith.constant 0 : i32
    %dma_wait3A_322 = arith.constant 0 : i32
    %dma_wait3A_323 = tpu.memref_slice %arg6[%dma_wait3A_317, %dma_wait3A_321, %dma_wait3A_322] : memref<3x80x128xf32, #tpu.memory_space<vmem>> -> memref<1x80x128xf32, #tpu.memory_space<vmem>>
    %dma_wait3A_324 = tpu.memref_squeeze %dma_wait3A_323 : memref<1x80x128xf32, #tpu.memory_space<vmem>> -> memref<80x128xf32, #tpu.memory_space<vmem>>
    %dma_wait3A_325 = arith.constant 0 : i32
    %dma_wait3A_326 = tpu.memref_slice %arg5[%dma_wait3A_318, %dma_wait3A_319, %dma_wait3A_325] : memref<2x125x80xi32, #tpu.memory_space<vmem>> -> memref<1x1x80xi32, #tpu.memory_space<vmem>>
    %dma_wait3A_327 = tpu.memref_squeeze %dma_wait3A_326 : memref<1x1x80xi32, #tpu.memory_space<vmem>> -> memref<80xi32, #tpu.memory_space<vmem>>
    %dma_wait3A_328 = arith.constant 0 : i32
    %dma_wait3A_329 = arith.constant 0 : i32
    %dma_wait3A_330 = tpu.memref_slice %arg10[%dma_wait3A_328, %dma_wait3A_329] : memref<10000x128xf32, #tpu.memory_space<vmem_shared>> -> memref<10000x128xf32, #tpu.memory_space<vmem_shared>>
    %dma_wait3A_331 = tpu.memref_slice %arg8[%dma_wait3A_320] : memref<3x!tpu.dma_semaphore, #tpu.memory_space<semaphore_mem>> -> memref<1x!tpu.dma_semaphore, #tpu.memory_space<semaphore_mem>>
    %dma_wait3A_332 = tpu.memref_squeeze %dma_wait3A_331 : memref<1x!tpu.dma_semaphore, #tpu.memory_space<semaphore_mem>> -> memref<!tpu.dma_semaphore, #tpu.memory_space<semaphore_mem>>
    tpu.wait_indirect_dma semaphore(%dma_wait3A_332 : memref<!tpu.dma_semaphore, #tpu.memory_space<semaphore_mem>>) src(%dma_wait3A_324 : memref<80x128xf32, #tpu.memory_space<vmem>>) dst(%dma_wait3A_330 : memref<10000x128xf32, #tpu.memory_space<vmem_shared>>)
    %dma_wait3A_333 = arith.constant 1 : i32
    %dma_wait3A_334 = arith.constant 1 : i32
    %dma_wait3A_335 = arith.constant 124 : i32
    %dma_wait3A_336 = arith.constant 1 : i32
    %dma_wait3A_337 = arith.constant 0 : i32
    %dma_wait3A_338 = arith.constant 0 : i32
    %dma_wait3A_339 = tpu.memref_slice %arg6[%dma_wait3A_333, %dma_wait3A_337, %dma_wait3A_338] : memref<3x80x128xf32, #tpu.memory_space<vmem>> -> memref<1x80x128xf32, #tpu.memory_space<vmem>>
    %dma_wait3A_340 = tpu.memref_squeeze %dma_wait3A_339 : memref<1x80x128xf32, #tpu.memory_space<vmem>> -> memref<80x128xf32, #tpu.memory_space<vmem>>
    %dma_wait3A_341 = arith.constant 0 : i32
    %dma_wait3A_342 = tpu.memref_slice %arg5[%dma_wait3A_334, %dma_wait3A_335, %dma_wait3A_341] : memref<2x125x80xi32, #tpu.memory_space<vmem>> -> memref<1x1x80xi32, #tpu.memory_space<vmem>>
    %dma_wait3A_343 = tpu.memref_squeeze %dma_wait3A_342 : memref<1x1x80xi32, #tpu.memory_space<vmem>> -> memref<80xi32, #tpu.memory_space<vmem>>
    %dma_wait3A_344 = arith.constant 0 : i32
    %dma_wait3A_345 = arith.constant 0 : i32
    %dma_wait3A_346 = tpu.memref_slice %arg10[%dma_wait3A_344, %dma_wait3A_345] : memref<10000x128xf32, #tpu.memory_space<vmem_shared>> -> memref<10000x128xf32, #tpu.memory_space<vmem_shared>>
    %dma_wait3A_347 = tpu.memref_slice %arg8[%dma_wait3A_336] : memref<3x!tpu.dma_semaphore, #tpu.memory_space<semaphore_mem>> -> memref<1x!tpu.dma_semaphore, #tpu.memory_space<semaphore_mem>>
    %dma_wait3A_348 = tpu.memref_squeeze %dma_wait3A_347 : memref<1x!tpu.dma_semaphore, #tpu.memory_space<semaphore_mem>> -> memref<!tpu.dma_semaphore, #tpu.memory_space<semaphore_mem>>
    tpu.wait_indirect_dma semaphore(%dma_wait3A_348 : memref<!tpu.dma_semaphore, #tpu.memory_space<semaphore_mem>>) src(%dma_wait3A_340 : memref<80x128xf32, #tpu.memory_space<vmem>>) dst(%dma_wait3A_346 : memref<10000x128xf32, #tpu.memory_space<vmem_shared>>)
    %barrier3A_349 = arith.constant 0 : index
    tpu.barrier barrier_id(%barrier3A_349)
    %mul3A_350 = arith.constant 625 : i32
    %mul3A_351 = arith.muli %arg1, %mul3A_350 : i32
    %mul3A_352 = arith.constant 625 : i32
    %mul3A_353 = arith.muli %arg1, %mul3A_352 : i32
    "tpu.region"() ({
      %run_scoped3A = tpu.sem_alloc : memref<!tpu.dma_semaphore, #tpu.memory_space<semaphore_mem>>
      %dma_start3A_354 = arith.constant 0 : i32
      %dma_start3A_355 = tpu.memref_slice %arg4[%arg0, %mul3A_353, %dma_start3A_354] : memref<2x10240x128xf32, #tpu.memory_space<hbm>> -> memref<1x625x128xf32, #tpu.memory_space<hbm>>
      %dma_start3A_356 = tpu.memref_squeeze %dma_start3A_355 : memref<1x625x128xf32, #tpu.memory_space<hbm>> -> memref<625x128xf32, #tpu.memory_space<hbm>>
      %dma_start3A_357 = arith.constant 0 : i32
      %dma_start3A_358 = tpu.memref_slice %arg10[%mul3A_351, %dma_start3A_357] : memref<10000x128xf32, #tpu.memory_space<vmem_shared>> -> memref<625x128xf32, #tpu.memory_space<vmem_shared>>
      tpu.enqueue_dma source(%dma_start3A_358 : memref<625x128xf32, #tpu.memory_space<vmem_shared>>) target(%dma_start3A_356 : memref<625x128xf32, #tpu.memory_space<hbm>>) target_semaphore(%run_scoped3A : memref<!tpu.dma_semaphore, #tpu.memory_space<semaphore_mem>>)
      %dma_wait3A_359 = arith.constant 0 : i32
      %dma_wait3A_360 = tpu.memref_slice %arg4[%arg0, %mul3A_353, %dma_wait3A_359] : memref<2x10240x128xf32, #tpu.memory_space<hbm>> -> memref<1x625x128xf32, #tpu.memory_space<hbm>>
      %dma_wait3A_361 = tpu.memref_squeeze %dma_wait3A_360 : memref<1x625x128xf32, #tpu.memory_space<hbm>> -> memref<625x128xf32, #tpu.memory_space<hbm>>
      %dma_wait3A_362 = arith.constant 0 : i32
      %dma_wait3A_363 = tpu.memref_slice %arg10[%mul3A_351, %dma_wait3A_362] : memref<10000x128xf32, #tpu.memory_space<vmem_shared>> -> memref<625x128xf32, #tpu.memory_space<vmem_shared>>
      tpu.wait_dma2 semaphore(%run_scoped3A : memref<!tpu.dma_semaphore, #tpu.memory_space<semaphore_mem>>) src(%dma_wait3A_363 : memref<625x128xf32, #tpu.memory_space<vmem_shared>>) dst(%dma_wait3A_361 : memref<625x128xf32, #tpu.memory_space<hbm>>)
      tpu.yield
    }) : () -> ()
    return
  }
}

#map = affine_map<(d0, d1) -> (0, 0)>
module attributes {stable_mosaic.version = 14 : i64} {
  func.func @_sc_deg_body(%arg0: i32, %arg1: i32, %arg2: memref<32x10000xi32, #tpu.memory_space<hbm>>, %arg3: memref<32x10240xf32, #tpu.memory_space<hbm>>, %arg4: memref<10000xi32, #tpu.memory_space<vmem>>, %arg5: memref<10240xf32, #tpu.memory_space<vmem>>) attributes {dimension_semantics = [#tpu.dimension_semantics<core_parallel>, #tpu.dimension_semantics<subcore_parallel>], iteration_bounds = array<i64: 2, 16>, scalar_prefetch = 0 : i64, scratch_operands = 2 : i64, tpu.core_type = #tpu.core_type<sc_vector_subcore>, window_params = [{transform_indices = #map}, {transform_indices = #map}]} {
    %mul3A = arith.constant 2 : i32
    %mul3A_0 = arith.muli %arg1, %mul3A : i32
    %add3A = arith.addi %mul3A_0, %arg0 : i32
    %scan3A = arith.constant 0 : i32
    %scan3A_1 = arith.constant 0 : i32
    %scan3A_2 = arith.constant 5 : i32
    %scan3A_3 = arith.addi %scan3A_1, %scan3A_2 : i32
    %scan3A_4 = arith.constant 1 : i32
    %scan3A_5 = scf.for %scan3A_24 = %scan3A_1 to %scan3A_3 step %scan3A_4 iter_args(%scan3A_25 = %scan3A) -> (i32)  : i32 {
      %mul3A_26 = arith.constant 2000 : i32
      %mul3A_27 = arith.muli %scan3A_24, %mul3A_26 : i32
      %mul3A_28 = arith.constant 2000 : i32
      %mul3A_29 = arith.muli %scan3A_24, %mul3A_28 : i32
      "tpu.region"() ({
        %run_scoped3A = tpu.sem_alloc : memref<!tpu.dma_semaphore, #tpu.memory_space<semaphore_mem>>
        %dma_start3A = tpu.memref_slice %arg4[%mul3A_29] : memref<10000xi32, #tpu.memory_space<vmem>> -> memref<2000xi32, #tpu.memory_space<vmem>>
        %dma_start3A_31 = tpu.memref_slice %arg2[%add3A, %mul3A_27] : memref<32x10000xi32, #tpu.memory_space<hbm>> -> memref<1x2000xi32, #tpu.memory_space<hbm>>
        %dma_start3A_32 = tpu.memref_squeeze %dma_start3A_31 : memref<1x2000xi32, #tpu.memory_space<hbm>> -> memref<2000xi32, #tpu.memory_space<hbm>>
        %dma_start3A_33 = tpu.memref_slice %arg4[%mul3A_29] : memref<10000xi32, #tpu.memory_space<vmem>> -> memref<2000xi32, #tpu.memory_space<vmem>>
        %dma_start3A_34 = tpu.memref_slice %arg2[%add3A, %mul3A_27] : memref<32x10000xi32, #tpu.memory_space<hbm>> -> memref<1x2000xi32, #tpu.memory_space<hbm>>
        %dma_start3A_35 = tpu.memref_squeeze %dma_start3A_34 : memref<1x2000xi32, #tpu.memory_space<hbm>> -> memref<2000xi32, #tpu.memory_space<hbm>>
        tpu.enqueue_dma source(%dma_start3A_35 : memref<2000xi32, #tpu.memory_space<hbm>>) target(%dma_start3A_33 : memref<2000xi32, #tpu.memory_space<vmem>>) target_semaphore(%run_scoped3A : memref<!tpu.dma_semaphore, #tpu.memory_space<semaphore_mem>>)
        %dma_wait3A = tpu.memref_slice %arg4[%mul3A_29] : memref<10000xi32, #tpu.memory_space<vmem>> -> memref<2000xi32, #tpu.memory_space<vmem>>
        %dma_wait3A_36 = tpu.memref_slice %arg2[%add3A, %mul3A_27] : memref<32x10000xi32, #tpu.memory_space<hbm>> -> memref<1x2000xi32, #tpu.memory_space<hbm>>
        %dma_wait3A_37 = tpu.memref_squeeze %dma_wait3A_36 : memref<1x2000xi32, #tpu.memory_space<hbm>> -> memref<2000xi32, #tpu.memory_space<hbm>>
        %dma_wait3A_38 = tpu.memref_slice %arg4[%mul3A_29] : memref<10000xi32, #tpu.memory_space<vmem>> -> memref<2000xi32, #tpu.memory_space<vmem>>
        %dma_wait3A_39 = tpu.memref_slice %arg2[%add3A, %mul3A_27] : memref<32x10000xi32, #tpu.memory_space<hbm>> -> memref<1x2000xi32, #tpu.memory_space<hbm>>
        %dma_wait3A_40 = tpu.memref_squeeze %dma_wait3A_39 : memref<1x2000xi32, #tpu.memory_space<hbm>> -> memref<2000xi32, #tpu.memory_space<hbm>>
        tpu.wait_dma2 semaphore(%run_scoped3A : memref<!tpu.dma_semaphore, #tpu.memory_space<semaphore_mem>>) src(%dma_wait3A_40 : memref<2000xi32, #tpu.memory_space<hbm>>) dst(%dma_wait3A_38 : memref<2000xi32, #tpu.memory_space<vmem>>)
        tpu.yield
      }) : () -> ()
      %scan3A_30 = arith.constant 0 : i32
      scf.yield %scan3A_30 : i32
    }
    %scan3A_6 = arith.constant 5 : i32
    %broadcast_in_dim3A = arith.constant 0.000000e+00 : f32
    %broadcast_in_dim3A_7 = vector.broadcast %broadcast_in_dim3A : f32 to vector<16xf32>
    %broadcast_in_dim3A_8 = arith.constant 1.000000e+00 : f32
    %broadcast_in_dim3A_9 = vector.broadcast %broadcast_in_dim3A_8 : f32 to vector<16xf32>
    %scan3A_10 = arith.constant 0 : i32
    %scan3A_11 = arith.constant 0 : i32
    %scan3A_12 = arith.constant 640 : i32
    %scan3A_13 = arith.addi %scan3A_11, %scan3A_12 : i32
    %scan3A_14 = arith.constant 1 : i32
    %scan3A_15 = scf.for %scan3A_24 = %scan3A_11 to %scan3A_13 step %scan3A_14 iter_args(%scan3A_25 = %scan3A_10) -> (i32)  : i32 {
      %mul3A_26 = arith.constant 16 : i32
      %mul3A_27 = arith.muli %scan3A_24, %mul3A_26 : i32
      %swap3A = arith.index_cast %mul3A_27 : i32 to index
      %swap3A_28 = tpu.vector_load %arg5[%swap3A] {strides = array<i32>} : memref<10240xf32, #tpu.memory_space<vmem>>, vector<16xf32>,
      tpu.vector_store %arg5[%swap3A], %broadcast_in_dim3A_7 {strides = array<i32>} : memref<10240xf32, #tpu.memory_space<vmem>>, vector<16xf32>,
      %scan3A_29 = arith.constant 0 : i32
      scf.yield %scan3A_29 : i32
    }
    %scan3A_16 = arith.constant 640 : i32
    %scan3A_17 = arith.constant 0 : i32
    %scan3A_18 = arith.constant 0 : i32
    %scan3A_19 = arith.constant 625 : i32
    %scan3A_20 = arith.addi %scan3A_18, %scan3A_19 : i32
    %scan3A_21 = arith.constant 1 : i32
    %scan3A_22 = scf.for %scan3A_24 = %scan3A_18 to %scan3A_20 step %scan3A_21 iter_args(%scan3A_25 = %scan3A_17) -> (i32)  : i32 {
      %mul3A_26 = arith.constant 16 : i32
      %mul3A_27 = arith.muli %scan3A_24, %mul3A_26 : i32
      %get3A = arith.index_cast %mul3A_27 : i32 to index
      %get3A_28 = tpu.vector_load %arg4[%get3A] {strides = array<i32>} : memref<10000xi32, #tpu.memory_space<vmem>>, vector<16xi32>,
      tpu.vector_store_idx %arg5[%get3A_28], %broadcast_in_dim3A_9 {add = true} : memref<10240xf32, #tpu.memory_space<vmem>>[vector<16xi32>], vector<16xf32>,
      %scan3A_29 = arith.constant 0 : i32
      scf.yield %scan3A_29 : i32
    }
    %scan3A_23 = arith.constant 625 : i32
    "tpu.region"() ({
      %run_scoped3A = tpu.sem_alloc : memref<!tpu.dma_semaphore, #tpu.memory_space<semaphore_mem>>
      %dma_start3A = arith.constant 0 : i32
      %dma_start3A_24 = tpu.memref_slice %arg3[%add3A, %dma_start3A] : memref<32x10240xf32, #tpu.memory_space<hbm>> -> memref<1x10240xf32, #tpu.memory_space<hbm>>
      %dma_start3A_25 = tpu.memref_squeeze %dma_start3A_24 : memref<1x10240xf32, #tpu.memory_space<hbm>> -> memref<10240xf32, #tpu.memory_space<hbm>>
      %dma_start3A_26 = arith.constant 0 : i32
      %dma_start3A_27 = tpu.memref_slice %arg3[%add3A, %dma_start3A_26] : memref<32x10240xf32, #tpu.memory_space<hbm>> -> memref<1x10240xf32, #tpu.memory_space<hbm>>
      %dma_start3A_28 = tpu.memref_squeeze %dma_start3A_27 : memref<1x10240xf32, #tpu.memory_space<hbm>> -> memref<10240xf32, #tpu.memory_space<hbm>>
      tpu.enqueue_dma source(%arg5 : memref<10240xf32, #tpu.memory_space<vmem>>) target(%dma_start3A_28 : memref<10240xf32, #tpu.memory_space<hbm>>) target_semaphore(%run_scoped3A : memref<!tpu.dma_semaphore, #tpu.memory_space<semaphore_mem>>)
      %dma_wait3A = arith.constant 0 : i32
      %dma_wait3A_29 = tpu.memref_slice %arg3[%add3A, %dma_wait3A] : memref<32x10240xf32, #tpu.memory_space<hbm>> -> memref<1x10240xf32, #tpu.memory_space<hbm>>
      %dma_wait3A_30 = tpu.memref_squeeze %dma_wait3A_29 : memref<1x10240xf32, #tpu.memory_space<hbm>> -> memref<10240xf32, #tpu.memory_space<hbm>>
      %dma_wait3A_31 = arith.constant 0 : i32
      %dma_wait3A_32 = tpu.memref_slice %arg3[%add3A, %dma_wait3A_31] : memref<32x10240xf32, #tpu.memory_space<hbm>> -> memref<1x10240xf32, #tpu.memory_space<hbm>>
      %dma_wait3A_33 = tpu.memref_squeeze %dma_wait3A_32 : memref<1x10240xf32, #tpu.memory_space<hbm>> -> memref<10240xf32, #tpu.memory_space<hbm>>
      tpu.wait_dma2 semaphore(%run_scoped3A : memref<!tpu.dma_semaphore, #tpu.memory_space<semaphore_mem>>) src(%arg5 : memref<10240xf32, #tpu.memory_space<vmem>>) dst(%dma_wait3A_33 : memref<10240xf32, #tpu.memory_space<hbm>>)
      tpu.yield
    }) : () -> ()
    return
  }
}

#map = affine_map<(d0, d1) -> (0, 0, 0, 0)>
#map1 = affine_map<(d0, d1) -> (0, 0)>
#map2 = affine_map<(d0, d1) -> (0, 0, 0)>
module attributes {stable_mosaic.version = 14 : i64} {
  func.func @body(%arg0: i32, %arg1: i32, %arg2: memref<32x2x125x80xi32, #tpu.memory_space<hbm>>, %arg3: memref<10240x128xf32, #tpu.memory_space<hbm>>, %arg4: memref<2x10240x128xf32, #tpu.memory_space<hbm>>, %arg5: memref<2x125x80xi32, #tpu.memory_space<vmem>>, %arg6: memref<3x80x128xf32, #tpu.memory_space<vmem>>, %arg7: memref<3x!tpu.dma_semaphore, #tpu.memory_space<semaphore_mem>>, %arg8: memref<3x!tpu.dma_semaphore, #tpu.memory_space<semaphore_mem>>, %arg9: memref<!tpu.dma_semaphore, #tpu.memory_space<semaphore_mem>>, %arg10: memref<10000x128xf32, #tpu.memory_space<vmem_shared>>) attributes {dimension_semantics = [#tpu.dimension_semantics<core_parallel>, #tpu.dimension_semantics<subcore_parallel>], iteration_bounds = array<i64: 2, 16>, scalar_prefetch = 0 : i64, scratch_operands = 6 : i64, tpu.core_type = #tpu.core_type<sc_vector_subcore>, window_params = [{transform_indices = #map}, {transform_indices = #map1}, {transform_indices = #map2}]} {
    %mul3A = arith.constant 2 : i32
    %mul3A_0 = arith.muli %arg1, %mul3A : i32
    %add3A = arith.addi %mul3A_0, %arg0 : i32
    %scan3A = arith.constant 0 : i32
    %scan3A_1 = arith.constant 0 : i32
    %scan3A_2 = arith.constant 5 : i32
    %scan3A_3 = arith.addi %scan3A_1, %scan3A_2 : i32
    %scan3A_4 = arith.constant 1 : i32
    %scan3A_5 = scf.for %scan3A_354 = %scan3A_1 to %scan3A_3 step %scan3A_4 iter_args(%scan3A_355 = %scan3A) -> (i32)  : i32 {
      %mul3A_356 = arith.constant 25 : i32
      %mul3A_357 = arith.muli %scan3A_354, %mul3A_356 : i32
      %mul3A_358 = arith.constant 25 : i32
      %mul3A_359 = arith.muli %scan3A_354, %mul3A_358 : i32
      "tpu.region"() ({
        %run_scoped3A = tpu.sem_alloc : memref<!tpu.dma_semaphore, #tpu.memory_space<semaphore_mem>>
        %dma_start3A_361 = arith.constant 0 : i32
        %dma_start3A_362 = arith.constant 0 : i32
        %dma_start3A_363 = tpu.memref_slice %arg5[%dma_start3A_361, %mul3A_359, %dma_start3A_362] : memref<2x125x80xi32, #tpu.memory_space<vmem>> -> memref<2x25x80xi32, #tpu.memory_space<vmem>>
        %dma_start3A_364 = arith.constant 0 : i32
        %dma_start3A_365 = arith.constant 0 : i32
        %dma_start3A_366 = tpu.memref_slice %arg2[%add3A, %dma_start3A_364, %mul3A_357, %dma_start3A_365] : memref<32x2x125x80xi32, #tpu.memory_space<hbm>> -> memref<1x2x25x80xi32, #tpu.memory_space<hbm>>
        %dma_start3A_367 = tpu.memref_squeeze %dma_start3A_366 : memref<1x2x25x80xi32, #tpu.memory_space<hbm>> -> memref<2x25x80xi32, #tpu.memory_space<hbm>>
        %dma_start3A_368 = arith.constant 0 : i32
        %dma_start3A_369 = arith.constant 0 : i32
        %dma_start3A_370 = tpu.memref_slice %arg5[%dma_start3A_368, %mul3A_359, %dma_start3A_369] : memref<2x125x80xi32, #tpu.memory_space<vmem>> -> memref<2x25x80xi32, #tpu.memory_space<vmem>>
        %dma_start3A_371 = arith.constant 0 : i32
        %dma_start3A_372 = arith.constant 0 : i32
        %dma_start3A_373 = tpu.memref_slice %arg2[%add3A, %dma_start3A_371, %mul3A_357, %dma_start3A_372] : memref<32x2x125x80xi32, #tpu.memory_space<hbm>> -> memref<1x2x25x80xi32, #tpu.memory_space<hbm>>
        %dma_start3A_374 = tpu.memref_squeeze %dma_start3A_373 : memref<1x2x25x80xi32, #tpu.memory_space<hbm>> -> memref<2x25x80xi32, #tpu.memory_space<hbm>>
        tpu.enqueue_dma source(%dma_start3A_374 : memref<2x25x80xi32, #tpu.memory_space<hbm>>) target(%dma_start3A_370 : memref<2x25x80xi32, #tpu.memory_space<vmem>>) target_semaphore(%run_scoped3A : memref<!tpu.dma_semaphore, #tpu.memory_space<semaphore_mem>>)
        %dma_wait3A_375 = arith.constant 0 : i32
        %dma_wait3A_376 = arith.constant 0 : i32
        %dma_wait3A_377 = tpu.memref_slice %arg5[%dma_wait3A_375, %mul3A_359, %dma_wait3A_376] : memref<2x125x80xi32, #tpu.memory_space<vmem>> -> memref<2x25x80xi32, #tpu.memory_space<vmem>>
        %dma_wait3A_378 = arith.constant 0 : i32
        %dma_wait3A_379 = arith.constant 0 : i32
        %dma_wait3A_380 = tpu.memref_slice %arg2[%add3A, %dma_wait3A_378, %mul3A_357, %dma_wait3A_379] : memref<32x2x125x80xi32, #tpu.memory_space<hbm>> -> memref<1x2x25x80xi32, #tpu.memory_space<hbm>>
        %dma_wait3A_381 = tpu.memref_squeeze %dma_wait3A_380 : memref<1x2x25x80xi32, #tpu.memory_space<hbm>> -> memref<2x25x80xi32, #tpu.memory_space<hbm>>
        %dma_wait3A_382 = arith.constant 0 : i32
        %dma_wait3A_383 = arith.constant 0 : i32
        %dma_wait3A_384 = tpu.memref_slice %arg5[%dma_wait3A_382, %mul3A_359, %dma_wait3A_383] : memref<2x125x80xi32, #tpu.memory_space<vmem>> -> memref<2x25x80xi32, #tpu.memory_space<vmem>>
        %dma_wait3A_385 = arith.constant 0 : i32
        %dma_wait3A_386 = arith.constant 0 : i32
        %dma_wait3A_387 = tpu.memref_slice %arg2[%add3A, %dma_wait3A_385, %mul3A_357, %dma_wait3A_386] : memref<32x2x125x80xi32, #tpu.memory_space<hbm>> -> memref<1x2x25x80xi32, #tpu.memory_space<hbm>>
        %dma_wait3A_388 = tpu.memref_squeeze %dma_wait3A_387 : memref<1x2x25x80xi32, #tpu.memory_space<hbm>> -> memref<2x25x80xi32, #tpu.memory_space<hbm>>
        tpu.wait_dma2 semaphore(%run_scoped3A : memref<!tpu.dma_semaphore, #tpu.memory_space<semaphore_mem>>) src(%dma_wait3A_388 : memref<2x25x80xi32, #tpu.memory_space<hbm>>) dst(%dma_wait3A_384 : memref<2x25x80xi32, #tpu.memory_space<vmem>>)
        tpu.yield
      }) : () -> ()
      %scan3A_360 = arith.constant 0 : i32
      scf.yield %scan3A_360 : i32
    }
    %scan3A_6 = arith.constant 5 : i32
    %broadcast_in_dim3A = arith.constant 0.000000e+00 : f32
    %broadcast_in_dim3A_7 = vector.broadcast %broadcast_in_dim3A : f32 to vector<16xf32>
    %broadcast_in_dim3A_8 = arith.constant 1.000000e+00 : f32
    %broadcast_in_dim3A_9 = vector.broadcast %broadcast_in_dim3A_8 : f32 to vector<16xf32>
    %scan3A_10 = arith.constant 0 : i32
    %scan3A_11 = arith.constant 0 : i32
    %scan3A_12 = arith.constant 640 : i32
    %scan3A_13 = arith.addi %scan3A_11, %scan3A_12 : i32
    %scan3A_14 = arith.constant 1 : i32
    %scan3A_15 = scf.for %scan3A_354 = %scan3A_11 to %scan3A_13 step %scan3A_14 iter_args(%scan3A_355 = %scan3A_10) -> (i32)  : i32 {
      %jit3A = arith.constant 8 : i32
      %div3A = arith.divsi %scan3A_354, %jit3A : i32
      %sign3A = arith.constant 0 : i32
      %sign3A_356 = arith.cmpi sgt, %scan3A_354, %sign3A : i32
      %sign3A_357 = arith.extui %sign3A_356 : i1 to i32
      %sign3A_358 = arith.constant 0 : i32
      %sign3A_359 = arith.cmpi slt, %scan3A_354, %sign3A_358 : i32
      %sign3A_360 = arith.extui %sign3A_359 : i1 to i32
      %sign3A_361 = arith.subi %sign3A_357, %sign3A_360 : i32
      %sign3A_362 = arith.constant 0 : i32
      %sign3A_363 = arith.cmpi sgt, %jit3A, %sign3A_362 : i32
      %sign3A_364 = arith.extui %sign3A_363 : i1 to i32
      %sign3A_365 = arith.constant 0 : i32
      %sign3A_366 = arith.cmpi slt, %jit3A, %sign3A_365 : i32
      %sign3A_367 = arith.extui %sign3A_366 : i1 to i32
      %sign3A_368 = arith.subi %sign3A_364, %sign3A_367 : i32
      %ne3A = arith.cmpi ne, %sign3A_361, %sign3A_368 : i32
      %rem3A = arith.remsi %scan3A_354, %jit3A : i32
      %ne3A_369 = arith.constant 0 : i32
      %ne3A_370 = arith.cmpi ne, %rem3A, %ne3A_369 : i32
      %and3A = arith.andi %ne3A, %ne3A_370 : i1
      %sub3A = arith.constant 1 : i32
      %sub3A_371 = arith.subi %div3A, %sub3A : i32
      %select_n3A = arith.select %and3A, %sub3A_371, %div3A : i32
      %jit3A_372 = arith.constant 8 : i32
      %eq3A = arith.constant 0 : i32
      %eq3A_373 = arith.cmpi eq, %jit3A_372, %eq3A : i32
      %jit3A_374 = arith.constant 1 : i32
      %select_n3A_375 = arith.select %eq3A_373, %jit3A_374, %jit3A_372 : i32
      %rem3A_376 = arith.remsi %scan3A_354, %select_n3A_375 : i32
      %ne3A_377 = arith.constant 0 : i32
      %ne3A_378 = arith.cmpi ne, %rem3A_376, %ne3A_377 : i32
      %lt3A = arith.constant 0 : i32
      %lt3A_379 = arith.cmpi slt, %rem3A_376, %lt3A : i32
      %lt3A_380 = arith.constant 0 : i32
      %lt3A_381 = arith.cmpi slt, %select_n3A_375, %lt3A_380 : i32
      %ne3A_382 = arith.xori %lt3A_379, %lt3A_381 : i1
      %and3A_383 = arith.andi %ne3A_382, %ne3A_378 : i1
      %add3A_384 = arith.addi %rem3A_376, %select_n3A_375 : i32
      %select_n3A_385 = arith.select %and3A_383, %add3A_384, %rem3A_376 : i32
      %mul3A_386 = arith.constant 16 : i32
      %mul3A_387 = arith.muli %select_n3A_385, %mul3A_386 : i32
      %swap3A = arith.constant 0 : i32
      %swap3A_388 = arith.index_cast %swap3A : i32 to index
      %swap3A_389 = arith.index_cast %select_n3A : i32 to index
      %swap3A_390 = arith.index_cast %mul3A_387 : i32 to index
      %swap3A_391 = tpu.vector_load %arg6[%swap3A_388, %swap3A_389, %swap3A_390] {strides = array<i32>} : memref<3x80x128xf32, #tpu.memory_space<vmem>>, vector<16xf32>,
      tpu.vector_store %arg6[%swap3A_388, %swap3A_389, %swap3A_390], %broadcast_in_dim3A_7 {strides = array<i32>} : memref<3x80x128xf32, #tpu.memory_space<vmem>>, vector<16xf32>,
      %scan3A_392 = arith.constant 0 : i32
      scf.yield %scan3A_392 : i32
    }
    %scan3A_16 = arith.constant 640 : i32
    %mul3A_17 = arith.constant 625 : i32
    %mul3A_18 = arith.muli %arg1, %mul3A_17 : i32
    %add3A_19 = arith.constant 0 : i32
    %add3A_20 = arith.addi %mul3A_18, %add3A_19 : i32
    %dma_start3A = arith.constant 0 : i32
    %dma_start3A_21 = arith.constant 0 : i32
    %dma_start3A_22 = arith.constant 0 : i32
    %dma_start3A_23 = tpu.memref_slice %arg6[%dma_start3A, %dma_start3A_21, %dma_start3A_22] : memref<3x80x128xf32, #tpu.memory_space<vmem>> -> memref<1x80x128xf32, #tpu.memory_space<vmem>>
    %dma_start3A_24 = tpu.memref_squeeze %dma_start3A_23 : memref<1x80x128xf32, #tpu.memory_space<vmem>> -> memref<80x128xf32, #tpu.memory_space<vmem>>
    %dma_start3A_25 = arith.constant 0 : i32
    %dma_start3A_26 = tpu.memref_slice %arg10[%add3A_20, %dma_start3A_25] : memref<10000x128xf32, #tpu.memory_space<vmem_shared>> -> memref<80x128xf32, #tpu.memory_space<vmem_shared>>
    %dma_start3A_27 = arith.constant 0 : i32
    %dma_start3A_28 = tpu.memref_slice %arg10[%add3A_20, %dma_start3A_27] : memref<10000x128xf32, #tpu.memory_space<vmem_shared>> -> memref<80x128xf32, #tpu.memory_space<vmem_shared>>
    %dma_start3A_29 = arith.constant 0 : i32
    %dma_start3A_30 = arith.constant 0 : i32
    %dma_start3A_31 = tpu.memref_slice %arg6[%dma_start3A, %dma_start3A_29, %dma_start3A_30] : memref<3x80x128xf32, #tpu.memory_space<vmem>> -> memref<1x80x128xf32, #tpu.memory_space<vmem>>
    %dma_start3A_32 = tpu.memref_squeeze %dma_start3A_31 : memref<1x80x128xf32, #tpu.memory_space<vmem>> -> memref<80x128xf32, #tpu.memory_space<vmem>>
    tpu.enqueue_dma source(%dma_start3A_32 : memref<80x128xf32, #tpu.memory_space<vmem>>) target(%dma_start3A_28 : memref<80x128xf32, #tpu.memory_space<vmem_shared>>) target_semaphore(%arg9 : memref<!tpu.dma_semaphore, #tpu.memory_space<semaphore_mem>>)
    %mul3A_33 = arith.constant 625 : i32
    %mul3A_34 = arith.muli %arg1, %mul3A_33 : i32
    %add3A_35 = arith.constant 80 : i32
    %add3A_36 = arith.addi %mul3A_34, %add3A_35 : i32
    %dma_start3A_37 = arith.constant 0 : i32
    %dma_start3A_38 = arith.constant 0 : i32
    %dma_start3A_39 = arith.constant 0 : i32
    %dma_start3A_40 = tpu.memref_slice %arg6[%dma_start3A_37, %dma_start3A_38, %dma_start3A_39] : memref<3x80x128xf32, #tpu.memory_space<vmem>> -> memref<1x80x128xf32, #tpu.memory_space<vmem>>
    %dma_start3A_41 = tpu.memref_squeeze %dma_start3A_40 : memref<1x80x128xf32, #tpu.memory_space<vmem>> -> memref<80x128xf32, #tpu.memory_space<vmem>>
    %dma_start3A_42 = arith.constant 0 : i32
    %dma_start3A_43 = tpu.memref_slice %arg10[%add3A_36, %dma_start3A_42] : memref<10000x128xf32, #tpu.memory_space<vmem_shared>> -> memref<80x128xf32, #tpu.memory_space<vmem_shared>>
    %dma_start3A_44 = arith.constant 0 : i32
    %dma_start3A_45 = tpu.memref_slice %arg10[%add3A_36, %dma_start3A_44] : memref<10000x128xf32, #tpu.memory_space<vmem_shared>> -> memref<80x128xf32, #tpu.memory_space<vmem_shared>>
    %dma_start3A_46 = arith.constant 0 : i32
    %dma_start3A_47 = arith.constant 0 : i32
    %dma_start3A_48 = tpu.memref_slice %arg6[%dma_start3A_37, %dma_start3A_46, %dma_start3A_47] : memref<3x80x128xf32, #tpu.memory_space<vmem>> -> memref<1x80x128xf32, #tpu.memory_space<vmem>>
    %dma_start3A_49 = tpu.memref_squeeze %dma_start3A_48 : memref<1x80x128xf32, #tpu.memory_space<vmem>> -> memref<80x128xf32, #tpu.memory_space<vmem>>
    tpu.enqueue_dma source(%dma_start3A_49 : memref<80x128xf32, #tpu.memory_space<vmem>>) target(%dma_start3A_45 : memref<80x128xf32, #tpu.memory_space<vmem_shared>>) target_semaphore(%arg9 : memref<!tpu.dma_semaphore, #tpu.memory_space<semaphore_mem>>)
    %mul3A_50 = arith.constant 625 : i32
    %mul3A_51 = arith.muli %arg1, %mul3A_50 : i32
    %add3A_52 = arith.constant 160 : i32
    %add3A_53 = arith.addi %mul3A_51, %add3A_52 : i32
    %dma_start3A_54 = arith.constant 0 : i32
    %dma_start3A_55 = arith.constant 0 : i32
    %dma_start3A_56 = arith.constant 0 : i32
    %dma_start3A_57 = tpu.memref_slice %arg6[%dma_start3A_54, %dma_start3A_55, %dma_start3A_56] : memref<3x80x128xf32, #tpu.memory_space<vmem>> -> memref<1x80x128xf32, #tpu.memory_space<vmem>>
    %dma_start3A_58 = tpu.memref_squeeze %dma_start3A_57 : memref<1x80x128xf32, #tpu.memory_space<vmem>> -> memref<80x128xf32, #tpu.memory_space<vmem>>
    %dma_start3A_59 = arith.constant 0 : i32
    %dma_start3A_60 = tpu.memref_slice %arg10[%add3A_53, %dma_start3A_59] : memref<10000x128xf32, #tpu.memory_space<vmem_shared>> -> memref<80x128xf32, #tpu.memory_space<vmem_shared>>
    %dma_start3A_61 = arith.constant 0 : i32
    %dma_start3A_62 = tpu.memref_slice %arg10[%add3A_53, %dma_start3A_61] : memref<10000x128xf32, #tpu.memory_space<vmem_shared>> -> memref<80x128xf32, #tpu.memory_space<vmem_shared>>
    %dma_start3A_63 = arith.constant 0 : i32
    %dma_start3A_64 = arith.constant 0 : i32
    %dma_start3A_65 = tpu.memref_slice %arg6[%dma_start3A_54, %dma_start3A_63, %dma_start3A_64] : memref<3x80x128xf32, #tpu.memory_space<vmem>> -> memref<1x80x128xf32, #tpu.memory_space<vmem>>
    %dma_start3A_66 = tpu.memref_squeeze %dma_start3A_65 : memref<1x80x128xf32, #tpu.memory_space<vmem>> -> memref<80x128xf32, #tpu.memory_space<vmem>>
    tpu.enqueue_dma source(%dma_start3A_66 : memref<80x128xf32, #tpu.memory_space<vmem>>) target(%dma_start3A_62 : memref<80x128xf32, #tpu.memory_space<vmem_shared>>) target_semaphore(%arg9 : memref<!tpu.dma_semaphore, #tpu.memory_space<semaphore_mem>>)
    %mul3A_67 = arith.constant 625 : i32
    %mul3A_68 = arith.muli %arg1, %mul3A_67 : i32
    %add3A_69 = arith.constant 240 : i32
    %add3A_70 = arith.addi %mul3A_68, %add3A_69 : i32
    %dma_start3A_71 = arith.constant 0 : i32
    %dma_start3A_72 = arith.constant 0 : i32
    %dma_start3A_73 = arith.constant 0 : i32
    %dma_start3A_74 = tpu.memref_slice %arg6[%dma_start3A_71, %dma_start3A_72, %dma_start3A_73] : memref<3x80x128xf32, #tpu.memory_space<vmem>> -> memref<1x80x128xf32, #tpu.memory_space<vmem>>
    %dma_start3A_75 = tpu.memref_squeeze %dma_start3A_74 : memref<1x80x128xf32, #tpu.memory_space<vmem>> -> memref<80x128xf32, #tpu.memory_space<vmem>>
    %dma_start3A_76 = arith.constant 0 : i32
    %dma_start3A_77 = tpu.memref_slice %arg10[%add3A_70, %dma_start3A_76] : memref<10000x128xf32, #tpu.memory_space<vmem_shared>> -> memref<80x128xf32, #tpu.memory_space<vmem_shared>>
    %dma_start3A_78 = arith.constant 0 : i32
    %dma_start3A_79 = tpu.memref_slice %arg10[%add3A_70, %dma_start3A_78] : memref<10000x128xf32, #tpu.memory_space<vmem_shared>> -> memref<80x128xf32, #tpu.memory_space<vmem_shared>>
    %dma_start3A_80 = arith.constant 0 : i32
    %dma_start3A_81 = arith.constant 0 : i32
    %dma_start3A_82 = tpu.memref_slice %arg6[%dma_start3A_71, %dma_start3A_80, %dma_start3A_81] : memref<3x80x128xf32, #tpu.memory_space<vmem>> -> memref<1x80x128xf32, #tpu.memory_space<vmem>>
    %dma_start3A_83 = tpu.memref_squeeze %dma_start3A_82 : memref<1x80x128xf32, #tpu.memory_space<vmem>> -> memref<80x128xf32, #tpu.memory_space<vmem>>
    tpu.enqueue_dma source(%dma_start3A_83 : memref<80x128xf32, #tpu.memory_space<vmem>>) target(%dma_start3A_79 : memref<80x128xf32, #tpu.memory_space<vmem_shared>>) target_semaphore(%arg9 : memref<!tpu.dma_semaphore, #tpu.memory_space<semaphore_mem>>)
    %mul3A_84 = arith.constant 625 : i32
    %mul3A_85 = arith.muli %arg1, %mul3A_84 : i32
    %add3A_86 = arith.constant 320 : i32
    %add3A_87 = arith.addi %mul3A_85, %add3A_86 : i32
    %dma_start3A_88 = arith.constant 0 : i32
    %dma_start3A_89 = arith.constant 0 : i32
    %dma_start3A_90 = arith.constant 0 : i32
    %dma_start3A_91 = tpu.memref_slice %arg6[%dma_start3A_88, %dma_start3A_89, %dma_start3A_90] : memref<3x80x128xf32, #tpu.memory_space<vmem>> -> memref<1x80x128xf32, #tpu.memory_space<vmem>>
    %dma_start3A_92 = tpu.memref_squeeze %dma_start3A_91 : memref<1x80x128xf32, #tpu.memory_space<vmem>> -> memref<80x128xf32, #tpu.memory_space<vmem>>
    %dma_start3A_93 = arith.constant 0 : i32
    %dma_start3A_94 = tpu.memref_slice %arg10[%add3A_87, %dma_start3A_93] : memref<10000x128xf32, #tpu.memory_space<vmem_shared>> -> memref<80x128xf32, #tpu.memory_space<vmem_shared>>
    %dma_start3A_95 = arith.constant 0 : i32
    %dma_start3A_96 = tpu.memref_slice %arg10[%add3A_87, %dma_start3A_95] : memref<10000x128xf32, #tpu.memory_space<vmem_shared>> -> memref<80x128xf32, #tpu.memory_space<vmem_shared>>
    %dma_start3A_97 = arith.constant 0 : i32
    %dma_start3A_98 = arith.constant 0 : i32
    %dma_start3A_99 = tpu.memref_slice %arg6[%dma_start3A_88, %dma_start3A_97, %dma_start3A_98] : memref<3x80x128xf32, #tpu.memory_space<vmem>> -> memref<1x80x128xf32, #tpu.memory_space<vmem>>
    %dma_start3A_100 = tpu.memref_squeeze %dma_start3A_99 : memref<1x80x128xf32, #tpu.memory_space<vmem>> -> memref<80x128xf32, #tpu.memory_space<vmem>>
    tpu.enqueue_dma source(%dma_start3A_100 : memref<80x128xf32, #tpu.memory_space<vmem>>) target(%dma_start3A_96 : memref<80x128xf32, #tpu.memory_space<vmem_shared>>) target_semaphore(%arg9 : memref<!tpu.dma_semaphore, #tpu.memory_space<semaphore_mem>>)
    %mul3A_101 = arith.constant 625 : i32
    %mul3A_102 = arith.muli %arg1, %mul3A_101 : i32
    %add3A_103 = arith.constant 400 : i32
    %add3A_104 = arith.addi %mul3A_102, %add3A_103 : i32
    %dma_start3A_105 = arith.constant 0 : i32
    %dma_start3A_106 = arith.constant 0 : i32
    %dma_start3A_107 = arith.constant 0 : i32
    %dma_start3A_108 = tpu.memref_slice %arg6[%dma_start3A_105, %dma_start3A_106, %dma_start3A_107] : memref<3x80x128xf32, #tpu.memory_space<vmem>> -> memref<1x80x128xf32, #tpu.memory_space<vmem>>
    %dma_start3A_109 = tpu.memref_squeeze %dma_start3A_108 : memref<1x80x128xf32, #tpu.memory_space<vmem>> -> memref<80x128xf32, #tpu.memory_space<vmem>>
    %dma_start3A_110 = arith.constant 0 : i32
    %dma_start3A_111 = tpu.memref_slice %arg10[%add3A_104, %dma_start3A_110] : memref<10000x128xf32, #tpu.memory_space<vmem_shared>> -> memref<80x128xf32, #tpu.memory_space<vmem_shared>>
    %dma_start3A_112 = arith.constant 0 : i32
    %dma_start3A_113 = tpu.memref_slice %arg10[%add3A_104, %dma_start3A_112] : memref<10000x128xf32, #tpu.memory_space<vmem_shared>> -> memref<80x128xf32, #tpu.memory_space<vmem_shared>>
    %dma_start3A_114 = arith.constant 0 : i32
    %dma_start3A_115 = arith.constant 0 : i32
    %dma_start3A_116 = tpu.memref_slice %arg6[%dma_start3A_105, %dma_start3A_114, %dma_start3A_115] : memref<3x80x128xf32, #tpu.memory_space<vmem>> -> memref<1x80x128xf32, #tpu.memory_space<vmem>>
    %dma_start3A_117 = tpu.memref_squeeze %dma_start3A_116 : memref<1x80x128xf32, #tpu.memory_space<vmem>> -> memref<80x128xf32, #tpu.memory_space<vmem>>
    tpu.enqueue_dma source(%dma_start3A_117 : memref<80x128xf32, #tpu.memory_space<vmem>>) target(%dma_start3A_113 : memref<80x128xf32, #tpu.memory_space<vmem_shared>>) target_semaphore(%arg9 : memref<!tpu.dma_semaphore, #tpu.memory_space<semaphore_mem>>)
    %mul3A_118 = arith.constant 625 : i32
    %mul3A_119 = arith.muli %arg1, %mul3A_118 : i32
    %add3A_120 = arith.constant 480 : i32
    %add3A_121 = arith.addi %mul3A_119, %add3A_120 : i32
    %dma_start3A_122 = arith.constant 0 : i32
    %dma_start3A_123 = arith.constant 0 : i32
    %dma_start3A_124 = arith.constant 0 : i32
    %dma_start3A_125 = tpu.memref_slice %arg6[%dma_start3A_122, %dma_start3A_123, %dma_start3A_124] : memref<3x80x128xf32, #tpu.memory_space<vmem>> -> memref<1x80x128xf32, #tpu.memory_space<vmem>>
    %dma_start3A_126 = tpu.memref_squeeze %dma_start3A_125 : memref<1x80x128xf32, #tpu.memory_space<vmem>> -> memref<80x128xf32, #tpu.memory_space<vmem>>
    %dma_start3A_127 = arith.constant 0 : i32
    %dma_start3A_128 = tpu.memref_slice %arg10[%add3A_121, %dma_start3A_127] : memref<10000x128xf32, #tpu.memory_space<vmem_shared>> -> memref<80x128xf32, #tpu.memory_space<vmem_shared>>
    %dma_start3A_129 = arith.constant 0 : i32
    %dma_start3A_130 = tpu.memref_slice %arg10[%add3A_121, %dma_start3A_129] : memref<10000x128xf32, #tpu.memory_space<vmem_shared>> -> memref<80x128xf32, #tpu.memory_space<vmem_shared>>
    %dma_start3A_131 = arith.constant 0 : i32
    %dma_start3A_132 = arith.constant 0 : i32
    %dma_start3A_133 = tpu.memref_slice %arg6[%dma_start3A_122, %dma_start3A_131, %dma_start3A_132] : memref<3x80x128xf32, #tpu.memory_space<vmem>> -> memref<1x80x128xf32, #tpu.memory_space<vmem>>
    %dma_start3A_134 = tpu.memref_squeeze %dma_start3A_133 : memref<1x80x128xf32, #tpu.memory_space<vmem>> -> memref<80x128xf32, #tpu.memory_space<vmem>>
    tpu.enqueue_dma source(%dma_start3A_134 : memref<80x128xf32, #tpu.memory_space<vmem>>) target(%dma_start3A_130 : memref<80x128xf32, #tpu.memory_space<vmem_shared>>) target_semaphore(%arg9 : memref<!tpu.dma_semaphore, #tpu.memory_space<semaphore_mem>>)
    %mul3A_135 = arith.constant 625 : i32
    %mul3A_136 = arith.muli %arg1, %mul3A_135 : i32
    %add3A_137 = arith.constant 560 : i32
    %add3A_138 = arith.addi %mul3A_136, %add3A_137 : i32
    %dma_start3A_139 = arith.constant 0 : i32
    %dma_start3A_140 = arith.constant 0 : i32
    %dma_start3A_141 = arith.constant 0 : i32
    %dma_start3A_142 = tpu.memref_slice %arg6[%dma_start3A_139, %dma_start3A_140, %dma_start3A_141] : memref<3x80x128xf32, #tpu.memory_space<vmem>> -> memref<1x65x128xf32, #tpu.memory_space<vmem>>
    %dma_start3A_143 = tpu.memref_squeeze %dma_start3A_142 : memref<1x65x128xf32, #tpu.memory_space<vmem>> -> memref<65x128xf32, #tpu.memory_space<vmem>>
    %dma_start3A_144 = arith.constant 0 : i32
    %dma_start3A_145 = tpu.memref_slice %arg10[%add3A_138, %dma_start3A_144] : memref<10000x128xf32, #tpu.memory_space<vmem_shared>> -> memref<65x128xf32, #tpu.memory_space<vmem_shared>>
    %dma_start3A_146 = arith.constant 0 : i32
    %dma_start3A_147 = tpu.memref_slice %arg10[%add3A_138, %dma_start3A_146] : memref<10000x128xf32, #tpu.memory_space<vmem_shared>> -> memref<65x128xf32, #tpu.memory_space<vmem_shared>>
    %dma_start3A_148 = arith.constant 0 : i32
    %dma_start3A_149 = arith.constant 0 : i32
    %dma_start3A_150 = tpu.memref_slice %arg6[%dma_start3A_139, %dma_start3A_148, %dma_start3A_149] : memref<3x80x128xf32, #tpu.memory_space<vmem>> -> memref<1x65x128xf32, #tpu.memory_space<vmem>>
    %dma_start3A_151 = tpu.memref_squeeze %dma_start3A_150 : memref<1x65x128xf32, #tpu.memory_space<vmem>> -> memref<65x128xf32, #tpu.memory_space<vmem>>
    tpu.enqueue_dma source(%dma_start3A_151 : memref<65x128xf32, #tpu.memory_space<vmem>>) target(%dma_start3A_147 : memref<65x128xf32, #tpu.memory_space<vmem_shared>>) target_semaphore(%arg9 : memref<!tpu.dma_semaphore, #tpu.memory_space<semaphore_mem>>)
    %mul3A_152 = arith.constant 625 : i32
    %mul3A_153 = arith.muli %arg1, %mul3A_152 : i32
    %add3A_154 = arith.constant 0 : i32
    %add3A_155 = arith.addi %mul3A_153, %add3A_154 : i32
    %dma_wait3A = arith.constant 0 : i32
    %dma_wait3A_156 = arith.constant 0 : i32
    %dma_wait3A_157 = arith.constant 0 : i32
    %dma_wait3A_158 = tpu.memref_slice %arg6[%dma_wait3A, %dma_wait3A_156, %dma_wait3A_157] : memref<3x80x128xf32, #tpu.memory_space<vmem>> -> memref<1x80x128xf32, #tpu.memory_space<vmem>>
    %dma_wait3A_159 = tpu.memref_squeeze %dma_wait3A_158 : memref<1x80x128xf32, #tpu.memory_space<vmem>> -> memref<80x128xf32, #tpu.memory_space<vmem>>
    %dma_wait3A_160 = arith.constant 0 : i32
    %dma_wait3A_161 = tpu.memref_slice %arg10[%add3A_155, %dma_wait3A_160] : memref<10000x128xf32, #tpu.memory_space<vmem_shared>> -> memref<80x128xf32, #tpu.memory_space<vmem_shared>>
    %dma_wait3A_162 = arith.constant 0 : i32
    %dma_wait3A_163 = tpu.memref_slice %arg10[%add3A_155, %dma_wait3A_162] : memref<10000x128xf32, #tpu.memory_space<vmem_shared>> -> memref<80x128xf32, #tpu.memory_space<vmem_shared>>
    %dma_wait3A_164 = arith.constant 0 : i32
    %dma_wait3A_165 = arith.constant 0 : i32
    %dma_wait3A_166 = tpu.memref_slice %arg6[%dma_wait3A, %dma_wait3A_164, %dma_wait3A_165] : memref<3x80x128xf32, #tpu.memory_space<vmem>> -> memref<1x80x128xf32, #tpu.memory_space<vmem>>
    %dma_wait3A_167 = tpu.memref_squeeze %dma_wait3A_166 : memref<1x80x128xf32, #tpu.memory_space<vmem>> -> memref<80x128xf32, #tpu.memory_space<vmem>>
    tpu.wait_dma2 semaphore(%arg9 : memref<!tpu.dma_semaphore, #tpu.memory_space<semaphore_mem>>) src(%dma_wait3A_167 : memref<80x128xf32, #tpu.memory_space<vmem>>) dst(%dma_wait3A_163 : memref<80x128xf32, #tpu.memory_space<vmem_shared>>)
    %mul3A_168 = arith.constant 625 : i32
    %mul3A_169 = arith.muli %arg1, %mul3A_168 : i32
    %add3A_170 = arith.constant 80 : i32
    %add3A_171 = arith.addi %mul3A_169, %add3A_170 : i32
    %dma_wait3A_172 = arith.constant 0 : i32
    %dma_wait3A_173 = arith.constant 0 : i32
    %dma_wait3A_174 = arith.constant 0 : i32
    %dma_wait3A_175 = tpu.memref_slice %arg6[%dma_wait3A_172, %dma_wait3A_173, %dma_wait3A_174] : memref<3x80x128xf32, #tpu.memory_space<vmem>> -> memref<1x80x128xf32, #tpu.memory_space<vmem>>
    %dma_wait3A_176 = tpu.memref_squeeze %dma_wait3A_175 : memref<1x80x128xf32, #tpu.memory_space<vmem>> -> memref<80x128xf32, #tpu.memory_space<vmem>>
    %dma_wait3A_177 = arith.constant 0 : i32
    %dma_wait3A_178 = tpu.memref_slice %arg10[%add3A_171, %dma_wait3A_177] : memref<10000x128xf32, #tpu.memory_space<vmem_shared>> -> memref<80x128xf32, #tpu.memory_space<vmem_shared>>
    %dma_wait3A_179 = arith.constant 0 : i32
    %dma_wait3A_180 = tpu.memref_slice %arg10[%add3A_171, %dma_wait3A_179] : memref<10000x128xf32, #tpu.memory_space<vmem_shared>> -> memref<80x128xf32, #tpu.memory_space<vmem_shared>>
    %dma_wait3A_181 = arith.constant 0 : i32
    %dma_wait3A_182 = arith.constant 0 : i32
    %dma_wait3A_183 = tpu.memref_slice %arg6[%dma_wait3A_172, %dma_wait3A_181, %dma_wait3A_182] : memref<3x80x128xf32, #tpu.memory_space<vmem>> -> memref<1x80x128xf32, #tpu.memory_space<vmem>>
    %dma_wait3A_184 = tpu.memref_squeeze %dma_wait3A_183 : memref<1x80x128xf32, #tpu.memory_space<vmem>> -> memref<80x128xf32, #tpu.memory_space<vmem>>
    tpu.wait_dma2 semaphore(%arg9 : memref<!tpu.dma_semaphore, #tpu.memory_space<semaphore_mem>>) src(%dma_wait3A_184 : memref<80x128xf32, #tpu.memory_space<vmem>>) dst(%dma_wait3A_180 : memref<80x128xf32, #tpu.memory_space<vmem_shared>>)
    %mul3A_185 = arith.constant 625 : i32
    %mul3A_186 = arith.muli %arg1, %mul3A_185 : i32
    %add3A_187 = arith.constant 160 : i32
    %add3A_188 = arith.addi %mul3A_186, %add3A_187 : i32
    %dma_wait3A_189 = arith.constant 0 : i32
    %dma_wait3A_190 = arith.constant 0 : i32
    %dma_wait3A_191 = arith.constant 0 : i32
    %dma_wait3A_192 = tpu.memref_slice %arg6[%dma_wait3A_189, %dma_wait3A_190, %dma_wait3A_191] : memref<3x80x128xf32, #tpu.memory_space<vmem>> -> memref<1x80x128xf32, #tpu.memory_space<vmem>>
    %dma_wait3A_193 = tpu.memref_squeeze %dma_wait3A_192 : memref<1x80x128xf32, #tpu.memory_space<vmem>> -> memref<80x128xf32, #tpu.memory_space<vmem>>
    %dma_wait3A_194 = arith.constant 0 : i32
    %dma_wait3A_195 = tpu.memref_slice %arg10[%add3A_188, %dma_wait3A_194] : memref<10000x128xf32, #tpu.memory_space<vmem_shared>> -> memref<80x128xf32, #tpu.memory_space<vmem_shared>>
    %dma_wait3A_196 = arith.constant 0 : i32
    %dma_wait3A_197 = tpu.memref_slice %arg10[%add3A_188, %dma_wait3A_196] : memref<10000x128xf32, #tpu.memory_space<vmem_shared>> -> memref<80x128xf32, #tpu.memory_space<vmem_shared>>
    %dma_wait3A_198 = arith.constant 0 : i32
    %dma_wait3A_199 = arith.constant 0 : i32
    %dma_wait3A_200 = tpu.memref_slice %arg6[%dma_wait3A_189, %dma_wait3A_198, %dma_wait3A_199] : memref<3x80x128xf32, #tpu.memory_space<vmem>> -> memref<1x80x128xf32, #tpu.memory_space<vmem>>
    %dma_wait3A_201 = tpu.memref_squeeze %dma_wait3A_200 : memref<1x80x128xf32, #tpu.memory_space<vmem>> -> memref<80x128xf32, #tpu.memory_space<vmem>>
    tpu.wait_dma2 semaphore(%arg9 : memref<!tpu.dma_semaphore, #tpu.memory_space<semaphore_mem>>) src(%dma_wait3A_201 : memref<80x128xf32, #tpu.memory_space<vmem>>) dst(%dma_wait3A_197 : memref<80x128xf32, #tpu.memory_space<vmem_shared>>)
    %mul3A_202 = arith.constant 625 : i32
    %mul3A_203 = arith.muli %arg1, %mul3A_202 : i32
    %add3A_204 = arith.constant 240 : i32
    %add3A_205 = arith.addi %mul3A_203, %add3A_204 : i32
    %dma_wait3A_206 = arith.constant 0 : i32
    %dma_wait3A_207 = arith.constant 0 : i32
    %dma_wait3A_208 = arith.constant 0 : i32
    %dma_wait3A_209 = tpu.memref_slice %arg6[%dma_wait3A_206, %dma_wait3A_207, %dma_wait3A_208] : memref<3x80x128xf32, #tpu.memory_space<vmem>> -> memref<1x80x128xf32, #tpu.memory_space<vmem>>
    %dma_wait3A_210 = tpu.memref_squeeze %dma_wait3A_209 : memref<1x80x128xf32, #tpu.memory_space<vmem>> -> memref<80x128xf32, #tpu.memory_space<vmem>>
    %dma_wait3A_211 = arith.constant 0 : i32
    %dma_wait3A_212 = tpu.memref_slice %arg10[%add3A_205, %dma_wait3A_211] : memref<10000x128xf32, #tpu.memory_space<vmem_shared>> -> memref<80x128xf32, #tpu.memory_space<vmem_shared>>
    %dma_wait3A_213 = arith.constant 0 : i32
    %dma_wait3A_214 = tpu.memref_slice %arg10[%add3A_205, %dma_wait3A_213] : memref<10000x128xf32, #tpu.memory_space<vmem_shared>> -> memref<80x128xf32, #tpu.memory_space<vmem_shared>>
    %dma_wait3A_215 = arith.constant 0 : i32
    %dma_wait3A_216 = arith.constant 0 : i32
    %dma_wait3A_217 = tpu.memref_slice %arg6[%dma_wait3A_206, %dma_wait3A_215, %dma_wait3A_216] : memref<3x80x128xf32, #tpu.memory_space<vmem>> -> memref<1x80x128xf32, #tpu.memory_space<vmem>>
    %dma_wait3A_218 = tpu.memref_squeeze %dma_wait3A_217 : memref<1x80x128xf32, #tpu.memory_space<vmem>> -> memref<80x128xf32, #tpu.memory_space<vmem>>
    tpu.wait_dma2 semaphore(%arg9 : memref<!tpu.dma_semaphore, #tpu.memory_space<semaphore_mem>>) src(%dma_wait3A_218 : memref<80x128xf32, #tpu.memory_space<vmem>>) dst(%dma_wait3A_214 : memref<80x128xf32, #tpu.memory_space<vmem_shared>>)
    %mul3A_219 = arith.constant 625 : i32
    %mul3A_220 = arith.muli %arg1, %mul3A_219 : i32
    %add3A_221 = arith.constant 320 : i32
    %add3A_222 = arith.addi %mul3A_220, %add3A_221 : i32
    %dma_wait3A_223 = arith.constant 0 : i32
    %dma_wait3A_224 = arith.constant 0 : i32
    %dma_wait3A_225 = arith.constant 0 : i32
    %dma_wait3A_226 = tpu.memref_slice %arg6[%dma_wait3A_223, %dma_wait3A_224, %dma_wait3A_225] : memref<3x80x128xf32, #tpu.memory_space<vmem>> -> memref<1x80x128xf32, #tpu.memory_space<vmem>>
    %dma_wait3A_227 = tpu.memref_squeeze %dma_wait3A_226 : memref<1x80x128xf32, #tpu.memory_space<vmem>> -> memref<80x128xf32, #tpu.memory_space<vmem>>
    %dma_wait3A_228 = arith.constant 0 : i32
    %dma_wait3A_229 = tpu.memref_slice %arg10[%add3A_222, %dma_wait3A_228] : memref<10000x128xf32, #tpu.memory_space<vmem_shared>> -> memref<80x128xf32, #tpu.memory_space<vmem_shared>>
    %dma_wait3A_230 = arith.constant 0 : i32
    %dma_wait3A_231 = tpu.memref_slice %arg10[%add3A_222, %dma_wait3A_230] : memref<10000x128xf32, #tpu.memory_space<vmem_shared>> -> memref<80x128xf32, #tpu.memory_space<vmem_shared>>
    %dma_wait3A_232 = arith.constant 0 : i32
    %dma_wait3A_233 = arith.constant 0 : i32
    %dma_wait3A_234 = tpu.memref_slice %arg6[%dma_wait3A_223, %dma_wait3A_232, %dma_wait3A_233] : memref<3x80x128xf32, #tpu.memory_space<vmem>> -> memref<1x80x128xf32, #tpu.memory_space<vmem>>
    %dma_wait3A_235 = tpu.memref_squeeze %dma_wait3A_234 : memref<1x80x128xf32, #tpu.memory_space<vmem>> -> memref<80x128xf32, #tpu.memory_space<vmem>>
    tpu.wait_dma2 semaphore(%arg9 : memref<!tpu.dma_semaphore, #tpu.memory_space<semaphore_mem>>) src(%dma_wait3A_235 : memref<80x128xf32, #tpu.memory_space<vmem>>) dst(%dma_wait3A_231 : memref<80x128xf32, #tpu.memory_space<vmem_shared>>)
    %mul3A_236 = arith.constant 625 : i32
    %mul3A_237 = arith.muli %arg1, %mul3A_236 : i32
    %add3A_238 = arith.constant 400 : i32
    %add3A_239 = arith.addi %mul3A_237, %add3A_238 : i32
    %dma_wait3A_240 = arith.constant 0 : i32
    %dma_wait3A_241 = arith.constant 0 : i32
    %dma_wait3A_242 = arith.constant 0 : i32
    %dma_wait3A_243 = tpu.memref_slice %arg6[%dma_wait3A_240, %dma_wait3A_241, %dma_wait3A_242] : memref<3x80x128xf32, #tpu.memory_space<vmem>> -> memref<1x80x128xf32, #tpu.memory_space<vmem>>
    %dma_wait3A_244 = tpu.memref_squeeze %dma_wait3A_243 : memref<1x80x128xf32, #tpu.memory_space<vmem>> -> memref<80x128xf32, #tpu.memory_space<vmem>>
    %dma_wait3A_245 = arith.constant 0 : i32
    %dma_wait3A_246 = tpu.memref_slice %arg10[%add3A_239, %dma_wait3A_245] : memref<10000x128xf32, #tpu.memory_space<vmem_shared>> -> memref<80x128xf32, #tpu.memory_space<vmem_shared>>
    %dma_wait3A_247 = arith.constant 0 : i32
    %dma_wait3A_248 = tpu.memref_slice %arg10[%add3A_239, %dma_wait3A_247] : memref<10000x128xf32, #tpu.memory_space<vmem_shared>> -> memref<80x128xf32, #tpu.memory_space<vmem_shared>>
    %dma_wait3A_249 = arith.constant 0 : i32
    %dma_wait3A_250 = arith.constant 0 : i32
    %dma_wait3A_251 = tpu.memref_slice %arg6[%dma_wait3A_240, %dma_wait3A_249, %dma_wait3A_250] : memref<3x80x128xf32, #tpu.memory_space<vmem>> -> memref<1x80x128xf32, #tpu.memory_space<vmem>>
    %dma_wait3A_252 = tpu.memref_squeeze %dma_wait3A_251 : memref<1x80x128xf32, #tpu.memory_space<vmem>> -> memref<80x128xf32, #tpu.memory_space<vmem>>
    tpu.wait_dma2 semaphore(%arg9 : memref<!tpu.dma_semaphore, #tpu.memory_space<semaphore_mem>>) src(%dma_wait3A_252 : memref<80x128xf32, #tpu.memory_space<vmem>>) dst(%dma_wait3A_248 : memref<80x128xf32, #tpu.memory_space<vmem_shared>>)
    %mul3A_253 = arith.constant 625 : i32
    %mul3A_254 = arith.muli %arg1, %mul3A_253 : i32
    %add3A_255 = arith.constant 480 : i32
    %add3A_256 = arith.addi %mul3A_254, %add3A_255 : i32
    %dma_wait3A_257 = arith.constant 0 : i32
    %dma_wait3A_258 = arith.constant 0 : i32
    %dma_wait3A_259 = arith.constant 0 : i32
    %dma_wait3A_260 = tpu.memref_slice %arg6[%dma_wait3A_257, %dma_wait3A_258, %dma_wait3A_259] : memref<3x80x128xf32, #tpu.memory_space<vmem>> -> memref<1x80x128xf32, #tpu.memory_space<vmem>>
    %dma_wait3A_261 = tpu.memref_squeeze %dma_wait3A_260 : memref<1x80x128xf32, #tpu.memory_space<vmem>> -> memref<80x128xf32, #tpu.memory_space<vmem>>
    %dma_wait3A_262 = arith.constant 0 : i32
    %dma_wait3A_263 = tpu.memref_slice %arg10[%add3A_256, %dma_wait3A_262] : memref<10000x128xf32, #tpu.memory_space<vmem_shared>> -> memref<80x128xf32, #tpu.memory_space<vmem_shared>>
    %dma_wait3A_264 = arith.constant 0 : i32
    %dma_wait3A_265 = tpu.memref_slice %arg10[%add3A_256, %dma_wait3A_264] : memref<10000x128xf32, #tpu.memory_space<vmem_shared>> -> memref<80x128xf32, #tpu.memory_space<vmem_shared>>
    %dma_wait3A_266 = arith.constant 0 : i32
    %dma_wait3A_267 = arith.constant 0 : i32
    %dma_wait3A_268 = tpu.memref_slice %arg6[%dma_wait3A_257, %dma_wait3A_266, %dma_wait3A_267] : memref<3x80x128xf32, #tpu.memory_space<vmem>> -> memref<1x80x128xf32, #tpu.memory_space<vmem>>
    %dma_wait3A_269 = tpu.memref_squeeze %dma_wait3A_268 : memref<1x80x128xf32, #tpu.memory_space<vmem>> -> memref<80x128xf32, #tpu.memory_space<vmem>>
    tpu.wait_dma2 semaphore(%arg9 : memref<!tpu.dma_semaphore, #tpu.memory_space<semaphore_mem>>) src(%dma_wait3A_269 : memref<80x128xf32, #tpu.memory_space<vmem>>) dst(%dma_wait3A_265 : memref<80x128xf32, #tpu.memory_space<vmem_shared>>)
    %mul3A_270 = arith.constant 625 : i32
    %mul3A_271 = arith.muli %arg1, %mul3A_270 : i32
    %add3A_272 = arith.constant 560 : i32
    %add3A_273 = arith.addi %mul3A_271, %add3A_272 : i32
    %dma_wait3A_274 = arith.constant 0 : i32
    %dma_wait3A_275 = arith.constant 0 : i32
    %dma_wait3A_276 = arith.constant 0 : i32
    %dma_wait3A_277 = tpu.memref_slice %arg6[%dma_wait3A_274, %dma_wait3A_275, %dma_wait3A_276] : memref<3x80x128xf32, #tpu.memory_space<vmem>> -> memref<1x65x128xf32, #tpu.memory_space<vmem>>
    %dma_wait3A_278 = tpu.memref_squeeze %dma_wait3A_277 : memref<1x65x128xf32, #tpu.memory_space<vmem>> -> memref<65x128xf32, #tpu.memory_space<vmem>>
    %dma_wait3A_279 = arith.constant 0 : i32
    %dma_wait3A_280 = tpu.memref_slice %arg10[%add3A_273, %dma_wait3A_279] : memref<10000x128xf32, #tpu.memory_space<vmem_shared>> -> memref<65x128xf32, #tpu.memory_space<vmem_shared>>
    %dma_wait3A_281 = arith.constant 0 : i32
    %dma_wait3A_282 = tpu.memref_slice %arg10[%add3A_273, %dma_wait3A_281] : memref<10000x128xf32, #tpu.memory_space<vmem_shared>> -> memref<65x128xf32, #tpu.memory_space<vmem_shared>>
    %dma_wait3A_283 = arith.constant 0 : i32
    %dma_wait3A_284 = arith.constant 0 : i32
    %dma_wait3A_285 = tpu.memref_slice %arg6[%dma_wait3A_274, %dma_wait3A_283, %dma_wait3A_284] : memref<3x80x128xf32, #tpu.memory_space<vmem>> -> memref<1x65x128xf32, #tpu.memory_space<vmem>>
    %dma_wait3A_286 = tpu.memref_squeeze %dma_wait3A_285 : memref<1x65x128xf32, #tpu.memory_space<vmem>> -> memref<65x128xf32, #tpu.memory_space<vmem>>
    tpu.wait_dma2 semaphore(%arg9 : memref<!tpu.dma_semaphore, #tpu.memory_space<semaphore_mem>>) src(%dma_wait3A_286 : memref<65x128xf32, #tpu.memory_space<vmem>>) dst(%dma_wait3A_282 : memref<65x128xf32, #tpu.memory_space<vmem_shared>>)
    %barrier3A = arith.constant 0 : index
    tpu.barrier barrier_id(%barrier3A)
    %scan3A_287 = arith.constant 0 : i32
    %scan3A_288 = arith.constant 0 : i32
    %scan3A_289 = arith.constant 2 : i32
    %scan3A_290 = arith.addi %scan3A_288, %scan3A_289 : i32
    %scan3A_291 = arith.constant 1 : i32
    %scan3A_292 = scf.for %scan3A_354 = %scan3A_288 to %scan3A_290 step %scan3A_291 iter_args(%scan3A_355 = %scan3A_287) -> (i32)  : i32 {
      %dma_start3A_356 = arith.constant 0 : i32
      %dma_start3A_357 = arith.constant 0 : i32
      %dma_start3A_358 = arith.constant 0 : i32
      %dma_start3A_359 = tpu.memref_slice %arg6[%scan3A_354, %dma_start3A_357, %dma_start3A_358] : memref<3x80x128xf32, #tpu.memory_space<vmem>> -> memref<1x80x128xf32, #tpu.memory_space<vmem>>
      %dma_start3A_360 = tpu.memref_squeeze %dma_start3A_359 : memref<1x80x128xf32, #tpu.memory_space<vmem>> -> memref<80x128xf32, #tpu.memory_space<vmem>>
      %dma_start3A_361 = arith.constant 0 : i32
      %dma_start3A_362 = tpu.memref_slice %arg5[%dma_start3A_356, %scan3A_354, %dma_start3A_361] : memref<2x125x80xi32, #tpu.memory_space<vmem>> -> memref<1x1x80xi32, #tpu.memory_space<vmem>>
      %dma_start3A_363 = tpu.memref_squeeze %dma_start3A_362 : memref<1x1x80xi32, #tpu.memory_space<vmem>> -> memref<80xi32, #tpu.memory_space<vmem>>
      %dma_start3A_364 = arith.constant 0 : i32
      %dma_start3A_365 = arith.constant 0 : i32
      %dma_start3A_366 = tpu.memref_slice %arg3[%dma_start3A_364, %dma_start3A_365] : memref<10240x128xf32, #tpu.memory_space<hbm>> -> memref<10240x128xf32, #tpu.memory_space<hbm>>
      %dma_start3A_367 = tpu.memref_slice %arg7[%scan3A_354] : memref<3x!tpu.dma_semaphore, #tpu.memory_space<semaphore_mem>> -> memref<1x!tpu.dma_semaphore, #tpu.memory_space<semaphore_mem>>
      %dma_start3A_368 = tpu.memref_squeeze %dma_start3A_367 : memref<1x!tpu.dma_semaphore, #tpu.memory_space<semaphore_mem>> -> memref<!tpu.dma_semaphore, #tpu.memory_space<semaphore_mem>>
      tpu.enqueue_indirect_dma source(%dma_start3A_366 : memref<10240x128xf32, #tpu.memory_space<hbm>>) target(%dma_start3A_360 : memref<80x128xf32, #tpu.memory_space<vmem>>) offsets(%dma_start3A_363 : memref<80xi32, #tpu.memory_space<vmem>>) semaphore(%dma_start3A_368 : memref<!tpu.dma_semaphore, #tpu.memory_space<semaphore_mem>>)
      %scan3A_369 = arith.constant 0 : i32
      scf.yield %scan3A_369 : i32
    }
    %scan3A_293 = arith.constant 2 : i32
    %scan3A_294 = arith.constant 0 : i32
    %scan3A_295 = arith.constant 0 : i32
    %scan3A_296 = arith.constant 125 : i32
    %scan3A_297 = arith.addi %scan3A_295, %scan3A_296 : i32
    %scan3A_298 = arith.constant 1 : i32
    %scan3A_299 = scf.for %scan3A_354 = %scan3A_295 to %scan3A_297 step %scan3A_298 iter_args(%scan3A_355 = %scan3A_294) -> (i32)  : i32 {
      %jit3A = arith.constant 3 : i32
      %eq3A = arith.constant 0 : i32
      %eq3A_356 = arith.cmpi eq, %jit3A, %eq3A : i32
      %jit3A_357 = arith.constant 1 : i32
      %select_n3A = arith.select %eq3A_356, %jit3A_357, %jit3A : i32
      %rem3A = arith.remsi %scan3A_354, %select_n3A : i32
      %ne3A = arith.constant 0 : i32
      %ne3A_358 = arith.cmpi ne, %rem3A, %ne3A : i32
      %lt3A = arith.constant 0 : i32
      %lt3A_359 = arith.cmpi slt, %rem3A, %lt3A : i32
      %lt3A_360 = arith.constant 0 : i32
      %lt3A_361 = arith.cmpi slt, %select_n3A, %lt3A_360 : i32
      %ne3A_362 = arith.xori %lt3A_359, %lt3A_361 : i1
      %and3A = arith.andi %ne3A_362, %ne3A_358 : i1
      %add3A_363 = arith.addi %rem3A, %select_n3A : i32
      %select_n3A_364 = arith.select %and3A, %add3A_363, %rem3A : i32
      %add3A_365 = arith.constant 2 : i32
      %add3A_366 = arith.addi %scan3A_354, %add3A_365 : i32
      %jit3A_367 = arith.constant 3 : i32
      %eq3A_368 = arith.constant 0 : i32
      %eq3A_369 = arith.cmpi eq, %jit3A_367, %eq3A_368 : i32
      %jit3A_370 = arith.constant 1 : i32
      %select_n3A_371 = arith.select %eq3A_369, %jit3A_370, %jit3A_367 : i32
      %rem3A_372 = arith.remsi %add3A_366, %select_n3A_371 : i32
      %ne3A_373 = arith.constant 0 : i32
      %ne3A_374 = arith.cmpi ne, %rem3A_372, %ne3A_373 : i32
      %lt3A_375 = arith.constant 0 : i32
      %lt3A_376 = arith.cmpi slt, %rem3A_372, %lt3A_375 : i32
      %lt3A_377 = arith.constant 0 : i32
      %lt3A_378 = arith.cmpi slt, %select_n3A_371, %lt3A_377 : i32
      %ne3A_379 = arith.xori %lt3A_376, %lt3A_378 : i1
      %and3A_380 = arith.andi %ne3A_379, %ne3A_374 : i1
      %add3A_381 = arith.addi %rem3A_372, %select_n3A_371 : i32
      %select_n3A_382 = arith.select %and3A_380, %add3A_381, %rem3A_372 : i32
      %ge3A = arith.constant 1 : i32
      %ge3A_383 = arith.cmpi sge, %scan3A_354, %ge3A : i32
      %lt3A_384 = arith.constant 125 : i32
      %lt3A_385 = arith.cmpi slt, %add3A_366, %lt3A_384 : i32
      %and3A_386 = arith.andi %ge3A_383, %lt3A_385 : i1
      %convert_element_type3A = arith.extui %and3A_386 : i1 to i32
      %cond3A = arith.constant 0 : i32
      %cond3A_387 = arith.cmpi ne, %convert_element_type3A, %cond3A : i32
      scf.if %cond3A_387 {
        %sub3A = arith.constant 3 : i32
        %sub3A_420 = arith.subi %add3A_366, %sub3A : i32
        %dma_wait3A_421 = arith.constant 1 : i32
        %dma_wait3A_422 = arith.constant 0 : i32
        %dma_wait3A_423 = arith.constant 0 : i32
        %dma_wait3A_424 = tpu.memref_slice %arg6[%select_n3A_382, %dma_wait3A_422, %dma_wait3A_423] : memref<3x80x128xf32, #tpu.memory_space<vmem>> -> memref<1x80x128xf32, #tpu.memory_space<vmem>>
        %dma_wait3A_425 = tpu.memref_squeeze %dma_wait3A_424 : memref<1x80x128xf32, #tpu.memory_space<vmem>> -> memref<80x128xf32, #tpu.memory_space<vmem>>
        %dma_wait3A_426 = arith.constant 0 : i32
        %dma_wait3A_427 = tpu.memref_slice %arg5[%dma_wait3A_421, %sub3A_420, %dma_wait3A_426] : memref<2x125x80xi32, #tpu.memory_space<vmem>> -> memref<1x1x80xi32, #tpu.memory_space<vmem>>
        %dma_wait3A_428 = tpu.memref_squeeze %dma_wait3A_427 : memref<1x1x80xi32, #tpu.memory_space<vmem>> -> memref<80xi32, #tpu.memory_space<vmem>>
        %dma_wait3A_429 = arith.constant 0 : i32
        %dma_wait3A_430 = arith.constant 0 : i32
        %dma_wait3A_431 = tpu.memref_slice %arg10[%dma_wait3A_429, %dma_wait3A_430] : memref<10000x128xf32, #tpu.memory_space<vmem_shared>> -> memref<10000x128xf32, #tpu.memory_space<vmem_shared>>
        %dma_wait3A_432 = tpu.memref_slice %arg8[%select_n3A_382] : memref<3x!tpu.dma_semaphore, #tpu.memory_space<semaphore_mem>> -> memref<1x!tpu.dma_semaphore, #tpu.memory_space<semaphore_mem>>
        %dma_wait3A_433 = tpu.memref_squeeze %dma_wait3A_432 : memref<1x!tpu.dma_semaphore, #tpu.memory_space<semaphore_mem>> -> memref<!tpu.dma_semaphore, #tpu.memory_space<semaphore_mem>>
        tpu.wait_indirect_dma semaphore(%dma_wait3A_433 : memref<!tpu.dma_semaphore, #tpu.memory_space<semaphore_mem>>) src(%dma_wait3A_425 : memref<80x128xf32, #tpu.memory_space<vmem>>) dst(%dma_wait3A_431 : memref<10000x128xf32, #tpu.memory_space<vmem_shared>>)
      } else {
      }
      %lt3A_388 = arith.constant 125 : i32
      %lt3A_389 = arith.cmpi slt, %add3A_366, %lt3A_388 : i32
      %convert_element_type3A_390 = arith.extui %lt3A_389 : i1 to i32
      %cond3A_391 = arith.constant 0 : i32
      %cond3A_392 = arith.cmpi ne, %convert_element_type3A_390, %cond3A_391 : i32
      scf.if %cond3A_392 {
        %dma_start3A_420 = arith.constant 0 : i32
        %dma_start3A_421 = arith.constant 0 : i32
        %dma_start3A_422 = arith.constant 0 : i32
        %dma_start3A_423 = tpu.memref_slice %arg6[%select_n3A_382, %dma_start3A_421, %dma_start3A_422] : memref<3x80x128xf32, #tpu.memory_space<vmem>> -> memref<1x80x128xf32, #tpu.memory_space<vmem>>
        %dma_start3A_424 = tpu.memref_squeeze %dma_start3A_423 : memref<1x80x128xf32, #tpu.memory_space<vmem>> -> memref<80x128xf32, #tpu.memory_space<vmem>>
        %dma_start3A_425 = arith.constant 0 : i32
        %dma_start3A_426 = tpu.memref_slice %arg5[%dma_start3A_420, %add3A_366, %dma_start3A_425] : memref<2x125x80xi32, #tpu.memory_space<vmem>> -> memref<1x1x80xi32, #tpu.memory_space<vmem>>
        %dma_start3A_427 = tpu.memref_squeeze %dma_start3A_426 : memref<1x1x80xi32, #tpu.memory_space<vmem>> -> memref<80xi32, #tpu.memory_space<vmem>>
        %dma_start3A_428 = arith.constant 0 : i32
        %dma_start3A_429 = arith.constant 0 : i32
        %dma_start3A_430 = tpu.memref_slice %arg3[%dma_start3A_428, %dma_start3A_429] : memref<10240x128xf32, #tpu.memory_space<hbm>> -> memref<10240x128xf32, #tpu.memory_space<hbm>>
        %dma_start3A_431 = tpu.memref_slice %arg7[%select_n3A_382] : memref<3x!tpu.dma_semaphore, #tpu.memory_space<semaphore_mem>> -> memref<1x!tpu.dma_semaphore, #tpu.memory_space<semaphore_mem>>
        %dma_start3A_432 = tpu.memref_squeeze %dma_start3A_431 : memref<1x!tpu.dma_semaphore, #tpu.memory_space<semaphore_mem>> -> memref<!tpu.dma_semaphore, #tpu.memory_space<semaphore_mem>>
        tpu.enqueue_indirect_dma source(%dma_start3A_430 : memref<10240x128xf32, #tpu.memory_space<hbm>>) target(%dma_start3A_424 : memref<80x128xf32, #tpu.memory_space<vmem>>) offsets(%dma_start3A_427 : memref<80xi32, #tpu.memory_space<vmem>>) semaphore(%dma_start3A_432 : memref<!tpu.dma_semaphore, #tpu.memory_space<semaphore_mem>>)
      } else {
      }
      %dma_wait3A_393 = arith.constant 0 : i32
      %dma_wait3A_394 = arith.constant 0 : i32
      %dma_wait3A_395 = arith.constant 0 : i32
      %dma_wait3A_396 = tpu.memref_slice %arg6[%select_n3A_364, %dma_wait3A_394, %dma_wait3A_395] : memref<3x80x128xf32, #tpu.memory_space<vmem>> -> memref<1x80x128xf32, #tpu.memory_space<vmem>>
      %dma_wait3A_397 = tpu.memref_squeeze %dma_wait3A_396 : memref<1x80x128xf32, #tpu.memory_space<vmem>> -> memref<80x128xf32, #tpu.memory_space<vmem>>
      %dma_wait3A_398 = arith.constant 0 : i32
      %dma_wait3A_399 = tpu.memref_slice %arg5[%dma_wait3A_393, %scan3A_354, %dma_wait3A_398] : memref<2x125x80xi32, #tpu.memory_space<vmem>> -> memref<1x1x80xi32, #tpu.memory_space<vmem>>
      %dma_wait3A_400 = tpu.memref_squeeze %dma_wait3A_399 : memref<1x1x80xi32, #tpu.memory_space<vmem>> -> memref<80xi32, #tpu.memory_space<vmem>>
      %dma_wait3A_401 = arith.constant 0 : i32
      %dma_wait3A_402 = arith.constant 0 : i32
      %dma_wait3A_403 = tpu.memref_slice %arg3[%dma_wait3A_401, %dma_wait3A_402] : memref<10240x128xf32, #tpu.memory_space<hbm>> -> memref<10240x128xf32, #tpu.memory_space<hbm>>
      %dma_wait3A_404 = tpu.memref_slice %arg7[%select_n3A_364] : memref<3x!tpu.dma_semaphore, #tpu.memory_space<semaphore_mem>> -> memref<1x!tpu.dma_semaphore, #tpu.memory_space<semaphore_mem>>
      %dma_wait3A_405 = tpu.memref_squeeze %dma_wait3A_404 : memref<1x!tpu.dma_semaphore, #tpu.memory_space<semaphore_mem>> -> memref<!tpu.dma_semaphore, #tpu.memory_space<semaphore_mem>>
      tpu.wait_indirect_dma semaphore(%dma_wait3A_405 : memref<!tpu.dma_semaphore, #tpu.memory_space<semaphore_mem>>) src(%dma_wait3A_403 : memref<10240x128xf32, #tpu.memory_space<hbm>>) dst(%dma_wait3A_397 : memref<80x128xf32, #tpu.memory_space<vmem>>)
      %dma_start3A_406 = arith.constant 1 : i32
      %dma_start3A_407 = arith.constant 0 : i32
      %dma_start3A_408 = arith.constant 0 : i32
      %dma_start3A_409 = tpu.memref_slice %arg6[%select_n3A_364, %dma_start3A_407, %dma_start3A_408] : memref<3x80x128xf32, #tpu.memory_space<vmem>> -> memref<1x80x128xf32, #tpu.memory_space<vmem>>
      %dma_start3A_410 = tpu.memref_squeeze %dma_start3A_409 : memref<1x80x128xf32, #tpu.memory_space<vmem>> -> memref<80x128xf32, #tpu.memory_space<vmem>>
      %dma_start3A_411 = arith.constant 0 : i32
      %dma_start3A_412 = tpu.memref_slice %arg5[%dma_start3A_406, %scan3A_354, %dma_start3A_411] : memref<2x125x80xi32, #tpu.memory_space<vmem>> -> memref<1x1x80xi32, #tpu.memory_space<vmem>>
      %dma_start3A_413 = tpu.memref_squeeze %dma_start3A_412 : memref<1x1x80xi32, #tpu.memory_space<vmem>> -> memref<80xi32, #tpu.memory_space<vmem>>
      %dma_start3A_414 = arith.constant 0 : i32
      %dma_start3A_415 = arith.constant 0 : i32
      %dma_start3A_416 = tpu.memref_slice %arg10[%dma_start3A_414, %dma_start3A_415] : memref<10000x128xf32, #tpu.memory_space<vmem_shared>> -> memref<10000x128xf32, #tpu.memory_space<vmem_shared>>
      %dma_start3A_417 = tpu.memref_slice %arg8[%select_n3A_364] : memref<3x!tpu.dma_semaphore, #tpu.memory_space<semaphore_mem>> -> memref<1x!tpu.dma_semaphore, #tpu.memory_space<semaphore_mem>>
      %dma_start3A_418 = tpu.memref_squeeze %dma_start3A_417 : memref<1x!tpu.dma_semaphore, #tpu.memory_space<semaphore_mem>> -> memref<!tpu.dma_semaphore, #tpu.memory_space<semaphore_mem>>
      tpu.enqueue_indirect_dma source(%dma_start3A_410 : memref<80x128xf32, #tpu.memory_space<vmem>>) target(%dma_start3A_416 : memref<10000x128xf32, #tpu.memory_space<vmem_shared>>) offsets(%dma_start3A_413 : memref<80xi32, #tpu.memory_space<vmem>>) semaphore(%dma_start3A_418 : memref<!tpu.dma_semaphore, #tpu.memory_space<semaphore_mem>>) {add = true}
      %scan3A_419 = arith.constant 0 : i32
      scf.yield %scan3A_419 : i32
    }
    %scan3A_300 = arith.constant 125 : i32
    %dma_wait3A_301 = arith.constant 2 : i32
    %dma_wait3A_302 = arith.constant 1 : i32
    %dma_wait3A_303 = arith.constant 122 : i32
    %dma_wait3A_304 = arith.constant 2 : i32
    %dma_wait3A_305 = arith.constant 0 : i32
    %dma_wait3A_306 = arith.constant 0 : i32
    %dma_wait3A_307 = tpu.memref_slice %arg6[%dma_wait3A_301, %dma_wait3A_305, %dma_wait3A_306] : memref<3x80x128xf32, #tpu.memory_space<vmem>> -> memref<1x80x128xf32, #tpu.memory_space<vmem>>
    %dma_wait3A_308 = tpu.memref_squeeze %dma_wait3A_307 : memref<1x80x128xf32, #tpu.memory_space<vmem>> -> memref<80x128xf32, #tpu.memory_space<vmem>>
    %dma_wait3A_309 = arith.constant 0 : i32
    %dma_wait3A_310 = tpu.memref_slice %arg5[%dma_wait3A_302, %dma_wait3A_303, %dma_wait3A_309] : memref<2x125x80xi32, #tpu.memory_space<vmem>> -> memref<1x1x80xi32, #tpu.memory_space<vmem>>
    %dma_wait3A_311 = tpu.memref_squeeze %dma_wait3A_310 : memref<1x1x80xi32, #tpu.memory_space<vmem>> -> memref<80xi32, #tpu.memory_space<vmem>>
    %dma_wait3A_312 = arith.constant 0 : i32
    %dma_wait3A_313 = arith.constant 0 : i32
    %dma_wait3A_314 = tpu.memref_slice %arg10[%dma_wait3A_312, %dma_wait3A_313] : memref<10000x128xf32, #tpu.memory_space<vmem_shared>> -> memref<10000x128xf32, #tpu.memory_space<vmem_shared>>
    %dma_wait3A_315 = tpu.memref_slice %arg8[%dma_wait3A_304] : memref<3x!tpu.dma_semaphore, #tpu.memory_space<semaphore_mem>> -> memref<1x!tpu.dma_semaphore, #tpu.memory_space<semaphore_mem>>
    %dma_wait3A_316 = tpu.memref_squeeze %dma_wait3A_315 : memref<1x!tpu.dma_semaphore, #tpu.memory_space<semaphore_mem>> -> memref<!tpu.dma_semaphore, #tpu.memory_space<semaphore_mem>>
    tpu.wait_indirect_dma semaphore(%dma_wait3A_316 : memref<!tpu.dma_semaphore, #tpu.memory_space<semaphore_mem>>) src(%dma_wait3A_308 : memref<80x128xf32, #tpu.memory_space<vmem>>) dst(%dma_wait3A_314 : memref<10000x128xf32, #tpu.memory_space<vmem_shared>>)
    %dma_wait3A_317 = arith.constant 0 : i32
    %dma_wait3A_318 = arith.constant 1 : i32
    %dma_wait3A_319 = arith.constant 123 : i32
    %dma_wait3A_320 = arith.constant 0 : i32
    %dma_wait3A_321 = arith.constant 0 : i32
    %dma_wait3A_322 = arith.constant 0 : i32
    %dma_wait3A_323 = tpu.memref_slice %arg6[%dma_wait3A_317, %dma_wait3A_321, %dma_wait3A_322] : memref<3x80x128xf32, #tpu.memory_space<vmem>> -> memref<1x80x128xf32, #tpu.memory_space<vmem>>
    %dma_wait3A_324 = tpu.memref_squeeze %dma_wait3A_323 : memref<1x80x128xf32, #tpu.memory_space<vmem>> -> memref<80x128xf32, #tpu.memory_space<vmem>>
    %dma_wait3A_325 = arith.constant 0 : i32
    %dma_wait3A_326 = tpu.memref_slice %arg5[%dma_wait3A_318, %dma_wait3A_319, %dma_wait3A_325] : memref<2x125x80xi32, #tpu.memory_space<vmem>> -> memref<1x1x80xi32, #tpu.memory_space<vmem>>
    %dma_wait3A_327 = tpu.memref_squeeze %dma_wait3A_326 : memref<1x1x80xi32, #tpu.memory_space<vmem>> -> memref<80xi32, #tpu.memory_space<vmem>>
    %dma_wait3A_328 = arith.constant 0 : i32
    %dma_wait3A_329 = arith.constant 0 : i32
    %dma_wait3A_330 = tpu.memref_slice %arg10[%dma_wait3A_328, %dma_wait3A_329] : memref<10000x128xf32, #tpu.memory_space<vmem_shared>> -> memref<10000x128xf32, #tpu.memory_space<vmem_shared>>
    %dma_wait3A_331 = tpu.memref_slice %arg8[%dma_wait3A_320] : memref<3x!tpu.dma_semaphore, #tpu.memory_space<semaphore_mem>> -> memref<1x!tpu.dma_semaphore, #tpu.memory_space<semaphore_mem>>
    %dma_wait3A_332 = tpu.memref_squeeze %dma_wait3A_331 : memref<1x!tpu.dma_semaphore, #tpu.memory_space<semaphore_mem>> -> memref<!tpu.dma_semaphore, #tpu.memory_space<semaphore_mem>>
    tpu.wait_indirect_dma semaphore(%dma_wait3A_332 : memref<!tpu.dma_semaphore, #tpu.memory_space<semaphore_mem>>) src(%dma_wait3A_324 : memref<80x128xf32, #tpu.memory_space<vmem>>) dst(%dma_wait3A_330 : memref<10000x128xf32, #tpu.memory_space<vmem_shared>>)
    %dma_wait3A_333 = arith.constant 1 : i32
    %dma_wait3A_334 = arith.constant 1 : i32
    %dma_wait3A_335 = arith.constant 124 : i32
    %dma_wait3A_336 = arith.constant 1 : i32
    %dma_wait3A_337 = arith.constant 0 : i32
    %dma_wait3A_338 = arith.constant 0 : i32
    %dma_wait3A_339 = tpu.memref_slice %arg6[%dma_wait3A_333, %dma_wait3A_337, %dma_wait3A_338] : memref<3x80x128xf32, #tpu.memory_space<vmem>> -> memref<1x80x128xf32, #tpu.memory_space<vmem>>
    %dma_wait3A_340 = tpu.memref_squeeze %dma_wait3A_339 : memref<1x80x128xf32, #tpu.memory_space<vmem>> -> memref<80x128xf32, #tpu.memory_space<vmem>>
    %dma_wait3A_341 = arith.constant 0 : i32
    %dma_wait3A_342 = tpu.memref_slice %arg5[%dma_wait3A_334, %dma_wait3A_335, %dma_wait3A_341] : memref<2x125x80xi32, #tpu.memory_space<vmem>> -> memref<1x1x80xi32, #tpu.memory_space<vmem>>
    %dma_wait3A_343 = tpu.memref_squeeze %dma_wait3A_342 : memref<1x1x80xi32, #tpu.memory_space<vmem>> -> memref<80xi32, #tpu.memory_space<vmem>>
    %dma_wait3A_344 = arith.constant 0 : i32
    %dma_wait3A_345 = arith.constant 0 : i32
    %dma_wait3A_346 = tpu.memref_slice %arg10[%dma_wait3A_344, %dma_wait3A_345] : memref<10000x128xf32, #tpu.memory_space<vmem_shared>> -> memref<10000x128xf32, #tpu.memory_space<vmem_shared>>
    %dma_wait3A_347 = tpu.memref_slice %arg8[%dma_wait3A_336] : memref<3x!tpu.dma_semaphore, #tpu.memory_space<semaphore_mem>> -> memref<1x!tpu.dma_semaphore, #tpu.memory_space<semaphore_mem>>
    %dma_wait3A_348 = tpu.memref_squeeze %dma_wait3A_347 : memref<1x!tpu.dma_semaphore, #tpu.memory_space<semaphore_mem>> -> memref<!tpu.dma_semaphore, #tpu.memory_space<semaphore_mem>>
    tpu.wait_indirect_dma semaphore(%dma_wait3A_348 : memref<!tpu.dma_semaphore, #tpu.memory_space<semaphore_mem>>) src(%dma_wait3A_340 : memref<80x128xf32, #tpu.memory_space<vmem>>) dst(%dma_wait3A_346 : memref<10000x128xf32, #tpu.memory_space<vmem_shared>>)
    %barrier3A_349 = arith.constant 0 : index
    tpu.barrier barrier_id(%barrier3A_349)
    %mul3A_350 = arith.constant 625 : i32
    %mul3A_351 = arith.muli %arg1, %mul3A_350 : i32
    %mul3A_352 = arith.constant 625 : i32
    %mul3A_353 = arith.muli %arg1, %mul3A_352 : i32
    "tpu.region"() ({
      %run_scoped3A = tpu.sem_alloc : memref<!tpu.dma_semaphore, #tpu.memory_space<semaphore_mem>>
      %dma_start3A_354 = arith.constant 0 : i32
      %dma_start3A_355 = tpu.memref_slice %arg4[%arg0, %mul3A_353, %dma_start3A_354] : memref<2x10240x128xf32, #tpu.memory_space<hbm>> -> memref<1x625x128xf32, #tpu.memory_space<hbm>>
      %dma_start3A_356 = tpu.memref_squeeze %dma_start3A_355 : memref<1x625x128xf32, #tpu.memory_space<hbm>> -> memref<625x128xf32, #tpu.memory_space<hbm>>
      %dma_start3A_357 = arith.constant 0 : i32
      %dma_start3A_358 = tpu.memref_slice %arg10[%mul3A_351, %dma_start3A_357] : memref<10000x128xf32, #tpu.memory_space<vmem_shared>> -> memref<625x128xf32, #tpu.memory_space<vmem_shared>>
      tpu.enqueue_dma source(%dma_start3A_358 : memref<625x128xf32, #tpu.memory_space<vmem_shared>>) target(%dma_start3A_356 : memref<625x128xf32, #tpu.memory_space<hbm>>) target_semaphore(%run_scoped3A : memref<!tpu.dma_semaphore, #tpu.memory_space<semaphore_mem>>)
      %dma_wait3A_359 = arith.constant 0 : i32
      %dma_wait3A_360 = tpu.memref_slice %arg4[%arg0, %mul3A_353, %dma_wait3A_359] : memref<2x10240x128xf32, #tpu.memory_space<hbm>> -> memref<1x625x128xf32, #tpu.memory_space<hbm>>
      %dma_wait3A_361 = tpu.memref_squeeze %dma_wait3A_360 : memref<1x625x128xf32, #tpu.memory_space<hbm>> -> memref<625x128xf32, #tpu.memory_space<hbm>>
      %dma_wait3A_362 = arith.constant 0 : i32
      %dma_wait3A_363 = tpu.memref_slice %arg10[%mul3A_351, %dma_wait3A_362] : memref<10000x128xf32, #tpu.memory_space<vmem_shared>> -> memref<625x128xf32, #tpu.memory_space<vmem_shared>>
      tpu.wait_dma2 semaphore(%run_scoped3A : memref<!tpu.dma_semaphore, #tpu.memory_space<semaphore_mem>>) src(%dma_wait3A_363 : memref<625x128xf32, #tpu.memory_space<vmem_shared>>) dst(%dma_wait3A_361 : memref<625x128xf32, #tpu.memory_space<hbm>>)
      tpu.yield
    }) : () -> ()
    return
  }
}

module attributes {stable_mosaic.version = 14 : i64} {
  func.func @_tc_layer_body(%arg0: i32, %arg1: memref<2x512x128xf32, #tpu.memory_space<vmem>>, %arg2: memref<32x512xf32, #tpu.memory_space<vmem>>, %arg3: memref<512x128xf32, #tpu.memory_space<vmem>>, %arg4: memref<128x128xf32, #tpu.memory_space<vmem>>, %arg5: memref<1x128xf32, #tpu.memory_space<vmem>>, %arg6: memref<128x128xf32, #tpu.memory_space<vmem>>, %arg7: memref<512x128xf32, #tpu.memory_space<vmem>>) attributes {dimension_semantics = [#tpu.dimension_semantics<arbitrary>], iteration_bounds = array<i64: 20>, scalar_prefetch = 0 : i64, scratch_operands = 0 : i64, tpu.core_type = #tpu.core_type<tc>, window_params = [{transform_indices = @transform_0, window_bounds = array<i64: 2, 512, 128>}, {transform_indices = @transform_1, window_bounds = array<i64: 32, 512>}, {transform_indices = @transform_2, window_bounds = array<i64: 512, 128>}, {pipeline_mode = #tpu.pipeline_mode<synchronous>, transform_indices = @transform_3, window_bounds = array<i64: 128, 128>}, {pipeline_mode = #tpu.pipeline_mode<synchronous>, transform_indices = @transform_4, window_bounds = array<i64: 1, 128>}, {pipeline_mode = #tpu.pipeline_mode<synchronous>, transform_indices = @transform_5, window_bounds = array<i64: 128, 128>}, {transform_indices = @transform_6, window_bounds = array<i64: 512, 128>}]} {
    %get3A = arith.constant 0 : index
    %get3A_0 = arith.constant 0 : index
    %get3A_1 = arith.constant 0 : index
    %get3A_2 = vector.load %arg1[%get3A, %get3A_0, %get3A_1] : memref<2x512x128xf32, #tpu.memory_space<vmem>>, vector<1x512x128xf32>
    %get3A_3 = vector.shape_cast %get3A_2 : vector<1x512x128xf32> to vector<512x128xf32>
    %get3A_4 = arith.constant 1 : index
    %get3A_5 = arith.constant 0 : index
    %get3A_6 = arith.constant 0 : index
    %get3A_7 = vector.load %arg1[%get3A_4, %get3A_5, %get3A_6] : memref<2x512x128xf32, #tpu.memory_space<vmem>>, vector<1x512x128xf32>
    %get3A_8 = vector.shape_cast %get3A_7 : vector<1x512x128xf32> to vector<512x128xf32>
    %add3A = arith.addf %get3A_3, %get3A_8 : vector<512x128xf32>
    %get3A_9 = arith.constant 0 : index
    %get3A_10 = arith.constant 0 : index
    %get3A_11 = vector.load %arg2[%get3A_9, %get3A_10] : memref<32x512xf32, #tpu.memory_space<vmem>>, vector<32x512xf32>
    %broadcast_in_dim3A = arith.constant 1.000000e+00 : f32
    %broadcast_in_dim3A_12 = vector.broadcast %broadcast_in_dim3A : f32 to vector<32x1xf32>
    %dot_general3A = arith.constant dense<0.000000e+00> : vector<512x1xf32>
    %dot_general3A_13 = tpu.matmul %get3A_11, %broadcast_in_dim3A_12, %dot_general3A {dimension_numbers = #tpu.dot_dimension_numbers<[0], [0], [1], [1], [0, 1, 1, 1], [], []>, transpose_lhs_hint = false} : vector<32x512xf32>, vector<32x1xf32>, vector<512x1xf32> -> vector<512x1xf32>
    %max3A = arith.constant 1.000000e+00 : f32
    %max3A_14 = vector.broadcast %max3A : f32 to vector<512x1xf32>
    %max3A_15 = arith.maximumf %dot_general3A_13, %max3A_14 : vector<512x1xf32>
    %div3A = arith.constant 1.000000e+00 : f32
    %div3A_16 = vector.broadcast %div3A : f32 to vector<512x1xf32>
    %div3A_17 = arith.divf %div3A_16, %max3A_15 : vector<512x1xf32>
    %mul3A = vector.broadcast %div3A_17 : vector<512x1xf32> to vector<512x128xf32>
    %mul3A_18 = arith.mulf %add3A, %mul3A : vector<512x128xf32>
    %get3A_19 = arith.constant 0 : index
    %get3A_20 = arith.constant 0 : index
    %get3A_21 = vector.load %arg4[%get3A_19, %get3A_20] : memref<128x128xf32, #tpu.memory_space<vmem>>, vector<128x128xf32>
    %dot_general3A_22 = arith.constant dense<0.000000e+00> : vector<512x128xf32>
    %dot_general3A_23 = tpu.matmul %mul3A_18, %get3A_21, %dot_general3A_22 {dimension_numbers = #tpu.dot_dimension_numbers<[1], [0], [0], [1], [0, 0, 1, 1], [], []>, transpose_lhs_hint = false} : vector<512x128xf32>, vector<128x128xf32>, vector<512x128xf32> -> vector<512x128xf32>
    %get3A_24 = arith.constant 0 : index
    %get3A_25 = arith.constant 0 : index
    %get3A_26 = vector.load %arg5[%get3A_24, %get3A_25] : memref<1x128xf32, #tpu.memory_space<vmem>>, vector<1x128xf32>
    %add3A_27 = vector.broadcast %get3A_26 : vector<1x128xf32> to vector<512x128xf32>
    %add3A_28 = arith.addf %dot_general3A_23, %add3A_27 : vector<512x128xf32>
    %get3A_29 = arith.constant 0 : index
    %get3A_30 = arith.constant 0 : index
    %get3A_31 = vector.load %arg3[%get3A_29, %get3A_30] : memref<512x128xf32, #tpu.memory_space<vmem>>, vector<512x128xf32>
    %get3A_32 = arith.constant 0 : index
    %get3A_33 = arith.constant 0 : index
    %get3A_34 = vector.load %arg6[%get3A_32, %get3A_33] : memref<128x128xf32, #tpu.memory_space<vmem>>, vector<128x128xf32>
    %dot_general3A_35 = arith.constant dense<0.000000e+00> : vector<512x128xf32>
    %dot_general3A_36 = tpu.matmul %get3A_31, %get3A_34, %dot_general3A_35 {dimension_numbers = #tpu.dot_dimension_numbers<[1], [0], [0], [1], [0, 0, 1, 1], [], []>, transpose_lhs_hint = false} : vector<512x128xf32>, vector<128x128xf32>, vector<512x128xf32> -> vector<512x128xf32>
    %add3A_37 = arith.addf %add3A_28, %dot_general3A_36 : vector<512x128xf32>
    %max3A_38 = arith.constant 0.000000e+00 : f32
    %max3A_39 = vector.broadcast %max3A_38 : f32 to vector<512x128xf32>
    %max3A_40 = arith.maximumf %add3A_37, %max3A_39 : vector<512x128xf32>
    %mul3A_41 = arith.constant 512 : i32
    %mul3A_42 = arith.muli %arg0, %mul3A_41 : i32
    %iota3A = tpu.iota {dimensions = array<i32: 0>} : vector<512x1xi32>
    %add3A_43 = vector.broadcast %mul3A_42 : i32 to vector<512x1xi32>
    %add3A_44 = arith.addi %add3A_43, %iota3A : vector<512x1xi32>
    %lt3A = arith.constant 10000 : i32
    %lt3A_45 = vector.broadcast %lt3A : i32 to vector<512x1xi32>
    %lt3A_46 = arith.cmpi slt, %add3A_44, %lt3A_45 : vector<512x1xi32>
    %jit3A = arith.constant 0.000000e+00 : f32
    %broadcast_in_dim3A_47 = vector.shape_cast %lt3A_46 : vector<512x1xi1> to vector<512x1xi1>
    %broadcast_in_dim3A_48 = vector.broadcast %broadcast_in_dim3A_47 : vector<512x1xi1> to vector<512x128xi1>
    %broadcast_in_dim3A_49 = vector.broadcast %jit3A : f32 to vector<512x128xf32>
    %select_n3A = arith.select %broadcast_in_dim3A_48, %max3A_40, %broadcast_in_dim3A_49 : vector<512x128xi1>, vector<512x128xf32>
    %swap3A = arith.constant 0 : index
    %swap3A_50 = arith.constant 0 : index
    %swap3A_51 = vector.load %arg7[%swap3A, %swap3A_50] : memref<512x128xf32, #tpu.memory_space<vmem>>, vector<512x128xf32>
    tpu.vector_store %arg7[%swap3A, %swap3A_50], %select_n3A {strides = array<i32>} : memref<512x128xf32, #tpu.memory_space<vmem>>, vector<512x128xf32>,
    return
  }
  func.func @transform_0(%arg0: i32) -> (i32, i32, i32) {
    %c0_i32 = arith.constant 0 : i32
    %c0_i32_0 = arith.constant 0 : i32
    %c0_i32_1 = arith.constant 0 : i32
    return %c0_i32, %arg0, %c0_i32_0 : i32, i32, i32
  }
  func.func @transform_1(%arg0: i32) -> (i32, i32) {
    %c0_i32 = arith.constant 0 : i32
    %c0_i32_0 = arith.constant 0 : i32
    return %c0_i32, %arg0 : i32, i32
  }
  func.func @transform_2(%arg0: i32) -> (i32, i32) {
    %c0_i32 = arith.constant 0 : i32
    %c0_i32_0 = arith.constant 0 : i32
    return %arg0, %c0_i32 : i32, i32
  }
  func.func @transform_3(%arg0: i32) -> (i32, i32) {
    %c0_i32 = arith.constant 0 : i32
    %c0_i32_0 = arith.constant 0 : i32
    %c0_i32_1 = arith.constant 0 : i32
    return %c0_i32, %c0_i32_0 : i32, i32
  }
  func.func @transform_4(%arg0: i32) -> (i32, i32) {
    %c0_i32 = arith.constant 0 : i32
    %c0_i32_0 = arith.constant 0 : i32
    %c0_i32_1 = arith.constant 0 : i32
    return %c0_i32, %c0_i32_0 : i32, i32
  }
  func.func @transform_5(%arg0: i32) -> (i32, i32) {
    %c0_i32 = arith.constant 0 : i32
    %c0_i32_0 = arith.constant 0 : i32
    %c0_i32_1 = arith.constant 0 : i32
    return %c0_i32, %c0_i32_0 : i32, i32
  }
  func.func @transform_6(%arg0: i32) -> (i32, i32) {
    %c0_i32 = arith.constant 0 : i32
    %c0_i32_0 = arith.constant 0 : i32
    return %arg0, %c0_i32 : i32, i32
  }
}

module attributes {stable_mosaic.version = 14 : i64} {
  func.func @_tc_last_body(%arg0: i32, %arg1: memref<2x512x128xf32, #tpu.memory_space<vmem>>, %arg2: memref<32x512xf32, #tpu.memory_space<vmem>>, %arg3: memref<512x128xf32, #tpu.memory_space<vmem>>, %arg4: memref<128x128xf32, #tpu.memory_space<vmem>>, %arg5: memref<1x128xf32, #tpu.memory_space<vmem>>, %arg6: memref<128x128xf32, #tpu.memory_space<vmem>>, %arg7: memref<512x128xf32, #tpu.memory_space<vmem>>, %arg8: memref<512x128xf32, #tpu.memory_space<vmem>>, %arg9: memref<512x128xf32, #tpu.memory_space<vmem>>, %arg10: memref<1x128xf32, #tpu.memory_space<vmem>>, %arg11: memref<512x128xf32, #tpu.memory_space<vmem>>) attributes {dimension_semantics = [#tpu.dimension_semantics<arbitrary>], iteration_bounds = array<i64: 20>, scalar_prefetch = 0 : i64, scratch_operands = 0 : i64, tpu.core_type = #tpu.core_type<tc>, window_params = [{transform_indices = @transform_0, window_bounds = array<i64: 2, 512, 128>}, {transform_indices = @transform_1, window_bounds = array<i64: 32, 512>}, {transform_indices = @transform_2, window_bounds = array<i64: 512, 128>}, {pipeline_mode = #tpu.pipeline_mode<synchronous>, transform_indices = @transform_3, window_bounds = array<i64: 128, 128>}, {pipeline_mode = #tpu.pipeline_mode<synchronous>, transform_indices = @transform_4, window_bounds = array<i64: 1, 128>}, {pipeline_mode = #tpu.pipeline_mode<synchronous>, transform_indices = @transform_5, window_bounds = array<i64: 128, 128>}, {transform_indices = @transform_6, window_bounds = array<i64: 512, 128>}, {transform_indices = @transform_7, window_bounds = array<i64: 512, 128>}, {pipeline_mode = #tpu.pipeline_mode<synchronous>, transform_indices = @transform_8, window_bounds = array<i64: 512, 128>}, {pipeline_mode = #tpu.pipeline_mode<synchronous>, transform_indices = @transform_9, window_bounds = array<i64: 1, 128>}, {transform_indices = @transform_10, window_bounds = array<i64: 512, 128>}]} {
    %get3A = arith.constant 0 : index
    %get3A_0 = arith.constant 0 : index
    %get3A_1 = arith.constant 0 : index
    %get3A_2 = vector.load %arg1[%get3A, %get3A_0, %get3A_1] : memref<2x512x128xf32, #tpu.memory_space<vmem>>, vector<1x512x128xf32>
    %get3A_3 = vector.shape_cast %get3A_2 : vector<1x512x128xf32> to vector<512x128xf32>
    %get3A_4 = arith.constant 1 : index
    %get3A_5 = arith.constant 0 : index
    %get3A_6 = arith.constant 0 : index
    %get3A_7 = vector.load %arg1[%get3A_4, %get3A_5, %get3A_6] : memref<2x512x128xf32, #tpu.memory_space<vmem>>, vector<1x512x128xf32>
    %get3A_8 = vector.shape_cast %get3A_7 : vector<1x512x128xf32> to vector<512x128xf32>
    %add3A = arith.addf %get3A_3, %get3A_8 : vector<512x128xf32>
    %get3A_9 = arith.constant 0 : index
    %get3A_10 = arith.constant 0 : index
    %get3A_11 = vector.load %arg2[%get3A_9, %get3A_10] : memref<32x512xf32, #tpu.memory_space<vmem>>, vector<32x512xf32>
    %broadcast_in_dim3A = arith.constant 1.000000e+00 : f32
    %broadcast_in_dim3A_12 = vector.broadcast %broadcast_in_dim3A : f32 to vector<32x1xf32>
    %dot_general3A = arith.constant dense<0.000000e+00> : vector<512x1xf32>
    %dot_general3A_13 = tpu.matmul %get3A_11, %broadcast_in_dim3A_12, %dot_general3A {dimension_numbers = #tpu.dot_dimension_numbers<[0], [0], [1], [1], [0, 1, 1, 1], [], []>, transpose_lhs_hint = false} : vector<32x512xf32>, vector<32x1xf32>, vector<512x1xf32> -> vector<512x1xf32>
    %max3A = arith.constant 1.000000e+00 : f32
    %max3A_14 = vector.broadcast %max3A : f32 to vector<512x1xf32>
    %max3A_15 = arith.maximumf %dot_general3A_13, %max3A_14 : vector<512x1xf32>
    %div3A = arith.constant 1.000000e+00 : f32
    %div3A_16 = vector.broadcast %div3A : f32 to vector<512x1xf32>
    %div3A_17 = arith.divf %div3A_16, %max3A_15 : vector<512x1xf32>
    %mul3A = vector.broadcast %div3A_17 : vector<512x1xf32> to vector<512x128xf32>
    %mul3A_18 = arith.mulf %add3A, %mul3A : vector<512x128xf32>
    %get3A_19 = arith.constant 0 : index
    %get3A_20 = arith.constant 0 : index
    %get3A_21 = vector.load %arg4[%get3A_19, %get3A_20] : memref<128x128xf32, #tpu.memory_space<vmem>>, vector<128x128xf32>
    %dot_general3A_22 = arith.constant dense<0.000000e+00> : vector<512x128xf32>
    %dot_general3A_23 = tpu.matmul %mul3A_18, %get3A_21, %dot_general3A_22 {dimension_numbers = #tpu.dot_dimension_numbers<[1], [0], [0], [1], [0, 0, 1, 1], [], []>, transpose_lhs_hint = false} : vector<512x128xf32>, vector<128x128xf32>, vector<512x128xf32> -> vector<512x128xf32>
    %get3A_24 = arith.constant 0 : index
    %get3A_25 = arith.constant 0 : index
    %get3A_26 = vector.load %arg5[%get3A_24, %get3A_25] : memref<1x128xf32, #tpu.memory_space<vmem>>, vector<1x128xf32>
    %add3A_27 = vector.broadcast %get3A_26 : vector<1x128xf32> to vector<512x128xf32>
    %add3A_28 = arith.addf %dot_general3A_23, %add3A_27 : vector<512x128xf32>
    %get3A_29 = arith.constant 0 : index
    %get3A_30 = arith.constant 0 : index
    %get3A_31 = vector.load %arg3[%get3A_29, %get3A_30] : memref<512x128xf32, #tpu.memory_space<vmem>>, vector<512x128xf32>
    %get3A_32 = arith.constant 0 : index
    %get3A_33 = arith.constant 0 : index
    %get3A_34 = vector.load %arg6[%get3A_32, %get3A_33] : memref<128x128xf32, #tpu.memory_space<vmem>>, vector<128x128xf32>
    %dot_general3A_35 = arith.constant dense<0.000000e+00> : vector<512x128xf32>
    %dot_general3A_36 = tpu.matmul %get3A_31, %get3A_34, %dot_general3A_35 {dimension_numbers = #tpu.dot_dimension_numbers<[1], [0], [0], [1], [0, 0, 1, 1], [], []>, transpose_lhs_hint = false} : vector<512x128xf32>, vector<128x128xf32>, vector<512x128xf32> -> vector<512x128xf32>
    %add3A_37 = arith.addf %add3A_28, %dot_general3A_36 : vector<512x128xf32>
    %max3A_38 = arith.constant 0.000000e+00 : f32
    %max3A_39 = vector.broadcast %max3A_38 : f32 to vector<512x128xf32>
    %max3A_40 = arith.maximumf %add3A_37, %max3A_39 : vector<512x128xf32>
    %get3A_41 = arith.constant 0 : index
    %get3A_42 = arith.constant 0 : index
    %get3A_43 = vector.load %arg7[%get3A_41, %get3A_42] : memref<512x128xf32, #tpu.memory_space<vmem>>, vector<512x128xf32>
    %get3A_44 = arith.constant 0 : index
    %get3A_45 = arith.constant 0 : index
    %get3A_46 = vector.load %arg9[%get3A_44, %get3A_45] : memref<512x128xf32, #tpu.memory_space<vmem>>, vector<128x128xf32>
    %dot_general3A_47 = arith.constant dense<0.000000e+00> : vector<512x128xf32>
    %dot_general3A_48 = tpu.matmul %get3A_43, %get3A_46, %dot_general3A_47 {dimension_numbers = #tpu.dot_dimension_numbers<[1], [0], [0], [1], [0, 0, 1, 1], [], []>, transpose_lhs_hint = false} : vector<512x128xf32>, vector<128x128xf32>, vector<512x128xf32> -> vector<512x128xf32>
    %get3A_49 = arith.constant 0 : index
    %get3A_50 = arith.constant 0 : index
    %get3A_51 = vector.load %arg8[%get3A_49, %get3A_50] : memref<512x128xf32, #tpu.memory_space<vmem>>, vector<512x128xf32>
    %get3A_52 = arith.constant 128 : index
    %get3A_53 = arith.constant 0 : index
    %get3A_54 = vector.load %arg9[%get3A_52, %get3A_53] : memref<512x128xf32, #tpu.memory_space<vmem>>, vector<128x128xf32>
    %dot_general3A_55 = arith.constant dense<0.000000e+00> : vector<512x128xf32>
    %dot_general3A_56 = tpu.matmul %get3A_51, %get3A_54, %dot_general3A_55 {dimension_numbers = #tpu.dot_dimension_numbers<[1], [0], [0], [1], [0, 0, 1, 1], [], []>, transpose_lhs_hint = false} : vector<512x128xf32>, vector<128x128xf32>, vector<512x128xf32> -> vector<512x128xf32>
    %add3A_57 = arith.addf %dot_general3A_48, %dot_general3A_56 : vector<512x128xf32>
    %get3A_58 = arith.constant 0 : index
    %get3A_59 = arith.constant 0 : index
    %get3A_60 = vector.load %arg3[%get3A_58, %get3A_59] : memref<512x128xf32, #tpu.memory_space<vmem>>, vector<512x128xf32>
    %get3A_61 = arith.constant 256 : index
    %get3A_62 = arith.constant 0 : index
    %get3A_63 = vector.load %arg9[%get3A_61, %get3A_62] : memref<512x128xf32, #tpu.memory_space<vmem>>, vector<128x128xf32>
    %dot_general3A_64 = arith.constant dense<0.000000e+00> : vector<512x128xf32>
    %dot_general3A_65 = tpu.matmul %get3A_60, %get3A_63, %dot_general3A_64 {dimension_numbers = #tpu.dot_dimension_numbers<[1], [0], [0], [1], [0, 0, 1, 1], [], []>, transpose_lhs_hint = false} : vector<512x128xf32>, vector<128x128xf32>, vector<512x128xf32> -> vector<512x128xf32>
    %add3A_66 = arith.addf %add3A_57, %dot_general3A_65 : vector<512x128xf32>
    %get3A_67 = arith.constant 384 : index
    %get3A_68 = arith.constant 0 : index
    %get3A_69 = vector.load %arg9[%get3A_67, %get3A_68] : memref<512x128xf32, #tpu.memory_space<vmem>>, vector<128x128xf32>
    %dot_general3A_70 = arith.constant dense<0.000000e+00> : vector<512x128xf32>
    %dot_general3A_71 = tpu.matmul %max3A_40, %get3A_69, %dot_general3A_70 {dimension_numbers = #tpu.dot_dimension_numbers<[1], [0], [0], [1], [0, 0, 1, 1], [], []>, transpose_lhs_hint = false} : vector<512x128xf32>, vector<128x128xf32>, vector<512x128xf32> -> vector<512x128xf32>
    %add3A_72 = arith.addf %add3A_66, %dot_general3A_71 : vector<512x128xf32>
    %get3A_73 = arith.constant 0 : index
    %get3A_74 = arith.constant 0 : index
    %get3A_75 = vector.load %arg10[%get3A_73, %get3A_74] : memref<1x128xf32, #tpu.memory_space<vmem>>, vector<1x128xf32>
    %add3A_76 = vector.broadcast %get3A_75 : vector<1x128xf32> to vector<512x128xf32>
    %add3A_77 = arith.addf %add3A_72, %add3A_76 : vector<512x128xf32>
    %swap3A = arith.constant 0 : index
    %swap3A_78 = arith.constant 0 : index
    %swap3A_79 = vector.load %arg11[%swap3A, %swap3A_78] : memref<512x128xf32, #tpu.memory_space<vmem>>, vector<512x128xf32>
    tpu.vector_store %arg11[%swap3A, %swap3A_78], %add3A_77 {strides = array<i32>} : memref<512x128xf32, #tpu.memory_space<vmem>>, vector<512x128xf32>,
    return
  }
  func.func @transform_0(%arg0: i32) -> (i32, i32, i32) {
    %c0_i32 = arith.constant 0 : i32
    %c0_i32_0 = arith.constant 0 : i32
    %c0_i32_1 = arith.constant 0 : i32
    return %c0_i32, %arg0, %c0_i32_0 : i32, i32, i32
  }
  func.func @transform_1(%arg0: i32) -> (i32, i32) {
    %c0_i32 = arith.constant 0 : i32
    %c0_i32_0 = arith.constant 0 : i32
    return %c0_i32, %arg0 : i32, i32
  }
  func.func @transform_2(%arg0: i32) -> (i32, i32) {
    %c0_i32 = arith.constant 0 : i32
    %c0_i32_0 = arith.constant 0 : i32
    return %arg0, %c0_i32 : i32, i32
  }
  func.func @transform_3(%arg0: i32) -> (i32, i32) {
    %c0_i32 = arith.constant 0 : i32
    %c0_i32_0 = arith.constant 0 : i32
    %c0_i32_1 = arith.constant 0 : i32
    return %c0_i32, %c0_i32_0 : i32, i32
  }
  func.func @transform_4(%arg0: i32) -> (i32, i32) {
    %c0_i32 = arith.constant 0 : i32
    %c0_i32_0 = arith.constant 0 : i32
    %c0_i32_1 = arith.constant 0 : i32
    return %c0_i32, %c0_i32_0 : i32, i32
  }
  func.func @transform_5(%arg0: i32) -> (i32, i32) {
    %c0_i32 = arith.constant 0 : i32
    %c0_i32_0 = arith.constant 0 : i32
    %c0_i32_1 = arith.constant 0 : i32
    return %c0_i32, %c0_i32_0 : i32, i32
  }
  func.func @transform_6(%arg0: i32) -> (i32, i32) {
    %c0_i32 = arith.constant 0 : i32
    %c0_i32_0 = arith.constant 0 : i32
    return %arg0, %c0_i32 : i32, i32
  }
  func.func @transform_7(%arg0: i32) -> (i32, i32) {
    %c0_i32 = arith.constant 0 : i32
    %c0_i32_0 = arith.constant 0 : i32
    return %arg0, %c0_i32 : i32, i32
  }
  func.func @transform_8(%arg0: i32) -> (i32, i32) {
    %c0_i32 = arith.constant 0 : i32
    %c0_i32_0 = arith.constant 0 : i32
    %c0_i32_1 = arith.constant 0 : i32
    return %c0_i32, %c0_i32_0 : i32, i32
  }
  func.func @transform_9(%arg0: i32) -> (i32, i32) {
    %c0_i32 = arith.constant 0 : i32
    %c0_i32_0 = arith.constant 0 : i32
    %c0_i32_1 = arith.constant 0 : i32
    return %c0_i32, %c0_i32_0 : i32, i32
  }
  func.func @transform_10(%arg0: i32) -> (i32, i32) {
    %c0_i32 = arith.constant 0 : i32
    %c0_i32_0 = arith.constant 0 : i32
    return %arg0, %c0_i32 : i32, i32
  }
}

</mosaic_0001>

<sc_bundles>
// kernel: kernel.12.cloned.1.call-start
scs
__scs_entry_jumppad:
0x0: {  	(pc) =	sbr.rel $0x88, $3  }
0x1: {  	(tag) =	ssettag $0x0;
	lr =	simm.s32 $0x1  }
0x2: {  	[smem:$0x3F9A] =	sst lr;
	_ =	strace $0xD0000000  }
0x3: {  	_ = 	snop  }
0x4: {  	_ = 	snop  }
0x5: {  	_ = 	snop  }
0x6: {  	_ = 	snop  }
0x7: {  	_ = 	snop  }
__scs_overlays_trampoline_lowered:
0x8: {  	[smem:$0x3FA9] =	sst s0  }
0x9: {  	[smem:$0x3FAA] =	sst s1  }
0xa: {  	[smem:$0x3FAB] =	sst s2  }
0xb: {  	[smem:$0x3FAC] =	sst s3  }
0xc: {  	[smem:$0x3FAD] =	sst s4  }
0xd: {  	[smem:$0x3FAE] =	sst s5  }
0xe: {  	[smem:$0x3FAF] =	sst s6  }
0xf: {  	[smem:$0x3FB0] =	sst s7  }
0x10: {  	[smem:$0x3FB1] =	sst s8  }
0x11: {  	[smem:$0x3FB2] =	sst s9;
	s0 =	simm.s32 @!p0 $0x0  }
0x12: {  	s1 =	sld [smem:$0x3F98];
	s0 =	simm.s32 @p0 $0x1  }
0x13: {  	[smem:$0x3FB3] =	sst s0;
	s0 =	simm.s32 @!p1 $0x0  }
0x14: {  	s2 =	sld [smem:$0x3F97];
	s0 =	simm.s32 @p1 $0x1  }
0x15: {  	[smem:$0x3FB4] =	sst s0;
	s0 =	simm.s32 @!p2 $0x0  }
0x16: {  	s3 =	sld [smem:$0x3FDB];
	s0 =	simm.s32 @p2 $0x1  }
0x17: {  	s4 =	simm.s32 $0x1BF5;
	[smem:$0x3FB6] =	sst s0  }
0x18: {  	s0 =	sld [smem:$0x3F99];
	_ =	swait.ge [sflag:s4], $0x0  }
0x19: {  	s7 =	sld [smem:$0x3F9A]  }
0x1a: {  	s8 =	sadd.s32 $0xFFFFE003, lr  }
0x1b: {  	s9 =	sadd.s32 $0xFFFFFEF7, lr;
	s5 =	simm.s32 $0xFFFFFFFF;
	p2 =	slt.u32 s8, $0xFFFFF086  }
0x1c: {  	p1 =	slt.u32 s9, $0xF7A;
	s5 =	simm.s32 @!p2 $0x0  }
0x1d: {  	s5 =	simm.s32 @p1 $0x1;
	p0 =	seq.s32 s7, s2  }
0x1e: {  	s7 =	smul.u32 @!p0 $0xF7A, s2;
	p2 =	seq.s32 @!p0 s5, $0x0  }
0x1f: {  	s9 =	smul.u32 $0xF7A, s1;
	s8 =	simm.s32 @!p0 $0x1BF5;
	p2 =	por !p2, p0  }
0x20: {  	[sflag:s8] =	ssyncset.s32 @!p0 $0xFFFFF086;
	s6 =	sadd.s32 @!p0 s3, s7;
	s7 =	simm.s32 @!p0 $0x108  }
0x21: {  	s3 =	sadd.s32 s3, s9;
	s6 =	sadd.s32 @!p0 $0x88, s6;
	s7 =	simm.s32 @p2 $0x1082  }
0x22: {  	[simem:s7], [sflag:s8] =	dma.local @!p0 [hbm:s6], $0xF7A  }
0x23: {  	s9 =	sor.u32 $0xD0000000, s2;
	s6 =	simm.s32 $0x108;
	_ =	swait.ge @!p0 [sflag:s8], $0x0  }
0x24: {  	s3 =	sadd.s32 $0x88, s3;
	s6 =	simm.s32 @!p1 $0x1082;
	[sflag:s4] =	ssyncset.s32 $0xFFFFF086  }
0x25: {  	[simem:s6], [sflag:s4] =	dma.local [hbm:s3], $0xF7A  }
0x26: {  	[smem:$0x3F9A] =	sst s1;
	(tag) =	ssettag s2;
	_ =	strace s9  }
0x27: {  	s1 =	sld [smem:$0x3FAA]  }
0x28: {  	s2 =	sld [smem:$0x3FAB]  }
0x29: {  	s4 =	sld [smem:$0x3FAD]  }
0x2a: {  	p0 =	seq.s32 s5, $0x0;
	s5 =	sld [smem:$0x3FAE]  }
0x2b: {  	s6 =	sld [smem:$0x3FAF]  }
0x2c: {  	s7 =	sld [smem:$0x3FB0]  }
0x2d: {  	s3 =	simm.s32 $0x108;
	s8 =	sld [smem:$0x3FB1]  }
0x2e: {  	s3 =	simm.s32 @!p0 $0x1082;
	s9 =	sld [smem:$0x3FB2]  }
0x2f: {  	lr =	sadd.s32 s0, s3;
	s0 =	sld [smem:$0x3FA9]  }
0x30: {  	s3 =	sld [smem:$0x3FAC]  }
0x31: {  	[smem:$0x3FB5] =	sst s10  }
0x32: {  	s10 =	sld [smem:$0x3FB3];
	_ =	sdelay $0x3  }
0x33: {  	p0 =	seq.s32 s10, $0x1;
	s10 =	sld [smem:$0x3FB5];
	_ =	sdelay $0x3  }
0x34: {  	[smem:$0x3FB5] =	sst s10  }
0x35: {  	s10 =	sld [smem:$0x3FB4];
	_ =	sdelay $0x3  }
0x36: {  	p1 =	seq.s32 s10, $0x1;
	s10 =	sld [smem:$0x3FB5];
	_ =	sdelay $0x3  }
0x37: {  	[smem:$0x3FB5] =	sst s10  }
0x38: {  	s10 =	sld [smem:$0x3FB6]  }
0x39: {  	_ = 	snop;
	(pc) =	sbr.ind lr, $3  }
0x3a: {  	_ = 	snop  }
0x3b: {  	_ = 	snop  }
0x3c: {  	p2 =	seq.s32 s10, $0x1;
	s10 =	sld [smem:$0x3FB5]  }
0x3d: {  	_ =	shalt  }
0x3e: {  	_ =	shalt  }
0x3f: {  	_ =	shalt  }
0x40: {  	_ =	shalt  }
0x41: {  	_ =	shalt  }
0x42: {  	_ =	shalt  }
0x43: {  	_ =	shalt  }
0x44: {  	_ =	shalt  }
0x45: {  	_ =	shalt  }
0x46: {  	_ =	shalt  }
0x47: {  	_ =	shalt  }
0x48: {  	_ =	shalt  }
0x49: {  	_ =	shalt  }
0x4a: {  	_ =	shalt  }
0x4b: {  	_ =	shalt  }
0x4c: {  	_ =	shalt  }
0x4d: {  	_ =	shalt  }
0x4e: {  	_ =	shalt  }
0x4f: {  	_ =	shalt  }
0x50: {  	_ =	shalt  }
0x51: {  	_ =	shalt  }
0x52: {  	_ =	shalt  }
0x53: {  	_ =	shalt  }
0x54: {  	_ =	shalt  }
0x55: {  	_ =	shalt  }
0x56: {  	_ =	shalt  }
0x57: {  	_ =	shalt  }
0x58: {  	_ =	shalt  }
0x59: {  	_ =	shalt  }
0x5a: {  	_ =	shalt  }
0x5b: {  	_ =	shalt  }
0x5c: {  	_ =	shalt  }
0x5d: {  	_ =	shalt  }
0x5e: {  	_ =	shalt  }
0x5f: {  	_ =	shalt  }
0x60: {  	_ =	shalt  }
0x61: {  	_ =	shalt  }
0x62: {  	_ =	shalt  }
0x63: {  	_ =	shalt  }
0x64: {  	_ =	shalt  }
0x65: {  	_ =	shalt  }
0x66: {  	_ =	shalt  }
0x67: {  	_ =	shalt  }
0x68: {  	_ =	shalt  }
0x69: {  	_ =	shalt  }
0x6a: {  	_ =	shalt  }
0x6b: {  	_ =	shalt  }
0x6c: {  	_ =	shalt  }
0x6d: {  	_ =	shalt  }
0x6e: {  	_ =	shalt  }
0x6f: {  	_ =	shalt  }
0x70: {  	_ =	shalt  }
0x71: {  	_ =	shalt  }
0x72: {  	_ =	shalt  }
0x73: {  	_ =	shalt  }
0x74: {  	_ =	shalt  }
0x75: {  	_ =	shalt  }
0x76: {  	_ =	shalt  }
0x77: {  	_ =	shalt  }
0x78: {  	_ =	shalt  }
0x79: {  	_ =	shalt  }
0x7a: {  	_ =	shalt  }
0x7b: {  	_ =	shalt  }
0x7c: {  	_ =	shalt  }
0x7d: {  	_ =	shalt  }
0x7e: {  	_ =	shalt  }
0x7f: {  	_ =	shalt  }
0x80: {  	_ =	shalt  }
0x81: {  	_ =	shalt  }
0x82: {  	_ =	shalt  }
0x83: {  	_ =	shalt  }
0x84: {  	_ =	shalt  }
0x85: {  	_ =	shalt  }
0x86: {  	_ =	shalt  }
0x87: {  	_ =	shalt  }
.Lfunc_end0:
.L_simem_size_0:
called_computation.1_lowered:
.L_overlay_start_0:
0x88: {  	s2 =	sld [smem:$0x3FD9]  }
0x89: {  	s3 =	sld [smem:$0x3FFE];
	_ =	sdelay $0x1  }
0x8a: {  	s1 =	srdreg.scid  }
0x8b: {  	s0 =	sand.u32 $0x1, s1  }
0x8c: {  	s17 =	sshll.u32 s0, $0xA;
	s2 =	sadd.s32 s3, s2  }
0x8d: {  	s2 =	sadd.s32 s2, s17  }
0x8e: {  	[smem:$0x3FC1] =	sst s2  }
0x8f: {  	_ = 	snop  }
0x90: {  	s18 =	sld [smem:$0x3FD0];
	(tm) =	ssettm $0x1  }
0x91: {  	s19 =	sld [smem:$0x3FFB];
	_ =	sdelay $0x3  }
0x92: {  	_ =	strace s19  }
0x93: {  	s2 =	sld [smem:$0x3FFC];
	_ =	sdelay $0x3  }
0x94: {  	_ =	strace s2  }
0x95: {  	s2 =	sld [smem:$0x3FFD];
	_ =	sdelay $0x3  }
0x96: {  	_ =	strace s2  }
0x97: {  	_ =	strace $0x8FFFFFFF  }
0x98: {  	s20 =	sld [smem:$0x3FDB];
	_ =	sdelay $0x1  }
0x99: {  	s4 =	simm.s32 $_scs_section_size  }
0x9a: {  	s5 =	simm.s32 $_size__tile_overlayer_lowered;
	s6 =	simm.s32 $_tile_overlayer_lowered  }
0x9b: {  	s7 =	simm.s32 $0x1BFF;
	s21 =	sshll.u32 s6, $0x1;
	s4 =	sadd.s32 s4, s20  }
0x9c: {  	s22 =	simm.s32 $0x0;
	s5 =	sshll.u32 s5, $0x1;
	s6 =	sadd.s32 s21, s4  }
0x9d: {  	[timem:s22], [sflag:s7] =	dma.local [hbm:s6], s5  }
0x9e: {  	_ =	swait.ge [sflag:s7], s5  }
0x9f: {  	s5 =	ssub.s32 $0x0, s5;
	[sflag:s7] =	ssyncset.done $0x0  }
0xa0: {  	[sflag:s7] =	ssyncadd.s32 s5;
	_ =	sdelay $0x1  }
0xa1: {  	s23 =	simm.s32 $0x1B8B  }
0xa2: {  	_ =	swait.ge [sflag:s23], $0x1  }
0xa3: {  	[sflag:s23] =	ssyncset.done $0x0  }
0xa4: {  	[sflag:s23] =	ssyncadd.s32 $0xFFFFFFFF  }
0xa5: {  	s5 =	sld [smem:$0x0]  }
0xa6: {  	s6 =	sand.u32 $0xFFFFFFFE, s1  }
0xa7: {  	p0 =	sne.s32 s1, s6  }
0xa8: {  	s6 =	sshll.u32 @p0 s6, $0xE  }
0xa9: {  	s6 =	sadd.s32 @p0 $0x11B8D, s6;
	s7 =	sshll.u32 @p0 s5, $0x11  }
0xaa: {  	s6 =	sor.u32 @p0 s7, s6  }
0xab: {  	[sflag:s6] =	ssyncadd.remote.s32 @p0 $0x1;
	_ =	sdelay $0x1  }
0xac: {  	s6 =	simm.s32 @p0 $0x1B8D  }
0xad: {  	_ =	swait.eq @p0 [sflag:s6], $0x1  }
0xae: {  	[sflag:s6] =	ssyncadd.s32 @p0 $0xFFFFFFFF  }
0xaf: {  	s7 =	sshll.u32 @!p0 s1, $0xE  }
0xb0: {  	s7 =	sor.u32 @!p0 $0x4000, s7;
	s6 =	simm.s32 @!p0 $0x1B8D  }
0xb1: {  	s5 =	sshll.u32 @!p0 s5, $0x11;
	s7 =	sadd.s32 @!p0 $0x11B8D, s7;
	_ =	swait.eq @!p0 [sflag:s6], $0x1  }
0xb2: {  	s5 =	sor.u32 @!p0 s5, s7;
	[sflag:s6] =	ssyncadd.s32 @!p0 $0xFFFFFFFF  }
0xb3: {  	s25 =	simm.s32 $0x1B8E;
	s24 =	sld [smem:$0x3FFE];
	[sflag:s5] =	ssyncadd.remote.s32 @!p0 $0x1  }
0xb4: {  	s26 =	simm.s32 $execute0_lowered;
	[smem:$0x3FD2] =	sst s25  }
0xb5: {  	s6 =	sshll.u32 s26, $0x1;
	_ =	strace $0x80000049;
	[dreg:$0x1] =	wrdreg $0xFFFFFFFF  }
0xb6: {  	s28 =	simm.s32 $_size_execute0_lowered;
	s4 =	sadd.s32 s4, s6;
	[dreg:$0x0] =	wrdreg $0x0  }
0xb7: {  	s6 =	sshll.u32 s28, $0x1;
	[dreg:$0x2] =	wrdreg s4  }
0xb8: {  	[dreg:$0x3] =	wrdreg s6  }
0xb9: {  	[dreg:$0x4] =	wrdreg $0xC0  }
0xba: {  	_ =	task [dreg:s22], $0x5FFFF  }
0xbb: {  	[dreg:$0x1] =	wrdreg $0xFFFFFFFF  }
0xbc: {  	[dreg:$0x0] =	wrdreg $0x60  }
0xbd: {  	[dreg:$0x2] =	wrdreg s18  }
0xbe: {  	[dreg:$0x3] =	wrdreg s24  }
0xbf: {  	[dreg:$0x4] =	wrdreg $0xC6200  }
0xc0: {  	[dreg:$0x5] =	wrdreg $0xA  }
0xc1: {  	_ =	task.clear_ibuf [dreg:s22], $0x6FFFF;
	_ =	strace $0x90000049  }
0xc2: {  	s29 =	simm.s32 $0xA;
	_ =	strace $0x8000004B  }
0xc3: {  	_ =	swait.ge [sflag:s29], $0x1  }
0xc4: {  	[sflag:s29] =	ssyncadd.s32 $0xFFFFFFFF  }
0xc5: {  	_ =	strace $0x9000004B  }
0xc6: {  	_ =	sfence  }
0xc7: {  	s30 =	sld [smem:$0x0];
	_ =	sdelay $0x2  }
0xc8: {  	s31 =	sshll.u32 s1, $0xD;
	s1 =	sshrl.u32 s1, $0x2  }
0xc9: {  	s4 =	sand.u32 $0x4000, s31;
	s1 =	sadd.s32 s1, s30  }
0xca: {  	s0 =	sor.u32 s4, s0;
	s1 =	sshll.u32 s1, $0x11  }
0xcb: {  	s0 =	sor.u32 s1, s0  }
0xcc: {  	s0 =	sadd.s32 $0x8F2B, s0  }
0xcd: {  	[sflag:s0] =	ssyncadd.remote.s32 $0x1  }
0xce: {  	_ =	sfence.sel $0xFFFF  }
0xcf: {  	[dreg:$0x0] =	wrdreg $0xFFFFFFFF;
	(pc) =	sbr.abs _section_cstart, $3  }
0xd0: {  	[dreg:$0x1] =	wrdreg $0xFFFFFFFF  }
0xd1: {  	_ =	task.clear_ibuf [dreg:s22], $0x2FFFF;
	_ =	strace $0x9FFFFFFF  }
0xd2: {  	(tm) =	ssettm $0x7FFFFFFF  }
0xd3: {  	_ =	shalt  }
tec
execute0_lowered:
.L_overlay_start_1:
0x0: {  	(tag) =	ssettag $0x1  }
0x1: {  	s0 =	rddreg [dreg:$0x0]  }
0x2: {  	s1 =	rddreg [dreg:$0x1];
	s3 =	srdreg.scid  }
0x3: {  	s9 =	stileid.u32;
	s2 =	rddreg [dreg:$0x2];
	s22 =	simm.s32 $0x8  }
0x4: {  	s21 =	simm.s32 $0x7;
	s28 =	simm.s32 $0x4;
	s29 =	simm.s32 $0x5  }
0x5: {  	s30 =	simm.s32 $0x0;
	s5 =	sand.u32 $0x1, s3;
	s6 =	smul.u32 $0x13880, s9  }
0x6: {  	s3 =	simm.s32 $0x0;
	s8 =	smul.u32 $0x4E200, s9;
	s9 =	sshll.u32 s9, $0x1  }
0x7: {  	s4 =	smul.u32 $0x140000, s5;
	[smem:$0x7FF] =	sst s3;
	s23 =	ssub.s32 $0x2, s5  }
0x8: {  	s5 =	sor.u32 s5, s9;
	_ =	strace $0x8000004A;
	s10 =	sshrl.u32 s23, $0x1  }
0x9: {  	s8 =	sshrl.u32 s8, $0x2;
	s13 =	smul.u32 $0x4E20, s5;
	s5 =	sadd.s32 s6, s2  }
0xa: {  	s7 =	sadd.s32 s6, s4;
	s4 =	sadd.s32 $0x17E00, s1;
	s14 =	ssub.s32 s23, s10  }
0xb: {  	s12 =	sadd.s32 s8, s2;
	s23 =	simm.s32 $0x50;
	s7 =	sshrl.u32 s7, $0x3  }
0xc: {  	s24 =	sadd.s32 $0x2800, s12;
	s25 =	sadd.s32 $0x5000, s12;
	s26 =	sadd.s32 $0x7800, s12  }
0xd: {  	s9 =	sadd.s32 $0xA000, s12;
	s10 =	sadd.s32 $0xC800, s12;
	s11 =	sadd.s32 $0xF000, s12  }
0xe: {  	s12 =	sadd.s32 $0x11800, s12;
	s31 =	sshrl.u32 s13, $0x3;
	[dreg:$0x4] =	wrdreg s24  }
.Ltmp0:
0xf: {  	s14 =	smax.u32 s14, $0x1;
	[dreg:$0x5] =	wrdreg s25;
	(pc) =	sbr.rel .LBB2_1-.Ltmp0, $4  }
0x10: {  	s1 =	sadd.s32 s7, s1;
	[dreg:$0x6] =	wrdreg s26;
	s15 =	sadd.s32 s0, s31  }
0x11: {  	s0 =	simm.s32 $0x4E20;
	s26 =	simm.s32 $0x6;
	s13 =	sadd.s32 $0x3FE00, s1  }
0x12: {  	s16 =	sadd.s32 $0x4E2, s15;
	s17 =	sadd.s32 $0xFA, s15;
	s18 =	sadd.s32 $0x1F4, s15  }
0x13: {  	v0 =	vimm.f32 $0.0e+00;
	s19 =	sadd.s32 $0x2EE, s15;
	s20 =	sadd.s32 $0x3E8, s15;
	s24 =	sadd.s32 $0x4E2, s17  }
.LBB2_9:
0x14: {  	_ =	swait.ge [sflag:s26], $0x2800  }
0x15: {  	[sflag:s26] =	ssyncset.done $0x0  }
0x16: {  	[sflag:s26] =	ssyncadd.s32 $0xFFFFD800  }
0x17: {  	_ =	swait.ge [sflag:s28], $0x2800  }
0x18: {  	[sflag:s28] =	ssyncset.done $0x0  }
0x19: {  	[sflag:s28] =	ssyncadd.s32 $0xFFFFD800  }
0x1a: {  	s1 =	stileid.u32;
	_ =	swait.ge [sflag:s29], $0x2800  }
0x1b: {  	s6 =	sshrl.u32 s5, $0x3;
	s30 =	sadd.s32 $0x1, s30;
	[sflag:s29] =	ssyncset.done $0x0  }
0x1c: {  	s1 =	sshll.u32 s1, $0x6;
	p0 =	sne.s32 s30, s14;
	[sflag:s29] =	ssyncadd.s32 $0xFFFFD800  }
.Ltmp1:
0x1d: {  	s1 =	sor.u32 $0x1C08, s1;
	[bflag:$0x0] =	sbarrier.arrive $0xFFFF;
	(pc) =	sbr.rel @!p0 .LBB2_10-.Ltmp1, $4  }
0x1e: {  	[hbm:s13], [sflag:s1] =	dma.local [spmem:s6], $0x2710  }
0x1f: {  	_ =	swait.ge [sflag:s22], $0x2710  }
0x20: {  	[sflag:s22] =	ssyncset.done $0x0  }
0x21: {  	[sflag:s22] =	ssyncadd.s32 $0xFFFFD8F0  }
.LBB2_1:
0x22: {  	[tilespmem:s3], [sflag:$0x8] =	stream.linear.gather [hbm4b:s15+s3], $0x7D0, $0x38;
	[tilespmem:$0x1FEA0] =	vst v63  }
0x23: {  	s1 =	simm.s32 $0x2710  }
0x24: {  	[tilespmem:s1], [sflag:$0x8] =	stream.linear.gather [hbm4b:s16+s3], $0x7D0, $0x38;
	[tilespmem:$0x1FEA0] =	vst v63  }
0x25: {  	_ =	swait.ge [sflag:s22], $0xFA0  }
0x26: {  	[sflag:s22] =	ssyncset.done $0x0  }
0x27: {  	s25 =	simm.s32 $0x7D0;
	[sflag:s22] =	ssyncadd.s32 $0xFFFFF060  }
0x28: {  	[tilespmem:s25], [sflag:$0x8] =	stream.linear.gather [hbm4b:s17+s3], $0x7D0, $0x38;
	[tilespmem:$0x1FEA0] =	vst v63  }
0x29: {  	s31 =	simm.s32 $0x2EE0  }
0x2a: {  	[tilespmem:s31], [sflag:$0x8] =	stream.linear.gather [hbm4b:s24+s3], $0x7D0, $0x38;
	[tilespmem:$0x1FEA0] =	vst v63  }
0x2b: {  	_ =	swait.ge [sflag:s22], $0xFA0  }
0x2c: {  	[sflag:s22] =	ssyncset.done $0x0  }
0x2d: {  	s6 =	simm.s32 $0xFA0;
	[sflag:s22] =	ssyncadd.s32 $0xFFFFF060  }
0x2e: {  	[tilespmem:s6], [sflag:$0x8] =	stream.linear.gather [hbm4b:s18+s3], $0x7D0, $0x38;
	[tilespmem:$0x1FEA0] =	vst v63  }
0x2f: {  	s7 =	sadd.s32 $0x4E2, s18;
	s6 =	simm.s32 $0x36B0  }
0x30: {  	[tilespmem:s6], [sflag:$0x8] =	stream.linear.gather [hbm4b:s7+s3], $0x7D0, $0x38;
	[tilespmem:$0x1FEA0] =	vst v63  }
0x31: {  	_ =	swait.ge [sflag:s22], $0xFA0  }
0x32: {  	[sflag:s22] =	ssyncset.done $0x0  }
0x33: {  	s8 =	simm.s32 $0x1770;
	[sflag:s22] =	ssyncadd.s32 $0xFFFFF060  }
0x34: {  	[tilespmem:s8], [sflag:$0x8] =	stream.linear.gather [hbm4b:s19+s3], $0x7D0, $0x38;
	[tilespmem:$0x1FEA0] =	vst v63  }
0x35: {  	s25 =	sadd.s32 $0x4E2, s19;
	s31 =	simm.s32 $0x3E80  }
0x36: {  	[tilespmem:s31], [sflag:$0x8] =	stream.linear.gather [hbm4b:s25+s3], $0x7D0, $0x38;
	[tilespmem:$0x1FEA0] =	vst v63  }
0x37: {  	_ =	swait.ge [sflag:s22], $0xFA0  }
0x38: {  	[sflag:s22] =	ssyncset.done $0x0  }
0x39: {  	s6 =	simm.s32 $0x1F40;
	[sflag:s22] =	ssyncadd.s32 $0xFFFFF060  }
0x3a: {  	[tilespmem:s6], [sflag:$0x8] =	stream.linear.gather [hbm4b:s20+s3], $0x7D0, $0x38;
	[tilespmem:$0x1FEA0] =	vst v63  }
0x3b: {  	s7 =	sadd.s32 $0x4E2, s20;
	s8 =	simm.s32 $0x4650  }
0x3c: {  	[tilespmem:s8], [sflag:$0x8] =	stream.linear.gather [hbm4b:s7+s3], $0x7D0, $0x38;
	[tilespmem:$0x1FEA0] =	vst v63  }
0x3d: {  	s1 =	simm.s32 $0x40;
	s25 =	sand.u32 $0xFE00, s3;
	_ =	swait.ge [sflag:s22], $0xFA0  }
0x3e: {  	s31 =	sand.u32 $0x70, s3;
	s25 =	sshrl.u32 s25, $0x2;
	[sflag:s22] =	ssyncset.done $0x0  }
0x3f: {  	s6 =	sor.u32 s31, s25;
	s25 =	simm.s32 $0x0;
	[sflag:s22] =	ssyncadd.s32 $0xFFFFF060  }
.LBB2_2:
0x40: {  	p0 =	sne.s32 s1, $0x9FC0  }
0x41: {  	[tilespmem:s6+$0x4E20] =	vst v0;
	s25 =	sadd.s32 $0x10, s25;
	s6 =	smov.u32 s1;
	s1 =	sadd.s32 $0x40, s1  }
.Ltmp2:
0x42: {  	(pc) =	sbr.rel @p0 .LBB2_2-.Ltmp2, $4  }
0x43: {  	_ = 	snop  }
0x44: {  	s6 =	sand.u32 $0xFE00, s6  }
0x45: {  	s31 =	sand.u32 $0x70, s25;
	s6 =	sshrl.u32 s6, $0x2  }
0x46: {  	s6 =	sor.u32 s31, s6  }
0x47: {  	[tilespmem:s6+$0x4E20] =	vst v0  }
0x48: {  	[spmem:s5] =	stream.linear.scatter [tilespmem:s0], [sflag:$0x7], $0x2800, $0x38;
	[tilespmem:$0x1FEA0] =	vst v63  }
0x49: {  	s1 =	rddreg [dreg:$0x4]  }
0x4a: {  	[spmem:s1] =	stream.linear.scatter [tilespmem:s0], [sflag:$0x7], $0x2800, $0x38;
	[tilespmem:$0x1FEA0] =	vst v63  }
0x4b: {  	s7 =	rddreg [dreg:$0x5]  }
0x4c: {  	[spmem:s7] =	stream.linear.scatter [tilespmem:s0], [sflag:$0x7], $0x2800, $0x38;
	[tilespmem:$0x1FEA0] =	vst v63  }
0x4d: {  	s8 =	rddreg [dreg:$0x6]  }
0x4e: {  	[spmem:s8] =	stream.linear.scatter [tilespmem:s0], [sflag:$0x7], $0x2800, $0x38;
	[tilespmem:$0x1FEA0] =	vst v63  }
0x4f: {  	_ = 	snop  }
0x50: {  	[spmem:s9] =	stream.linear.scatter [tilespmem:s0], [sflag:$0x7], $0x2800, $0x38;
	[tilespmem:$0x1FEA0] =	vst v63  }
0x51: {  	_ = 	snop  }
0x52: {  	[spmem:s10] =	stream.linear.scatter [tilespmem:s0], [sflag:$0x7], $0x2800, $0x38;
	[tilespmem:$0x1FEA0] =	vst v63  }
0x53: {  	_ = 	snop  }
0x54: {  	[spmem:s11] =	stream.linear.scatter [tilespmem:s0], [sflag:$0x7], $0x2800, $0x38;
	[tilespmem:$0x1FEA0] =	vst v63  }
0x55: {  	_ = 	snop  }
0x56: {  	[spmem:s12] =	stream.linear.scatter [tilespmem:s0], [sflag:$0x7], $0x2080, $0x38;
	[tilespmem:$0x1FEA0] =	vst v63  }
0x57: {  	_ =	swait.ge [sflag:s21], $0x2800  }
0x58: {  	[sflag:s21] =	ssyncset.done $0x0  }
0x59: {  	[sflag:s21] =	ssyncadd.s32 $0xFFFFD800  }
0x5a: {  	_ =	swait.ge [sflag:s21], $0x2800  }
0x5b: {  	[sflag:s21] =	ssyncset.done $0x0  }
0x5c: {  	[sflag:s21] =	ssyncadd.s32 $0xFFFFD800  }
0x5d: {  	_ =	swait.ge [sflag:s21], $0x2800  }
0x5e: {  	[sflag:s21] =	ssyncset.done $0x0  }
0x5f: {  	[sflag:s21] =	ssyncadd.s32 $0xFFFFD800  }
0x60: {  	_ =	swait.ge [sflag:s21], $0x2800  }
0x61: {  	[sflag:s21] =	ssyncset.done $0x0  }
0x62: {  	[sflag:s21] =	ssyncadd.s32 $0xFFFFD800  }
0x63: {  	_ =	swait.ge [sflag:s21], $0x2800  }
0x64: {  	[sflag:s21] =	ssyncset.done $0x0  }
0x65: {  	[sflag:s21] =	ssyncadd.s32 $0xFFFFD800  }
0x66: {  	_ =	swait.ge [sflag:s21], $0x2800  }
0x67: {  	[sflag:s21] =	ssyncset.done $0x0  }
0x68: {  	[sflag:s21] =	ssyncadd.s32 $0xFFFFD800  }
0x69: {  	_ =	swait.ge [sflag:s21], $0x2800  }
0x6a: {  	[sflag:s21] =	ssyncset.done $0x0  }
0x6b: {  	[sflag:s21] =	ssyncadd.s32 $0xFFFFD800  }
0x6c: {  	_ =	swait.ge [sflag:s21], $0x2080  }
0x6d: {  	[sflag:s21] =	ssyncset.done $0x0  }
.Ltmp3:
0x6e: {  	[sflag:s21] =	ssyncadd.s32 $0xFFFFDF80;
	(pc) =	sbr.rel .LBB2_4-.Ltmp3, $4  }
0x6f: {  	[bflag:$0x0] =	sbarrier.arrive $0xFFFF  }
0x70: {  	[tilespmem:s0], [sflag:$0x1] =	stream.indirect.gather [hbm4b:s4+s23], $0x80, s3, s23, $0xb8;
	[tilespmem:$0x1FEA0] =	vst v63  }
0x71: {  	s25 =	simm.s32 $0x7620;
	s31 =	simm.s32 $0x2710;
	s1 =	simm.s32 $0xFFFFFFFF  }
0x72: {  	[tilespmem:s25], [sflag:$0x2] =	stream.indirect.gather [hbm4b:s4+s23], $0x80, s23, s23, $0xb8;
	[tilespmem:$0x1FEA0] =	vst v63  }
.LBB2_5:
0x73: {  	s7 =	sadd.s32 $0x4, s6  }
0x74: {  	_ =	swait.ge [sflag:s7], $0x2800  }
0x75: {  	[sflag:s7] =	ssyncset.done $0x0  }
0x76: {  	[sflag:s7] =	ssyncadd.s32 $0xFFFFD800  }
.LBB2_7:
0x77: {  	s7 =	smul.u32 $0xA000, s6;
	_ =	sdelay $0x1  }
0x78: {  	s7 =	sshrl.u32 s7, $0x2  }
0x79: {  	s8 =	sadd.s32 $0xFFFFD990, s31;
	s6 =	sadd.s32 $0x1, s6;
	s7 =	sadd.s32 $0x4E20, s7  }
0x7a: {  	[tilespmem:s7], [sflag:s6] =	stream.indirect.gather [hbm4b:s4+s23], $0x80, s8, s23, $0xb8;
	[tilespmem:$0x1FEA0] =	vst v63  }
.LBB2_8:
0x7b: {  	s6 =	sadd.s32 $0xAB, s25  }
0x7c: {  	s6 =	sshrl.u32 s6, $0x9  }
0x7d: {  	s6 =	sand.u32 $0x7F, s6  }
0x7e: {  	s6 =	smul.u32 $0x3, s6;
	_ =	sdelay $0x1  }
0x7f: {  	s6 =	ssub.s32 s1, s6  }
0x80: {  	s6 =	sand.u32 $0xFF, s6  }
0x81: {  	p0 =	sne.s32 s1, $0x7C;
	s7 =	sadd.s32 $0x1, s6;
	s8 =	smul.u32 $0xA000, s6  }
.Ltmp4:
0x82: {  	_ =	swait.ge [sflag:s7], $0x2800;
	(pc) =	sbr.rel @!p0 .LBB2_9-.Ltmp4, $4  }
0x83: {  	[sflag:s7] =	ssyncset.done $0x0;
	s8 =	sshrl.u32 s8, $0x2  }
0x84: {  	s6 =	sadd.s32 $0x4, s6;
	[sflag:s7] =	ssyncadd.s32 $0xFFFFD800;
	s25 =	sadd.s32 $0x4E20, s8  }
0x85: {  	[spmem:s2] =	stream.indirect.scatter.add.f32 [tilespmem:s25], [sflag:s6], $0x80, s31, s23, $0xb8;
	[tilespmem:$0x1FEA0] =	vst v63  }
0x86: {  	s31 =	sadd.s32 $0x50, s31  }
.LBB2_4:
0x87: {  	s25 =	smul.u32 $0xAB, s1;
	_ =	sdelay $0x1  }
0x88: {  	s6 =	sadd.s32 $0x201, s25  }
0x89: {  	s6 =	sshrl.u32 s6, $0x9  }
0x8a: {  	s6 =	sand.u32 $0x7F, s6  }
0x8b: {  	p0 =	sgt.u32 s1, $0x79;
	s6 =	smul.u32 $0x3, s6  }
.Ltmp5:
0x8c: {  	_ = 	snop;
	(pc) =	sbr.rel @!p0 .LBB2_5-.Ltmp5, $4  }
0x8d: {  	_ = 	snop  }
0x8e: {  	s6 =	ssub.s32 s1, s6  }
0x8f: {  	s6 =	sadd.s32 $0x3, s6  }
0x90: {  	s1 =	sadd.s32 $0x1, s1;
	s6 =	sand.u32 $0xFF, s6  }
0x91: {  	p0 =	sgt.u32 s1, $0x7A  }
.Ltmp6:
0x92: {  	_ = 	snop;
	(pc) =	sbr.rel @p0 .LBB2_8-.Ltmp6, $4  }
.Ltmp7:
0x93: {  	_ = 	snop;
	(pc) =	sbr.rel @!p0 .LBB2_7-.Ltmp7, $4  }
0x94: {  	_ = 	snop  }
0x95: {  	_ = 	snop  }
0x96: {  	_ = 	snop  }
0x97: {  	_ = 	snop  }
.LBB2_10:
0x98: {  	_ =	sfence.sel $0x180000  }
0x99: {  	[bflag:$0x0] =	sbarrier.arrive $0xFFFF  }
0x9a: {  	_ =	strace $0x9000004A  }
0x9b: {  	s0 =	stileid.u32;
	[bflag:$0x2] =	sbarrier.arrive $0xFFFF  }
0x9c: {  	p0 =	sne.s32 s0, $0x0;
	s0 =	rddreg [dreg:$0x3]  }
0x9d: {  	s0 =	sadd.s32 @!p0 $0x100000, s0  }
0x9e: {  	[sflag:s0] =	ssyncadd.tile.s32 @!p0 $0x1;
	_ =	shalt  }
.Lfunc_end2:
_tile_overlayer_lowered:
.L_overlay_start_2:
0x9f: {  	(tag) =	ssettag $0x2  }
0xa0: {  	s0 =	rddreg [dreg:$0x0];
	s2 =	stileid.u32  }
0xa1: {  	s1 =	rddreg [dreg:$0x1];
	p0 =	sne.s32 s2, $0x0  }
0xa2: {  	s3 =	rddreg [dreg:$0x2];
	[bflag:$0x3] =	sbarrier.arrive $0xFFFF;
	s2 =	simm.s32 @!p0 $0x1C08  }
0xa3: {  	[timem:s3], [sflag:s2] =	dma.local @!p0 [hbm:s0], s1  }
0xa4: {  	s0 =	simm.s32 @!p0 $0x8  }
0xa5: {  	_ =	swait.ge @!p0 [sflag:s0], s1  }
0xa6: {  	s1 =	ssub.s32 @!p0 $0x0, s1;
	[sflag:s0] =	ssyncset.done @!p0 $0x0  }
0xa7: {  	[sflag:s0] =	ssyncadd.s32 @!p0 s1  }
0xa8: {  	[bflag:$0x3] =	sbarrier.arrive $0xFFFF  }
0xa9: {  	_ =	shalt  }

// kernel: kernel.15.cloned.1.call-start
scs
__scs_entry_jumppad:
0x0: {  	(pc) =	sbr.rel $0x88, $3  }
0x1: {  	(tag) =	ssettag $0x0;
	lr =	simm.s32 $0x1  }
0x2: {  	[smem:$0x3F9A] =	sst lr;
	_ =	strace $0xD0000000  }
0x3: {  	_ = 	snop  }
0x4: {  	_ = 	snop  }
0x5: {  	_ = 	snop  }
0x6: {  	_ = 	snop  }
0x7: {  	_ = 	snop  }
__scs_overlays_trampoline_lowered:
0x8: {  	[smem:$0x3FA9] =	sst s0  }
0x9: {  	[smem:$0x3FAA] =	sst s1  }
0xa: {  	[smem:$0x3FAB] =	sst s2  }
0xb: {  	[smem:$0x3FAC] =	sst s3  }
0xc: {  	[smem:$0x3FAD] =	sst s4  }
0xd: {  	[smem:$0x3FAE] =	sst s5  }
0xe: {  	[smem:$0x3FAF] =	sst s6  }
0xf: {  	[smem:$0x3FB0] =	sst s7  }
0x10: {  	[smem:$0x3FB1] =	sst s8  }
0x11: {  	[smem:$0x3FB2] =	sst s9;
	s0 =	simm.s32 @!p0 $0x0  }
0x12: {  	s1 =	sld [smem:$0x3F98];
	s0 =	simm.s32 @p0 $0x1  }
0x13: {  	[smem:$0x3FB3] =	sst s0;
	s0 =	simm.s32 @!p1 $0x0  }
0x14: {  	s2 =	sld [smem:$0x3F97];
	s0 =	simm.s32 @p1 $0x1  }
0x15: {  	[smem:$0x3FB4] =	sst s0;
	s0 =	simm.s32 @!p2 $0x0  }
0x16: {  	s3 =	sld [smem:$0x3FDB];
	s0 =	simm.s32 @p2 $0x1  }
0x17: {  	s4 =	simm.s32 $0x1BF5;
	[smem:$0x3FB6] =	sst s0  }
0x18: {  	s0 =	sld [smem:$0x3F99];
	_ =	swait.ge [sflag:s4], $0x0  }
0x19: {  	s7 =	sld [smem:$0x3F9A]  }
0x1a: {  	s8 =	sadd.s32 $0xFFFFE003, lr  }
0x1b: {  	s9 =	sadd.s32 $0xFFFFFEF7, lr;
	s5 =	simm.s32 $0xFFFFFFFF;
	p2 =	slt.u32 s8, $0xFFFFF086  }
0x1c: {  	p1 =	slt.u32 s9, $0xF7A;
	s5 =	simm.s32 @!p2 $0x0  }
0x1d: {  	s5 =	simm.s32 @p1 $0x1;
	p0 =	seq.s32 s7, s2  }
0x1e: {  	s7 =	smul.u32 @!p0 $0xF7A, s2;
	p2 =	seq.s32 @!p0 s5, $0x0  }
0x1f: {  	s9 =	smul.u32 $0xF7A, s1;
	s8 =	simm.s32 @!p0 $0x1BF5;
	p2 =	por !p2, p0  }
0x20: {  	[sflag:s8] =	ssyncset.s32 @!p0 $0xFFFFF086;
	s6 =	sadd.s32 @!p0 s3, s7;
	s7 =	simm.s32 @!p0 $0x108  }
0x21: {  	s3 =	sadd.s32 s3, s9;
	s6 =	sadd.s32 @!p0 $0x88, s6;
	s7 =	simm.s32 @p2 $0x1082  }
0x22: {  	[simem:s7], [sflag:s8] =	dma.local @!p0 [hbm:s6], $0xF7A  }
0x23: {  	s9 =	sor.u32 $0xD0000000, s2;
	s6 =	simm.s32 $0x108;
	_ =	swait.ge @!p0 [sflag:s8], $0x0  }
0x24: {  	s3 =	sadd.s32 $0x88, s3;
	s6 =	simm.s32 @!p1 $0x1082;
	[sflag:s4] =	ssyncset.s32 $0xFFFFF086  }
0x25: {  	[simem:s6], [sflag:s4] =	dma.local [hbm:s3], $0xF7A  }
0x26: {  	[smem:$0x3F9A] =	sst s1;
	(tag) =	ssettag s2;
	_ =	strace s9  }
0x27: {  	s1 =	sld [smem:$0x3FAA]  }
0x28: {  	s2 =	sld [smem:$0x3FAB]  }
0x29: {  	s4 =	sld [smem:$0x3FAD]  }
0x2a: {  	p0 =	seq.s32 s5, $0x0;
	s5 =	sld [smem:$0x3FAE]  }
0x2b: {  	s6 =	sld [smem:$0x3FAF]  }
0x2c: {  	s7 =	sld [smem:$0x3FB0]  }
0x2d: {  	s3 =	simm.s32 $0x108;
	s8 =	sld [smem:$0x3FB1]  }
0x2e: {  	s3 =	simm.s32 @!p0 $0x1082;
	s9 =	sld [smem:$0x3FB2]  }
0x2f: {  	lr =	sadd.s32 s0, s3;
	s0 =	sld [smem:$0x3FA9]  }
0x30: {  	s3 =	sld [smem:$0x3FAC]  }
0x31: {  	[smem:$0x3FB5] =	sst s10  }
0x32: {  	s10 =	sld [smem:$0x3FB3];
	_ =	sdelay $0x3  }
0x33: {  	p0 =	seq.s32 s10, $0x1;
	s10 =	sld [smem:$0x3FB5];
	_ =	sdelay $0x3  }
0x34: {  	[smem:$0x3FB5] =	sst s10  }
0x35: {  	s10 =	sld [smem:$0x3FB4];
	_ =	sdelay $0x3  }
0x36: {  	p1 =	seq.s32 s10, $0x1;
	s10 =	sld [smem:$0x3FB5];
	_ =	sdelay $0x3  }
0x37: {  	[smem:$0x3FB5] =	sst s10  }
0x38: {  	s10 =	sld [smem:$0x3FB6]  }
0x39: {  	_ = 	snop;
	(pc) =	sbr.ind lr, $3  }
0x3a: {  	_ = 	snop  }
0x3b: {  	_ = 	snop  }
0x3c: {  	p2 =	seq.s32 s10, $0x1;
	s10 =	sld [smem:$0x3FB5]  }
0x3d: {  	_ =	shalt  }
0x3e: {  	_ =	shalt  }
0x3f: {  	_ =	shalt  }
0x40: {  	_ =	shalt  }
0x41: {  	_ =	shalt  }
0x42: {  	_ =	shalt  }
0x43: {  	_ =	shalt  }
0x44: {  	_ =	shalt  }
0x45: {  	_ =	shalt  }
0x46: {  	_ =	shalt  }
0x47: {  	_ =	shalt  }
0x48: {  	_ =	shalt  }
0x49: {  	_ =	shalt  }
0x4a: {  	_ =	shalt  }
0x4b: {  	_ =	shalt  }
0x4c: {  	_ =	shalt  }
0x4d: {  	_ =	shalt  }
0x4e: {  	_ =	shalt  }
0x4f: {  	_ =	shalt  }
0x50: {  	_ =	shalt  }
0x51: {  	_ =	shalt  }
0x52: {  	_ =	shalt  }
0x53: {  	_ =	shalt  }
0x54: {  	_ =	shalt  }
0x55: {  	_ =	shalt  }
0x56: {  	_ =	shalt  }
0x57: {  	_ =	shalt  }
0x58: {  	_ =	shalt  }
0x59: {  	_ =	shalt  }
0x5a: {  	_ =	shalt  }
0x5b: {  	_ =	shalt  }
0x5c: {  	_ =	shalt  }
0x5d: {  	_ =	shalt  }
0x5e: {  	_ =	shalt  }
0x5f: {  	_ =	shalt  }
0x60: {  	_ =	shalt  }
0x61: {  	_ =	shalt  }
0x62: {  	_ =	shalt  }
0x63: {  	_ =	shalt  }
0x64: {  	_ =	shalt  }
0x65: {  	_ =	shalt  }
0x66: {  	_ =	shalt  }
0x67: {  	_ =	shalt  }
0x68: {  	_ =	shalt  }
0x69: {  	_ =	shalt  }
0x6a: {  	_ =	shalt  }
0x6b: {  	_ =	shalt  }
0x6c: {  	_ =	shalt  }
0x6d: {  	_ =	shalt  }
0x6e: {  	_ =	shalt  }
0x6f: {  	_ =	shalt  }
0x70: {  	_ =	shalt  }
0x71: {  	_ =	shalt  }
0x72: {  	_ =	shalt  }
0x73: {  	_ =	shalt  }
0x74: {  	_ =	shalt  }
0x75: {  	_ =	shalt  }
0x76: {  	_ =	shalt  }
0x77: {  	_ =	shalt  }
0x78: {  	_ =	shalt  }
0x79: {  	_ =	shalt  }
0x7a: {  	_ =	shalt  }
0x7b: {  	_ =	shalt  }
0x7c: {  	_ =	shalt  }
0x7d: {  	_ =	shalt  }
0x7e: {  	_ =	shalt  }
0x7f: {  	_ =	shalt  }
0x80: {  	_ =	shalt  }
0x81: {  	_ =	shalt  }
0x82: {  	_ =	shalt  }
0x83: {  	_ =	shalt  }
0x84: {  	_ =	shalt  }
0x85: {  	_ =	shalt  }
0x86: {  	_ =	shalt  }
0x87: {  	_ =	shalt  }
.Lfunc_end0:
.L_simem_size_0:
called_computation.2_lowered:
.L_overlay_start_0:
0x88: {  	s2 =	sld [smem:$0x3FD9]  }
0x89: {  	s3 =	sld [smem:$0x3FFE];
	_ =	sdelay $0x1  }
0x8a: {  	s1 =	srdreg.scid  }
0x8b: {  	s0 =	sand.u32 $0x1, s1  }
0x8c: {  	s17 =	sshll.u32 s0, $0xA;
	s2 =	sadd.s32 s3, s2  }
0x8d: {  	s2 =	sadd.s32 s2, s17  }
0x8e: {  	[smem:$0x3FC1] =	sst s2  }
0x8f: {  	_ = 	snop  }
0x90: {  	s2 =	sld [smem:$0x3FD0];
	(tm) =	ssettm $0x1  }
0x91: {  	s18 =	sld [smem:$0x3FFB];
	_ =	sdelay $0x3  }
0x92: {  	_ =	strace s18  }
0x93: {  	s3 =	sld [smem:$0x3FFC];
	_ =	sdelay $0x3  }
0x94: {  	_ =	strace s3  }
0x95: {  	s3 =	sld [smem:$0x3FFD];
	_ =	sdelay $0x3  }
0x96: {  	_ =	strace s3  }
0x97: {  	_ =	strace $0x8FFFFFFF  }
0x98: {  	s19 =	sld [smem:$0x3FDB];
	_ =	sdelay $0x1  }
0x99: {  	s4 =	simm.s32 $_scs_section_size  }
0x9a: {  	s5 =	simm.s32 $_size__tile_overlayer_lowered;
	s6 =	simm.s32 $_tile_overlayer_lowered  }
0x9b: {  	s22 =	simm.s32 $0x1BFF;
	s21 =	sshll.u32 s6, $0x1;
	s3 =	sadd.s32 s4, s19  }
0x9c: {  	s7 =	simm.s32 $0x0;
	s20 =	sshll.u32 s5, $0x1;
	s5 =	sadd.s32 s21, s3  }
0x9d: {  	[timem:s7], [sflag:s22] =	dma.local [hbm:s5], s20  }
0x9e: {  	_ =	swait.ge [sflag:s22], s20  }
0x9f: {  	s4 =	ssub.s32 $0x0, s20;
	[sflag:s22] =	ssyncset.done $0x0  }
0xa0: {  	[sflag:s22] =	ssyncadd.s32 s4;
	_ =	sdelay $0x1  }
0xa1: {  	s23 =	simm.s32 $0x1B8B  }
0xa2: {  	_ =	swait.ge [sflag:s23], $0x1  }
0xa3: {  	[sflag:s23] =	ssyncset.done $0x0  }
0xa4: {  	s25 =	simm.s32 $0x1B8E;
	s24 =	sld [smem:$0x3FFE];
	[sflag:s23] =	ssyncadd.s32 $0xFFFFFFFF  }
0xa5: {  	s26 =	simm.s32 $execute0_lowered;
	[smem:$0x3FD2] =	sst s25  }
0xa6: {  	s5 =	sshll.u32 s26, $0x1;
	_ =	strace $0x8000004C;
	[dreg:$0x1] =	wrdreg $0xFFFFFFFF  }
0xa7: {  	s28 =	simm.s32 $_size_execute0_lowered;
	s3 =	sadd.s32 s3, s5;
	[dreg:$0x0] =	wrdreg $0x0  }
0xa8: {  	s5 =	sshll.u32 s28, $0x1;
	[dreg:$0x2] =	wrdreg s3  }
0xa9: {  	[dreg:$0x3] =	wrdreg s5  }
0xaa: {  	[dreg:$0x4] =	wrdreg $0xC0  }
0xab: {  	_ =	task [dreg:s7], $0x5FFFF  }
0xac: {  	[dreg:$0x1] =	wrdreg $0xFFFFFFFF  }
0xad: {  	[dreg:$0x0] =	wrdreg $0x60  }
0xae: {  	[dreg:$0x2] =	wrdreg s2  }
0xaf: {  	[dreg:$0x3] =	wrdreg s24  }
0xb0: {  	[dreg:$0x4] =	wrdreg $0xC6200  }
0xb1: {  	[dreg:$0x5] =	wrdreg $0x9  }
0xb2: {  	_ =	task.clear_ibuf [dreg:s7], $0x6FFFF;
	_ =	strace $0x9000004C  }
0xb3: {  	s29 =	simm.s32 $0x9;
	_ =	strace $0x8000004E  }
0xb4: {  	_ =	swait.ge [sflag:s29], $0x1  }
0xb5: {  	[sflag:s29] =	ssyncadd.s32 $0xFFFFFFFF  }
0xb6: {  	_ =	strace $0x9000004E  }
0xb7: {  	_ =	sfence  }
0xb8: {  	s30 =	sld [smem:$0x0];
	_ =	sdelay $0x2  }
0xb9: {  	s31 =	sshll.u32 s1, $0xD;
	s1 =	sshrl.u32 s1, $0x2  }
0xba: {  	s3 =	sand.u32 $0x4000, s31;
	s1 =	sadd.s32 s1, s30  }
0xbb: {  	s0 =	sor.u32 s3, s0;
	s1 =	sshll.u32 s1, $0x11  }
0xbc: {  	s0 =	sor.u32 s1, s0  }
0xbd: {  	s0 =	sadd.s32 $0x8F2B, s0  }
0xbe: {  	[sflag:s0] =	ssyncadd.remote.s32 $0x1  }
0xbf: {  	_ =	sfence.sel $0xFFFF  }
0xc0: {  	[dreg:$0x0] =	wrdreg $0xFFFFFFFF;
	(pc) =	sbr.abs _section_cstart, $3  }
0xc1: {  	[dreg:$0x1] =	wrdreg $0xFFFFFFFF  }
0xc2: {  	_ =	task.clear_ibuf [dreg:s7], $0x2FFFF;
	_ =	strace $0x9FFFFFFF  }
0xc3: {  	(tm) =	ssettm $0x7FFFFFFF  }
tec
execute0_lowered:
.L_overlay_start_1:
0x0: {  	(tag) =	ssettag $0x1  }
0x1: {  	s0 =	rddreg [dreg:$0x0]  }
0x2: {  	s1 =	rddreg [dreg:$0x1];
	s3 =	srdreg.scid  }
0x3: {  	s9 =	stileid.u32;
	s2 =	rddreg [dreg:$0x2];
	s22 =	simm.s32 $0x8  }
0x4: {  	s21 =	simm.s32 $0x7;
	s28 =	simm.s32 $0x4;
	s29 =	simm.s32 $0x5  }
0x5: {  	s30 =	simm.s32 $0x0;
	s5 =	sand.u32 $0x1, s3;
	s6 =	smul.u32 $0x13880, s9  }
0x6: {  	s3 =	simm.s32 $0x0;
	s8 =	smul.u32 $0x4E200, s9;
	s9 =	sshll.u32 s9, $0x1  }
0x7: {  	s4 =	smul.u32 $0x140000, s5;
	[smem:$0x7FF] =	sst s3;
	s23 =	ssub.s32 $0x2, s5  }
0x8: {  	s5 =	sor.u32 s5, s9;
	_ =	strace $0x8000004D;
	s10 =	sshrl.u32 s23, $0x1  }
0x9: {  	s8 =	sshrl.u32 s8, $0x2;
	s13 =	smul.u32 $0x4E20, s5;
	s5 =	sadd.s32 s6, s2  }
0xa: {  	s7 =	sadd.s32 s6, s4;
	s4 =	sadd.s32 $0x4000, s1;
	s14 =	ssub.s32 s23, s10  }
0xb: {  	s12 =	sadd.s32 s8, s2;
	s23 =	simm.s32 $0x50;
	s7 =	sshrl.u32 s7, $0x3  }
0xc: {  	s24 =	sadd.s32 $0x2800, s12;
	s25 =	sadd.s32 $0x5000, s12;
	s26 =	sadd.s32 $0x7800, s12  }
0xd: {  	s9 =	sadd.s32 $0xA000, s12;
	s10 =	sadd.s32 $0xC800, s12;
	s11 =	sadd.s32 $0xF000, s12  }
0xe: {  	s12 =	sadd.s32 $0x11800, s12;
	s31 =	sshrl.u32 s13, $0x3;
	[dreg:$0x4] =	wrdreg s24  }
.Ltmp0:
0xf: {  	s14 =	smax.u32 s14, $0x1;
	[dreg:$0x5] =	wrdreg s25;
	(pc) =	sbr.rel .LBB2_1-.Ltmp0, $4  }
0x10: {  	s1 =	sadd.s32 s7, s1;
	[dreg:$0x6] =	wrdreg s26;
	s15 =	sadd.s32 s0, s31  }
0x11: {  	s0 =	simm.s32 $0x4E20;
	s26 =	simm.s32 $0x6;
	s13 =	sadd.s32 $0x2C000, s1  }
0x12: {  	s16 =	sadd.s32 $0x4E2, s15;
	s17 =	sadd.s32 $0xFA, s15;
	s18 =	sadd.s32 $0x1F4, s15  }
0x13: {  	v0 =	vimm.f32 $0.0e+00;
	s19 =	sadd.s32 $0x2EE, s15;
	s20 =	sadd.s32 $0x3E8, s15;
	s24 =	sadd.s32 $0x4E2, s17  }
.LBB2_9:
0x14: {  	_ =	swait.ge [sflag:s26], $0x2800  }
0x15: {  	[sflag:s26] =	ssyncset.done $0x0  }
0x16: {  	[sflag:s26] =	ssyncadd.s32 $0xFFFFD800  }
0x17: {  	_ =	swait.ge [sflag:s28], $0x2800  }
0x18: {  	[sflag:s28] =	ssyncset.done $0x0  }
0x19: {  	[sflag:s28] =	ssyncadd.s32 $0xFFFFD800  }
0x1a: {  	s1 =	stileid.u32;
	_ =	swait.ge [sflag:s29], $0x2800  }
0x1b: {  	s6 =	sshrl.u32 s5, $0x3;
	s30 =	sadd.s32 $0x1, s30;
	[sflag:s29] =	ssyncset.done $0x0  }
0x1c: {  	s1 =	sshll.u32 s1, $0x6;
	p0 =	sne.s32 s30, s14;
	[sflag:s29] =	ssyncadd.s32 $0xFFFFD800  }
.Ltmp1:
0x1d: {  	s1 =	sor.u32 $0x1C08, s1;
	[bflag:$0x0] =	sbarrier.arrive $0xFFFF;
	(pc) =	sbr.rel @!p0 .LBB2_10-.Ltmp1, $4  }
0x1e: {  	[hbm:s13], [sflag:s1] =	dma.local [spmem:s6], $0x2710  }
0x1f: {  	_ =	swait.ge [sflag:s22], $0x2710  }
0x20: {  	[sflag:s22] =	ssyncset.done $0x0  }
0x21: {  	[sflag:s22] =	ssyncadd.s32 $0xFFFFD8F0  }
.LBB2_1:
0x22: {  	[tilespmem:s3], [sflag:$0x8] =	stream.linear.gather [hbm4b:s15+s3], $0x7D0, $0x38;
	[tilespmem:$0x1FEA0] =	vst v63  }
0x23: {  	s1 =	simm.s32 $0x2710  }
0x24: {  	[tilespmem:s1], [sflag:$0x8] =	stream.linear.gather [hbm4b:s16+s3], $0x7D0, $0x38;
	[tilespmem:$0x1FEA0] =	vst v63  }
0x25: {  	_ =	swait.ge [sflag:s22], $0xFA0  }
0x26: {  	[sflag:s22] =	ssyncset.done $0x0  }
0x27: {  	s25 =	simm.s32 $0x7D0;
	[sflag:s22] =	ssyncadd.s32 $0xFFFFF060  }
0x28: {  	[tilespmem:s25], [sflag:$0x8] =	stream.linear.gather [hbm4b:s17+s3], $0x7D0, $0x38;
	[tilespmem:$0x1FEA0] =	vst v63  }
0x29: {  	s31 =	simm.s32 $0x2EE0  }
0x2a: {  	[tilespmem:s31], [sflag:$0x8] =	stream.linear.gather [hbm4b:s24+s3], $0x7D0, $0x38;
	[tilespmem:$0x1FEA0] =	vst v63  }
0x2b: {  	_ =	swait.ge [sflag:s22], $0xFA0  }
0x2c: {  	[sflag:s22] =	ssyncset.done $0x0  }
0x2d: {  	s6 =	simm.s32 $0xFA0;
	[sflag:s22] =	ssyncadd.s32 $0xFFFFF060  }
0x2e: {  	[tilespmem:s6], [sflag:$0x8] =	stream.linear.gather [hbm4b:s18+s3], $0x7D0, $0x38;
	[tilespmem:$0x1FEA0] =	vst v63  }
0x2f: {  	s7 =	sadd.s32 $0x4E2, s18;
	s6 =	simm.s32 $0x36B0  }
0x30: {  	[tilespmem:s6], [sflag:$0x8] =	stream.linear.gather [hbm4b:s7+s3], $0x7D0, $0x38;
	[tilespmem:$0x1FEA0] =	vst v63  }
0x31: {  	_ =	swait.ge [sflag:s22], $0xFA0  }
0x32: {  	[sflag:s22] =	ssyncset.done $0x0  }
0x33: {  	s8 =	simm.s32 $0x1770;
	[sflag:s22] =	ssyncadd.s32 $0xFFFFF060  }
0x34: {  	[tilespmem:s8], [sflag:$0x8] =	stream.linear.gather [hbm4b:s19+s3], $0x7D0, $0x38;
	[tilespmem:$0x1FEA0] =	vst v63  }
0x35: {  	s25 =	sadd.s32 $0x4E2, s19;
	s31 =	simm.s32 $0x3E80  }
0x36: {  	[tilespmem:s31], [sflag:$0x8] =	stream.linear.gather [hbm4b:s25+s3], $0x7D0, $0x38;
	[tilespmem:$0x1FEA0] =	vst v63  }
0x37: {  	_ =	swait.ge [sflag:s22], $0xFA0  }
0x38: {  	[sflag:s22] =	ssyncset.done $0x0  }
0x39: {  	s6 =	simm.s32 $0x1F40;
	[sflag:s22] =	ssyncadd.s32 $0xFFFFF060  }
0x3a: {  	[tilespmem:s6], [sflag:$0x8] =	stream.linear.gather [hbm4b:s20+s3], $0x7D0, $0x38;
	[tilespmem:$0x1FEA0] =	vst v63  }
0x3b: {  	s7 =	sadd.s32 $0x4E2, s20;
	s8 =	simm.s32 $0x4650  }
0x3c: {  	[tilespmem:s8], [sflag:$0x8] =	stream.linear.gather [hbm4b:s7+s3], $0x7D0, $0x38;
	[tilespmem:$0x1FEA0] =	vst v63  }
0x3d: {  	s1 =	simm.s32 $0x40;
	s25 =	sand.u32 $0xFE00, s3;
	_ =	swait.ge [sflag:s22], $0xFA0  }
0x3e: {  	s31 =	sand.u32 $0x70, s3;
	s25 =	sshrl.u32 s25, $0x2;
	[sflag:s22] =	ssyncset.done $0x0  }
0x3f: {  	s6 =	sor.u32 s31, s25;
	s25 =	simm.s32 $0x0;
	[sflag:s22] =	ssyncadd.s32 $0xFFFFF060  }
.LBB2_2:
0x40: {  	p0 =	sne.s32 s1, $0x9FC0  }
0x41: {  	[tilespmem:s6+$0x4E20] =	vst v0;
	s25 =	sadd.s32 $0x10, s25;
	s6 =	smov.u32 s1;
	s1 =	sadd.s32 $0x40, s1  }
.Ltmp2:
0x42: {  	(pc) =	sbr.rel @p0 .LBB2_2-.Ltmp2, $4  }
0x43: {  	_ = 	snop  }
0x44: {  	s6 =	sand.u32 $0xFE00, s6  }
0x45: {  	s31 =	sand.u32 $0x70, s25;
	s6 =	sshrl.u32 s6, $0x2  }
0x46: {  	s6 =	sor.u32 s31, s6  }
0x47: {  	[tilespmem:s6+$0x4E20] =	vst v0  }
0x48: {  	[spmem:s5] =	stream.linear.scatter [tilespmem:s0], [sflag:$0x7], $0x2800, $0x38;
	[tilespmem:$0x1FEA0] =	vst v63  }
0x49: {  	s1 =	rddreg [dreg:$0x4]  }
0x4a: {  	[spmem:s1] =	stream.linear.scatter [tilespmem:s0], [sflag:$0x7], $0x2800, $0x38;
	[tilespmem:$0x1FEA0] =	vst v63  }
0x4b: {  	s7 =	rddreg [dreg:$0x5]  }
0x4c: {  	[spmem:s7] =	stream.linear.scatter [tilespmem:s0], [sflag:$0x7], $0x2800, $0x38;
	[tilespmem:$0x1FEA0] =	vst v63  }
0x4d: {  	s8 =	rddreg [dreg:$0x6]  }
0x4e: {  	[spmem:s8] =	stream.linear.scatter [tilespmem:s0], [sflag:$0x7], $0x2800, $0x38;
	[tilespmem:$0x1FEA0] =	vst v63  }
0x4f: {  	_ = 	snop  }
0x50: {  	[spmem:s9] =	stream.linear.scatter [tilespmem:s0], [sflag:$0x7], $0x2800, $0x38;
	[tilespmem:$0x1FEA0] =	vst v63  }
0x51: {  	_ = 	snop  }
0x52: {  	[spmem:s10] =	stream.linear.scatter [tilespmem:s0], [sflag:$0x7], $0x2800, $0x38;
	[tilespmem:$0x1FEA0] =	vst v63  }
0x53: {  	_ = 	snop  }
0x54: {  	[spmem:s11] =	stream.linear.scatter [tilespmem:s0], [sflag:$0x7], $0x2800, $0x38;
	[tilespmem:$0x1FEA0] =	vst v63  }
0x55: {  	_ = 	snop  }
0x56: {  	[spmem:s12] =	stream.linear.scatter [tilespmem:s0], [sflag:$0x7], $0x2080, $0x38;
	[tilespmem:$0x1FEA0] =	vst v63  }
0x57: {  	_ =	swait.ge [sflag:s21], $0x2800  }
0x58: {  	[sflag:s21] =	ssyncset.done $0x0  }
0x59: {  	[sflag:s21] =	ssyncadd.s32 $0xFFFFD800  }
0x5a: {  	_ =	swait.ge [sflag:s21], $0x2800  }
0x5b: {  	[sflag:s21] =	ssyncset.done $0x0  }
0x5c: {  	[sflag:s21] =	ssyncadd.s32 $0xFFFFD800  }
0x5d: {  	_ =	swait.ge [sflag:s21], $0x2800  }
0x5e: {  	[sflag:s21] =	ssyncset.done $0x0  }
0x5f: {  	[sflag:s21] =	ssyncadd.s32 $0xFFFFD800  }
0x60: {  	_ =	swait.ge [sflag:s21], $0x2800  }
0x61: {  	[sflag:s21] =	ssyncset.done $0x0  }
0x62: {  	[sflag:s21] =	ssyncadd.s32 $0xFFFFD800  }
0x63: {  	_ =	swait.ge [sflag:s21], $0x2800  }
0x64: {  	[sflag:s21] =	ssyncset.done $0x0  }
0x65: {  	[sflag:s21] =	ssyncadd.s32 $0xFFFFD800  }
0x66: {  	_ =	swait.ge [sflag:s21], $0x2800  }
0x67: {  	[sflag:s21] =	ssyncset.done $0x0  }
0x68: {  	[sflag:s21] =	ssyncadd.s32 $0xFFFFD800  }
0x69: {  	_ =	swait.ge [sflag:s21], $0x2800  }
0x6a: {  	[sflag:s21] =	ssyncset.done $0x0  }
0x6b: {  	[sflag:s21] =	ssyncadd.s32 $0xFFFFD800  }
0x6c: {  	_ =	swait.ge [sflag:s21], $0x2080  }
0x6d: {  	[sflag:s21] =	ssyncset.done $0x0  }
.Ltmp3:
0x6e: {  	[sflag:s21] =	ssyncadd.s32 $0xFFFFDF80;
	(pc) =	sbr.rel .LBB2_4-.Ltmp3, $4  }
0x6f: {  	[bflag:$0x0] =	sbarrier.arrive $0xFFFF  }
0x70: {  	[tilespmem:s0], [sflag:$0x1] =	stream.indirect.gather [hbm4b:s4+s23], $0x80, s3, s23, $0xb8;
	[tilespmem:$0x1FEA0] =	vst v63  }
0x71: {  	s25 =	simm.s32 $0x7620;
	s31 =	simm.s32 $0x2710;
	s1 =	simm.s32 $0xFFFFFFFF  }
0x72: {  	[tilespmem:s25], [sflag:$0x2] =	stream.indirect.gather [hbm4b:s4+s23], $0x80, s23, s23, $0xb8;
	[tilespmem:$0x1FEA0] =	vst v63  }
.LBB2_5:
0x73: {  	s7 =	sadd.s32 $0x4, s6  }
0x74: {  	_ =	swait.ge [sflag:s7], $0x2800  }
0x75: {  	[sflag:s7] =	ssyncset.done $0x0  }
0x76: {  	[sflag:s7] =	ssyncadd.s32 $0xFFFFD800  }
.LBB2_7:
0x77: {  	s7 =	smul.u32 $0xA000, s6;
	_ =	sdelay $0x1  }
0x78: {  	s7 =	sshrl.u32 s7, $0x2  }
0x79: {  	s8 =	sadd.s32 $0xFFFFD990, s31;
	s6 =	sadd.s32 $0x1, s6;
	s7 =	sadd.s32 $0x4E20, s7  }
0x7a: {  	[tilespmem:s7], [sflag:s6] =	stream.indirect.gather [hbm4b:s4+s23], $0x80, s8, s23, $0xb8;
	[tilespmem:$0x1FEA0] =	vst v63  }
.LBB2_8:
0x7b: {  	s6 =	sadd.s32 $0xAB, s25  }
0x7c: {  	s6 =	sshrl.u32 s6, $0x9  }
0x7d: {  	s6 =	sand.u32 $0x7F, s6  }
0x7e: {  	s6 =	smul.u32 $0x3, s6;
	_ =	sdelay $0x1  }
0x7f: {  	s6 =	ssub.s32 s1, s6  }
0x80: {  	s6 =	sand.u32 $0xFF, s6  }
0x81: {  	p0 =	sne.s32 s1, $0x7C;
	s7 =	sadd.s32 $0x1, s6;
	s8 =	smul.u32 $0xA000, s6  }
.Ltmp4:
0x82: {  	_ =	swait.ge [sflag:s7], $0x2800;
	(pc) =	sbr.rel @!p0 .LBB2_9-.Ltmp4, $4  }
0x83: {  	[sflag:s7] =	ssyncset.done $0x0;
	s8 =	sshrl.u32 s8, $0x2  }
0x84: {  	s6 =	sadd.s32 $0x4, s6;
	[sflag:s7] =	ssyncadd.s32 $0xFFFFD800;
	s25 =	sadd.s32 $0x4E20, s8  }
0x85: {  	[spmem:s2] =	stream.indirect.scatter.add.f32 [tilespmem:s25], [sflag:s6], $0x80, s31, s23, $0xb8;
	[tilespmem:$0x1FEA0] =	vst v63  }
0x86: {  	s31 =	sadd.s32 $0x50, s31  }
.LBB2_4:
0x87: {  	s25 =	smul.u32 $0xAB, s1;
	_ =	sdelay $0x1  }
0x88: {  	s6 =	sadd.s32 $0x201, s25  }
0x89: {  	s6 =	sshrl.u32 s6, $0x9  }
0x8a: {  	s6 =	sand.u32 $0x7F, s6  }
0x8b: {  	p0 =	sgt.u32 s1, $0x79;
	s6 =	smul.u32 $0x3, s6  }
.Ltmp5:
0x8c: {  	_ = 	snop;
	(pc) =	sbr.rel @!p0 .LBB2_5-.Ltmp5, $4  }
0x8d: {  	_ = 	snop  }
0x8e: {  	s6 =	ssub.s32 s1, s6  }
0x8f: {  	s6 =	sadd.s32 $0x3, s6  }
0x90: {  	s1 =	sadd.s32 $0x1, s1;
	s6 =	sand.u32 $0xFF, s6  }
0x91: {  	p0 =	sgt.u32 s1, $0x7A  }
.Ltmp6:
0x92: {  	_ = 	snop;
	(pc) =	sbr.rel @p0 .LBB2_8-.Ltmp6, $4  }
.Ltmp7:
0x93: {  	_ = 	snop;
	(pc) =	sbr.rel @!p0 .LBB2_7-.Ltmp7, $4  }
0x94: {  	_ = 	snop  }
0x95: {  	_ = 	snop  }
0x96: {  	_ = 	snop  }
0x97: {  	_ = 	snop  }
.LBB2_10:
0x98: {  	_ =	sfence.sel $0x180000  }
0x99: {  	[bflag:$0x0] =	sbarrier.arrive $0xFFFF  }
0x9a: {  	_ =	strace $0x9000004D  }
0x9b: {  	s0 =	stileid.u32;
	[bflag:$0x2] =	sbarrier.arrive $0xFFFF  }
0x9c: {  	p0 =	sne.s32 s0, $0x0;
	s0 =	rddreg [dreg:$0x3]  }
0x9d: {  	s0 =	sadd.s32 @!p0 $0x100000, s0  }
0x9e: {  	[sflag:s0] =	ssyncadd.tile.s32 @!p0 $0x1;
	_ =	shalt  }
.Lfunc_end2:
_tile_overlayer_lowered:
.L_overlay_start_2:
0x9f: {  	(tag) =	ssettag $0x2  }
0xa0: {  	s0 =	rddreg [dreg:$0x0];
	s2 =	stileid.u32  }
0xa1: {  	s1 =	rddreg [dreg:$0x1];
	p0 =	sne.s32 s2, $0x0  }
0xa2: {  	s3 =	rddreg [dreg:$0x2];
	[bflag:$0x3] =	sbarrier.arrive $0xFFFF;
	s2 =	simm.s32 @!p0 $0x1C08  }
0xa3: {  	[timem:s3], [sflag:s2] =	dma.local @!p0 [hbm:s0], s1  }
0xa4: {  	s0 =	simm.s32 @!p0 $0x8  }
0xa5: {  	_ =	swait.ge @!p0 [sflag:s0], s1  }
0xa6: {  	s1 =	ssub.s32 @!p0 $0x0, s1;
	[sflag:s0] =	ssyncset.done @!p0 $0x0  }
0xa7: {  	[sflag:s0] =	ssyncadd.s32 @!p0 s1  }
0xa8: {  	[bflag:$0x3] =	sbarrier.arrive $0xFFFF  }
0xa9: {  	_ =	shalt  }

// kernel: kernel.18.cloned.1.call-start
scs
__scs_entry_jumppad:
0x0: {  	(pc) =	sbr.rel $0x88, $3  }
0x1: {  	(tag) =	ssettag $0x0;
	lr =	simm.s32 $0x1  }
0x2: {  	[smem:$0x3F9A] =	sst lr;
	_ =	strace $0xD0000000  }
0x3: {  	_ = 	snop  }
0x4: {  	_ = 	snop  }
0x5: {  	_ = 	snop  }
0x6: {  	_ = 	snop  }
0x7: {  	_ = 	snop  }
__scs_overlays_trampoline_lowered:
0x8: {  	[smem:$0x3FA9] =	sst s0  }
0x9: {  	[smem:$0x3FAA] =	sst s1  }
0xa: {  	[smem:$0x3FAB] =	sst s2  }
0xb: {  	[smem:$0x3FAC] =	sst s3  }
0xc: {  	[smem:$0x3FAD] =	sst s4  }
0xd: {  	[smem:$0x3FAE] =	sst s5  }
0xe: {  	[smem:$0x3FAF] =	sst s6  }
0xf: {  	[smem:$0x3FB0] =	sst s7  }
0x10: {  	[smem:$0x3FB1] =	sst s8  }
0x11: {  	[smem:$0x3FB2] =	sst s9;
	s0 =	simm.s32 @!p0 $0x0  }
0x12: {  	s1 =	sld [smem:$0x3F98];
	s0 =	simm.s32 @p0 $0x1  }
0x13: {  	[smem:$0x3FB3] =	sst s0;
	s0 =	simm.s32 @!p1 $0x0  }
0x14: {  	s2 =	sld [smem:$0x3F97];
	s0 =	simm.s32 @p1 $0x1  }
0x15: {  	[smem:$0x3FB4] =	sst s0;
	s0 =	simm.s32 @!p2 $0x0  }
0x16: {  	s3 =	sld [smem:$0x3FDB];
	s0 =	simm.s32 @p2 $0x1  }
0x17: {  	s4 =	simm.s32 $0x1BF5;
	[smem:$0x3FB6] =	sst s0  }
0x18: {  	s0 =	sld [smem:$0x3F99];
	_ =	swait.ge [sflag:s4], $0x0  }
0x19: {  	s7 =	sld [smem:$0x3F9A]  }
0x1a: {  	s8 =	sadd.s32 $0xFFFFE003, lr  }
0x1b: {  	s9 =	sadd.s32 $0xFFFFFEF7, lr;
	s5 =	simm.s32 $0xFFFFFFFF;
	p2 =	slt.u32 s8, $0xFFFFF086  }
0x1c: {  	p1 =	slt.u32 s9, $0xF7A;
	s5 =	simm.s32 @!p2 $0x0  }
0x1d: {  	s5 =	simm.s32 @p1 $0x1;
	p0 =	seq.s32 s7, s2  }
0x1e: {  	s7 =	smul.u32 @!p0 $0xF7A, s2;
	p2 =	seq.s32 @!p0 s5, $0x0  }
0x1f: {  	s9 =	smul.u32 $0xF7A, s1;
	s8 =	simm.s32 @!p0 $0x1BF5;
	p2 =	por !p2, p0  }
0x20: {  	[sflag:s8] =	ssyncset.s32 @!p0 $0xFFFFF086;
	s6 =	sadd.s32 @!p0 s3, s7;
	s7 =	simm.s32 @!p0 $0x108  }
0x21: {  	s3 =	sadd.s32 s3, s9;
	s6 =	sadd.s32 @!p0 $0x88, s6;
	s7 =	simm.s32 @p2 $0x1082  }
0x22: {  	[simem:s7], [sflag:s8] =	dma.local @!p0 [hbm:s6], $0xF7A  }
0x23: {  	s9 =	sor.u32 $0xD0000000, s2;
	s6 =	simm.s32 $0x108;
	_ =	swait.ge @!p0 [sflag:s8], $0x0  }
0x24: {  	s3 =	sadd.s32 $0x88, s3;
	s6 =	simm.s32 @!p1 $0x1082;
	[sflag:s4] =	ssyncset.s32 $0xFFFFF086  }
0x25: {  	[simem:s6], [sflag:s4] =	dma.local [hbm:s3], $0xF7A  }
0x26: {  	[smem:$0x3F9A] =	sst s1;
	(tag) =	ssettag s2;
	_ =	strace s9  }
0x27: {  	s1 =	sld [smem:$0x3FAA]  }
0x28: {  	s2 =	sld [smem:$0x3FAB]  }
0x29: {  	s4 =	sld [smem:$0x3FAD]  }
0x2a: {  	p0 =	seq.s32 s5, $0x0;
	s5 =	sld [smem:$0x3FAE]  }
0x2b: {  	s6 =	sld [smem:$0x3FAF]  }
0x2c: {  	s7 =	sld [smem:$0x3FB0]  }
0x2d: {  	s3 =	simm.s32 $0x108;
	s8 =	sld [smem:$0x3FB1]  }
0x2e: {  	s3 =	simm.s32 @!p0 $0x1082;
	s9 =	sld [smem:$0x3FB2]  }
0x2f: {  	lr =	sadd.s32 s0, s3;
	s0 =	sld [smem:$0x3FA9]  }
0x30: {  	s3 =	sld [smem:$0x3FAC]  }
0x31: {  	[smem:$0x3FB5] =	sst s10  }
0x32: {  	s10 =	sld [smem:$0x3FB3];
	_ =	sdelay $0x3  }
0x33: {  	p0 =	seq.s32 s10, $0x1;
	s10 =	sld [smem:$0x3FB5];
	_ =	sdelay $0x3  }
0x34: {  	[smem:$0x3FB5] =	sst s10  }
0x35: {  	s10 =	sld [smem:$0x3FB4];
	_ =	sdelay $0x3  }
0x36: {  	p1 =	seq.s32 s10, $0x1;
	s10 =	sld [smem:$0x3FB5];
	_ =	sdelay $0x3  }
0x37: {  	[smem:$0x3FB5] =	sst s10  }
0x38: {  	s10 =	sld [smem:$0x3FB6]  }
0x39: {  	_ = 	snop;
	(pc) =	sbr.ind lr, $3  }
0x3a: {  	_ = 	snop  }
0x3b: {  	_ = 	snop  }
0x3c: {  	p2 =	seq.s32 s10, $0x1;
	s10 =	sld [smem:$0x3FB5]  }
0x3d: {  	_ =	shalt  }
0x3e: {  	_ =	shalt  }
0x3f: {  	_ =	shalt  }
0x40: {  	_ =	shalt  }
0x41: {  	_ =	shalt  }
0x42: {  	_ =	shalt  }
0x43: {  	_ =	shalt  }
0x44: {  	_ =	shalt  }
0x45: {  	_ =	shalt  }
0x46: {  	_ =	shalt  }
0x47: {  	_ =	shalt  }
0x48: {  	_ =	shalt  }
0x49: {  	_ =	shalt  }
0x4a: {  	_ =	shalt  }
0x4b: {  	_ =	shalt  }
0x4c: {  	_ =	shalt  }
0x4d: {  	_ =	shalt  }
0x4e: {  	_ =	shalt  }
0x4f: {  	_ =	shalt  }
0x50: {  	_ =	shalt  }
0x51: {  	_ =	shalt  }
0x52: {  	_ =	shalt  }
0x53: {  	_ =	shalt  }
0x54: {  	_ =	shalt  }
0x55: {  	_ =	shalt  }
0x56: {  	_ =	shalt  }
0x57: {  	_ =	shalt  }
0x58: {  	_ =	shalt  }
0x59: {  	_ =	shalt  }
0x5a: {  	_ =	shalt  }
0x5b: {  	_ =	shalt  }
0x5c: {  	_ =	shalt  }
0x5d: {  	_ =	shalt  }
0x5e: {  	_ =	shalt  }
0x5f: {  	_ =	shalt  }
0x60: {  	_ =	shalt  }
0x61: {  	_ =	shalt  }
0x62: {  	_ =	shalt  }
0x63: {  	_ =	shalt  }
0x64: {  	_ =	shalt  }
0x65: {  	_ =	shalt  }
0x66: {  	_ =	shalt  }
0x67: {  	_ =	shalt  }
0x68: {  	_ =	shalt  }
0x69: {  	_ =	shalt  }
0x6a: {  	_ =	shalt  }
0x6b: {  	_ =	shalt  }
0x6c: {  	_ =	shalt  }
0x6d: {  	_ =	shalt  }
0x6e: {  	_ =	shalt  }
0x6f: {  	_ =	shalt  }
0x70: {  	_ =	shalt  }
0x71: {  	_ =	shalt  }
0x72: {  	_ =	shalt  }
0x73: {  	_ =	shalt  }
0x74: {  	_ =	shalt  }
0x75: {  	_ =	shalt  }
0x76: {  	_ =	shalt  }
0x77: {  	_ =	shalt  }
0x78: {  	_ =	shalt  }
0x79: {  	_ =	shalt  }
0x7a: {  	_ =	shalt  }
0x7b: {  	_ =	shalt  }
0x7c: {  	_ =	shalt  }
0x7d: {  	_ =	shalt  }
0x7e: {  	_ =	shalt  }
0x7f: {  	_ =	shalt  }
0x80: {  	_ =	shalt  }
0x81: {  	_ =	shalt  }
0x82: {  	_ =	shalt  }
0x83: {  	_ =	shalt  }
0x84: {  	_ =	shalt  }
0x85: {  	_ =	shalt  }
0x86: {  	_ =	shalt  }
0x87: {  	_ =	shalt  }
.Lfunc_end0:
.L_simem_size_0:
called_computation.3_lowered:
.L_overlay_start_0:
0x88: {  	s2 =	sld [smem:$0x3FD9]  }
0x89: {  	s3 =	sld [smem:$0x3FFE];
	_ =	sdelay $0x1  }
0x8a: {  	s1 =	srdreg.scid  }
0x8b: {  	s0 =	sand.u32 $0x1, s1  }
0x8c: {  	s17 =	sshll.u32 s0, $0xA;
	s2 =	sadd.s32 s3, s2  }
0x8d: {  	s2 =	sadd.s32 s2, s17  }
0x8e: {  	[smem:$0x3FC1] =	sst s2  }
0x8f: {  	_ = 	snop  }
0x90: {  	s2 =	sld [smem:$0x3FD0];
	(tm) =	ssettm $0x1  }
0x91: {  	s18 =	sld [smem:$0x3FFB];
	_ =	sdelay $0x3  }
0x92: {  	_ =	strace s18  }
0x93: {  	s3 =	sld [smem:$0x3FFC];
	_ =	sdelay $0x3  }
0x94: {  	_ =	strace s3  }
0x95: {  	s3 =	sld [smem:$0x3FFD];
	_ =	sdelay $0x3  }
0x96: {  	_ =	strace s3  }
0x97: {  	_ =	strace $0x8FFFFFFF  }
0x98: {  	s19 =	sld [smem:$0x3FDB];
	_ =	sdelay $0x1  }
0x99: {  	s4 =	simm.s32 $_scs_section_size  }
0x9a: {  	s5 =	simm.s32 $_size__tile_overlayer_lowered;
	s6 =	simm.s32 $_tile_overlayer_lowered  }
0x9b: {  	s22 =	simm.s32 $0x1BFF;
	s21 =	sshll.u32 s6, $0x1;
	s3 =	sadd.s32 s4, s19  }
0x9c: {  	s7 =	simm.s32 $0x0;
	s20 =	sshll.u32 s5, $0x1;
	s5 =	sadd.s32 s21, s3  }
0x9d: {  	[timem:s7], [sflag:s22] =	dma.local [hbm:s5], s20  }
0x9e: {  	_ =	swait.ge [sflag:s22], s20  }
0x9f: {  	s4 =	ssub.s32 $0x0, s20;
	[sflag:s22] =	ssyncset.done $0x0  }
0xa0: {  	[sflag:s22] =	ssyncadd.s32 s4;
	_ =	sdelay $0x1  }
0xa1: {  	s23 =	simm.s32 $0x1B8B  }
0xa2: {  	_ =	swait.ge [sflag:s23], $0x1  }
0xa3: {  	[sflag:s23] =	ssyncset.done $0x0  }
0xa4: {  	s25 =	simm.s32 $0x1B8E;
	s24 =	sld [smem:$0x3FFE];
	[sflag:s23] =	ssyncadd.s32 $0xFFFFFFFF  }
0xa5: {  	s26 =	simm.s32 $execute0_lowered;
	[smem:$0x3FD2] =	sst s25  }
0xa6: {  	s5 =	sshll.u32 s26, $0x1;
	_ =	strace $0x8000004F;
	[dreg:$0x1] =	wrdreg $0xFFFFFFFF  }
0xa7: {  	s28 =	simm.s32 $_size_execute0_lowered;
	s3 =	sadd.s32 s3, s5;
	[dreg:$0x0] =	wrdreg $0x0  }
0xa8: {  	s5 =	sshll.u32 s28, $0x1;
	[dreg:$0x2] =	wrdreg s3  }
0xa9: {  	[dreg:$0x3] =	wrdreg s5  }
0xaa: {  	[dreg:$0x4] =	wrdreg $0xC0  }
0xab: {  	_ =	task [dreg:s7], $0x5FFFF  }
0xac: {  	[dreg:$0x1] =	wrdreg $0xFFFFFFFF  }
0xad: {  	[dreg:$0x0] =	wrdreg $0x60  }
0xae: {  	[dreg:$0x2] =	wrdreg s2  }
0xaf: {  	[dreg:$0x3] =	wrdreg s24  }
0xb0: {  	[dreg:$0x4] =	wrdreg $0xC6200  }
0xb1: {  	[dreg:$0x5] =	wrdreg $0x9  }
0xb2: {  	_ =	task.clear_ibuf [dreg:s7], $0x6FFFF;
	_ =	strace $0x9000004F  }
0xb3: {  	s29 =	simm.s32 $0x9;
	_ =	strace $0x80000051  }
0xb4: {  	_ =	swait.ge [sflag:s29], $0x1  }
0xb5: {  	[sflag:s29] =	ssyncadd.s32 $0xFFFFFFFF  }
0xb6: {  	_ =	strace $0x90000051  }
0xb7: {  	_ =	sfence  }
0xb8: {  	s30 =	sld [smem:$0x0];
	_ =	sdelay $0x2  }
0xb9: {  	s31 =	sshll.u32 s1, $0xD;
	s1 =	sshrl.u32 s1, $0x2  }
0xba: {  	s3 =	sand.u32 $0x4000, s31;
	s1 =	sadd.s32 s1, s30  }
0xbb: {  	s0 =	sor.u32 s3, s0;
	s1 =	sshll.u32 s1, $0x11  }
0xbc: {  	s0 =	sor.u32 s1, s0  }
0xbd: {  	s0 =	sadd.s32 $0x8F2B, s0  }
0xbe: {  	[sflag:s0] =	ssyncadd.remote.s32 $0x1  }
0xbf: {  	_ =	sfence.sel $0xFFFF  }
0xc0: {  	[dreg:$0x0] =	wrdreg $0xFFFFFFFF;
	(pc) =	sbr.abs _section_cstart, $3  }
0xc1: {  	[dreg:$0x1] =	wrdreg $0xFFFFFFFF  }
0xc2: {  	_ =	task.clear_ibuf [dreg:s7], $0x2FFFF;
	_ =	strace $0x9FFFFFFF  }
0xc3: {  	(tm) =	ssettm $0x7FFFFFFF  }
tec
execute0_lowered:
.L_overlay_start_1:
0x0: {  	(tag) =	ssettag $0x1  }
0x1: {  	s0 =	rddreg [dreg:$0x0]  }
0x2: {  	s1 =	rddreg [dreg:$0x1];
	s3 =	srdreg.scid  }
0x3: {  	s9 =	stileid.u32;
	s2 =	rddreg [dreg:$0x2];
	s22 =	simm.s32 $0x8  }
0x4: {  	s21 =	simm.s32 $0x7;
	s28 =	simm.s32 $0x4;
	s29 =	simm.s32 $0x5  }
0x5: {  	s30 =	simm.s32 $0x0;
	s5 =	sand.u32 $0x1, s3;
	s6 =	smul.u32 $0x13880, s9  }
0x6: {  	s3 =	simm.s32 $0x0;
	s8 =	smul.u32 $0x4E200, s9;
	s9 =	sshll.u32 s9, $0x1  }
0x7: {  	s4 =	smul.u32 $0x140000, s5;
	[smem:$0x7FF] =	sst s3;
	s23 =	ssub.s32 $0x2, s5  }
0x8: {  	s5 =	sor.u32 s5, s9;
	_ =	strace $0x80000050;
	s10 =	sshrl.u32 s23, $0x1  }
0x9: {  	s8 =	sshrl.u32 s8, $0x2;
	s13 =	smul.u32 $0x4E20, s5;
	s5 =	sadd.s32 s6, s2  }
0xa: {  	s7 =	sadd.s32 s6, s4;
	s4 =	sadd.s32 $0x4000, s1;
	s14 =	ssub.s32 s23, s10  }
0xb: {  	s12 =	sadd.s32 s8, s2;
	s23 =	simm.s32 $0x50;
	s7 =	sshrl.u32 s7, $0x3  }
0xc: {  	s24 =	sadd.s32 $0x2800, s12;
	s25 =	sadd.s32 $0x5000, s12;
	s26 =	sadd.s32 $0x7800, s12  }
0xd: {  	s9 =	sadd.s32 $0xA000, s12;
	s10 =	sadd.s32 $0xC800, s12;
	s11 =	sadd.s32 $0xF000, s12  }
0xe: {  	s12 =	sadd.s32 $0x11800, s12;
	s31 =	sshrl.u32 s13, $0x3;
	[dreg:$0x4] =	wrdreg s24  }
.Ltmp0:
0xf: {  	s14 =	smax.u32 s14, $0x1;
	[dreg:$0x5] =	wrdreg s25;
	(pc) =	sbr.rel .LBB2_1-.Ltmp0, $4  }
0x10: {  	s1 =	sadd.s32 s7, s1;
	[dreg:$0x6] =	wrdreg s26;
	s15 =	sadd.s32 s0, s31  }
0x11: {  	s0 =	simm.s32 $0x4E20;
	s26 =	simm.s32 $0x6;
	s13 =	sadd.s32 $0x2C000, s1  }
0x12: {  	s16 =	sadd.s32 $0x4E2, s15;
	s17 =	sadd.s32 $0xFA, s15;
	s18 =	sadd.s32 $0x1F4, s15  }
0x13: {  	v0 =	vimm.f32 $0.0e+00;
	s19 =	sadd.s32 $0x2EE, s15;
	s20 =	sadd.s32 $0x3E8, s15;
	s24 =	sadd.s32 $0x4E2, s17  }
.LBB2_9:
0x14: {  	_ =	swait.ge [sflag:s26], $0x2800  }
0x15: {  	[sflag:s26] =	ssyncset.done $0x0  }
0x16: {  	[sflag:s26] =	ssyncadd.s32 $0xFFFFD800  }
0x17: {  	_ =	swait.ge [sflag:s28], $0x2800  }
0x18: {  	[sflag:s28] =	ssyncset.done $0x0  }
0x19: {  	[sflag:s28] =	ssyncadd.s32 $0xFFFFD800  }
0x1a: {  	s1 =	stileid.u32;
	_ =	swait.ge [sflag:s29], $0x2800  }
0x1b: {  	s6 =	sshrl.u32 s5, $0x3;
	s30 =	sadd.s32 $0x1, s30;
	[sflag:s29] =	ssyncset.done $0x0  }
0x1c: {  	s1 =	sshll.u32 s1, $0x6;
	p0 =	sne.s32 s30, s14;
	[sflag:s29] =	ssyncadd.s32 $0xFFFFD800  }
.Ltmp1:
0x1d: {  	s1 =	sor.u32 $0x1C08, s1;
	[bflag:$0x0] =	sbarrier.arrive $0xFFFF;
	(pc) =	sbr.rel @!p0 .LBB2_10-.Ltmp1, $4  }
0x1e: {  	[hbm:s13], [sflag:s1] =	dma.local [spmem:s6], $0x2710  }
0x1f: {  	_ =	swait.ge [sflag:s22], $0x2710  }
0x20: {  	[sflag:s22] =	ssyncset.done $0x0  }
0x21: {  	[sflag:s22] =	ssyncadd.s32 $0xFFFFD8F0  }
.LBB2_1:
0x22: {  	[tilespmem:s3], [sflag:$0x8] =	stream.linear.gather [hbm4b:s15+s3], $0x7D0, $0x38;
	[tilespmem:$0x1FEA0] =	vst v63  }
0x23: {  	s1 =	simm.s32 $0x2710  }
0x24: {  	[tilespmem:s1], [sflag:$0x8] =	stream.linear.gather [hbm4b:s16+s3], $0x7D0, $0x38;
	[tilespmem:$0x1FEA0] =	vst v63  }
0x25: {  	_ =	swait.ge [sflag:s22], $0xFA0  }
0x26: {  	[sflag:s22] =	ssyncset.done $0x0  }
0x27: {  	s25 =	simm.s32 $0x7D0;
	[sflag:s22] =	ssyncadd.s32 $0xFFFFF060  }
0x28: {  	[tilespmem:s25], [sflag:$0x8] =	stream.linear.gather [hbm4b:s17+s3], $0x7D0, $0x38;
	[tilespmem:$0x1FEA0] =	vst v63  }
0x29: {  	s31 =	simm.s32 $0x2EE0  }
0x2a: {  	[tilespmem:s31], [sflag:$0x8] =	stream.linear.gather [hbm4b:s24+s3], $0x7D0, $0x38;
	[tilespmem:$0x1FEA0] =	vst v63  }
0x2b: {  	_ =	swait.ge [sflag:s22], $0xFA0  }
0x2c: {  	[sflag:s22] =	ssyncset.done $0x0  }
0x2d: {  	s6 =	simm.s32 $0xFA0;
	[sflag:s22] =	ssyncadd.s32 $0xFFFFF060  }
0x2e: {  	[tilespmem:s6], [sflag:$0x8] =	stream.linear.gather [hbm4b:s18+s3], $0x7D0, $0x38;
	[tilespmem:$0x1FEA0] =	vst v63  }
0x2f: {  	s7 =	sadd.s32 $0x4E2, s18;
	s6 =	simm.s32 $0x36B0  }
0x30: {  	[tilespmem:s6], [sflag:$0x8] =	stream.linear.gather [hbm4b:s7+s3], $0x7D0, $0x38;
	[tilespmem:$0x1FEA0] =	vst v63  }
0x31: {  	_ =	swait.ge [sflag:s22], $0xFA0  }
0x32: {  	[sflag:s22] =	ssyncset.done $0x0  }
0x33: {  	s8 =	simm.s32 $0x1770;
	[sflag:s22] =	ssyncadd.s32 $0xFFFFF060  }
0x34: {  	[tilespmem:s8], [sflag:$0x8] =	stream.linear.gather [hbm4b:s19+s3], $0x7D0, $0x38;
	[tilespmem:$0x1FEA0] =	vst v63  }
0x35: {  	s25 =	sadd.s32 $0x4E2, s19;
	s31 =	simm.s32 $0x3E80  }
0x36: {  	[tilespmem:s31], [sflag:$0x8] =	stream.linear.gather [hbm4b:s25+s3], $0x7D0, $0x38;
	[tilespmem:$0x1FEA0] =	vst v63  }
0x37: {  	_ =	swait.ge [sflag:s22], $0xFA0  }
0x38: {  	[sflag:s22] =	ssyncset.done $0x0  }
0x39: {  	s6 =	simm.s32 $0x1F40;
	[sflag:s22] =	ssyncadd.s32 $0xFFFFF060  }
0x3a: {  	[tilespmem:s6], [sflag:$0x8] =	stream.linear.gather [hbm4b:s20+s3], $0x7D0, $0x38;
	[tilespmem:$0x1FEA0] =	vst v63  }
0x3b: {  	s7 =	sadd.s32 $0x4E2, s20;
	s8 =	simm.s32 $0x4650  }
0x3c: {  	[tilespmem:s8], [sflag:$0x8] =	stream.linear.gather [hbm4b:s7+s3], $0x7D0, $0x38;
	[tilespmem:$0x1FEA0] =	vst v63  }
0x3d: {  	s1 =	simm.s32 $0x40;
	s25 =	sand.u32 $0xFE00, s3;
	_ =	swait.ge [sflag:s22], $0xFA0  }
0x3e: {  	s31 =	sand.u32 $0x70, s3;
	s25 =	sshrl.u32 s25, $0x2;
	[sflag:s22] =	ssyncset.done $0x0  }
0x3f: {  	s6 =	sor.u32 s31, s25;
	s25 =	simm.s32 $0x0;
	[sflag:s22] =	ssyncadd.s32 $0xFFFFF060  }
.LBB2_2:
0x40: {  	p0 =	sne.s32 s1, $0x9FC0  }
0x41: {  	[tilespmem:s6+$0x4E20] =	vst v0;
	s25 =	sadd.s32 $0x10, s25;
	s6 =	smov.u32 s1;
	s1 =	sadd.s32 $0x40, s1  }
.Ltmp2:
0x42: {  	(pc) =	sbr.rel @p0 .LBB2_2-.Ltmp2, $4  }
0x43: {  	_ = 	snop  }
0x44: {  	s6 =	sand.u32 $0xFE00, s6  }
0x45: {  	s31 =	sand.u32 $0x70, s25;
	s6 =	sshrl.u32 s6, $0x2  }
0x46: {  	s6 =	sor.u32 s31, s6  }
0x47: {  	[tilespmem:s6+$0x4E20] =	vst v0  }
0x48: {  	[spmem:s5] =	stream.linear.scatter [tilespmem:s0], [sflag:$0x7], $0x2800, $0x38;
	[tilespmem:$0x1FEA0] =	vst v63  }
0x49: {  	s1 =	rddreg [dreg:$0x4]  }
0x4a: {  	[spmem:s1] =	stream.linear.scatter [tilespmem:s0], [sflag:$0x7], $0x2800, $0x38;
	[tilespmem:$0x1FEA0] =	vst v63  }
0x4b: {  	s7 =	rddreg [dreg:$0x5]  }
0x4c: {  	[spmem:s7] =	stream.linear.scatter [tilespmem:s0], [sflag:$0x7], $0x2800, $0x38;
	[tilespmem:$0x1FEA0] =	vst v63  }
0x4d: {  	s8 =	rddreg [dreg:$0x6]  }
0x4e: {  	[spmem:s8] =	stream.linear.scatter [tilespmem:s0], [sflag:$0x7], $0x2800, $0x38;
	[tilespmem:$0x1FEA0] =	vst v63  }
0x4f: {  	_ = 	snop  }
0x50: {  	[spmem:s9] =	stream.linear.scatter [tilespmem:s0], [sflag:$0x7], $0x2800, $0x38;
	[tilespmem:$0x1FEA0] =	vst v63  }
0x51: {  	_ = 	snop  }
0x52: {  	[spmem:s10] =	stream.linear.scatter [tilespmem:s0], [sflag:$0x7], $0x2800, $0x38;
	[tilespmem:$0x1FEA0] =	vst v63  }
0x53: {  	_ = 	snop  }
0x54: {  	[spmem:s11] =	stream.linear.scatter [tilespmem:s0], [sflag:$0x7], $0x2800, $0x38;
	[tilespmem:$0x1FEA0] =	vst v63  }
0x55: {  	_ = 	snop  }
0x56: {  	[spmem:s12] =	stream.linear.scatter [tilespmem:s0], [sflag:$0x7], $0x2080, $0x38;
	[tilespmem:$0x1FEA0] =	vst v63  }
0x57: {  	_ =	swait.ge [sflag:s21], $0x2800  }
0x58: {  	[sflag:s21] =	ssyncset.done $0x0  }
0x59: {  	[sflag:s21] =	ssyncadd.s32 $0xFFFFD800  }
0x5a: {  	_ =	swait.ge [sflag:s21], $0x2800  }
0x5b: {  	[sflag:s21] =	ssyncset.done $0x0  }
0x5c: {  	[sflag:s21] =	ssyncadd.s32 $0xFFFFD800  }
0x5d: {  	_ =	swait.ge [sflag:s21], $0x2800  }
0x5e: {  	[sflag:s21] =	ssyncset.done $0x0  }
0x5f: {  	[sflag:s21] =	ssyncadd.s32 $0xFFFFD800  }
0x60: {  	_ =	swait.ge [sflag:s21], $0x2800  }
0x61: {  	[sflag:s21] =	ssyncset.done $0x0  }
0x62: {  	[sflag:s21] =	ssyncadd.s32 $0xFFFFD800  }
0x63: {  	_ =	swait.ge [sflag:s21], $0x2800  }
0x64: {  	[sflag:s21] =	ssyncset.done $0x0  }
0x65: {  	[sflag:s21] =	ssyncadd.s32 $0xFFFFD800  }
0x66: {  	_ =	swait.ge [sflag:s21], $0x2800  }
0x67: {  	[sflag:s21] =	ssyncset.done $0x0  }
0x68: {  	[sflag:s21] =	ssyncadd.s32 $0xFFFFD800  }
0x69: {  	_ =	swait.ge [sflag:s21], $0x2800  }
0x6a: {  	[sflag:s21] =	ssyncset.done $0x0  }
0x6b: {  	[sflag:s21] =	ssyncadd.s32 $0xFFFFD800  }
0x6c: {  	_ =	swait.ge [sflag:s21], $0x2080  }
0x6d: {  	[sflag:s21] =	ssyncset.done $0x0  }
.Ltmp3:
0x6e: {  	[sflag:s21] =	ssyncadd.s32 $0xFFFFDF80;
	(pc) =	sbr.rel .LBB2_4-.Ltmp3, $4  }
0x6f: {  	[bflag:$0x0] =	sbarrier.arrive $0xFFFF  }
0x70: {  	[tilespmem:s0], [sflag:$0x1] =	stream.indirect.gather [hbm4b:s4+s23], $0x80, s3, s23, $0xb8;
	[tilespmem:$0x1FEA0] =	vst v63  }
0x71: {  	s25 =	simm.s32 $0x7620;
	s31 =	simm.s32 $0x2710;
	s1 =	simm.s32 $0xFFFFFFFF  }
0x72: {  	[tilespmem:s25], [sflag:$0x2] =	stream.indirect.gather [hbm4b:s4+s23], $0x80, s23, s23, $0xb8;
	[tilespmem:$0x1FEA0] =	vst v63  }
.LBB2_5:
0x73: {  	s7 =	sadd.s32 $0x4, s6  }
0x74: {  	_ =	swait.ge [sflag:s7], $0x2800  }
0x75: {  	[sflag:s7] =	ssyncset.done $0x0  }
0x76: {  	[sflag:s7] =	ssyncadd.s32 $0xFFFFD800  }
.LBB2_7:
0x77: {  	s7 =	smul.u32 $0xA000, s6;
	_ =	sdelay $0x1  }
0x78: {  	s7 =	sshrl.u32 s7, $0x2  }
0x79: {  	s8 =	sadd.s32 $0xFFFFD990, s31;
	s6 =	sadd.s32 $0x1, s6;
	s7 =	sadd.s32 $0x4E20, s7  }
0x7a: {  	[tilespmem:s7], [sflag:s6] =	stream.indirect.gather [hbm4b:s4+s23], $0x80, s8, s23, $0xb8;
	[tilespmem:$0x1FEA0] =	vst v63  }
.LBB2_8:
0x7b: {  	s6 =	sadd.s32 $0xAB, s25  }
0x7c: {  	s6 =	sshrl.u32 s6, $0x9  }
0x7d: {  	s6 =	sand.u32 $0x7F, s6  }
0x7e: {  	s6 =	smul.u32 $0x3, s6;
	_ =	sdelay $0x1  }
0x7f: {  	s6 =	ssub.s32 s1, s6  }
0x80: {  	s6 =	sand.u32 $0xFF, s6  }
0x81: {  	p0 =	sne.s32 s1, $0x7C;
	s7 =	sadd.s32 $0x1, s6;
	s8 =	smul.u32 $0xA000, s6  }
.Ltmp4:
0x82: {  	_ =	swait.ge [sflag:s7], $0x2800;
	(pc) =	sbr.rel @!p0 .LBB2_9-.Ltmp4, $4  }
0x83: {  	[sflag:s7] =	ssyncset.done $0x0;
	s8 =	sshrl.u32 s8, $0x2  }
0x84: {  	s6 =	sadd.s32 $0x4, s6;
	[sflag:s7] =	ssyncadd.s32 $0xFFFFD800;
	s25 =	sadd.s32 $0x4E20, s8  }
0x85: {  	[spmem:s2] =	stream.indirect.scatter.add.f32 [tilespmem:s25], [sflag:s6], $0x80, s31, s23, $0xb8;
	[tilespmem:$0x1FEA0] =	vst v63  }
0x86: {  	s31 =	sadd.s32 $0x50, s31  }
.LBB2_4:
0x87: {  	s25 =	smul.u32 $0xAB, s1;
	_ =	sdelay $0x1  }
0x88: {  	s6 =	sadd.s32 $0x201, s25  }
0x89: {  	s6 =	sshrl.u32 s6, $0x9  }
0x8a: {  	s6 =	sand.u32 $0x7F, s6  }
0x8b: {  	p0 =	sgt.u32 s1, $0x79;
	s6 =	smul.u32 $0x3, s6  }
.Ltmp5:
0x8c: {  	_ = 	snop;
	(pc) =	sbr.rel @!p0 .LBB2_5-.Ltmp5, $4  }
0x8d: {  	_ = 	snop  }
0x8e: {  	s6 =	ssub.s32 s1, s6  }
0x8f: {  	s6 =	sadd.s32 $0x3, s6  }
0x90: {  	s1 =	sadd.s32 $0x1, s1;
	s6 =	sand.u32 $0xFF, s6  }
0x91: {  	p0 =	sgt.u32 s1, $0x7A  }
.Ltmp6:
0x92: {  	_ = 	snop;
	(pc) =	sbr.rel @p0 .LBB2_8-.Ltmp6, $4  }
.Ltmp7:
0x93: {  	_ = 	snop;
	(pc) =	sbr.rel @!p0 .LBB2_7-.Ltmp7, $4  }
0x94: {  	_ = 	snop  }
0x95: {  	_ = 	snop  }
0x96: {  	_ = 	snop  }
0x97: {  	_ = 	snop  }
.LBB2_10:
0x98: {  	_ =	sfence.sel $0x180000  }
0x99: {  	[bflag:$0x0] =	sbarrier.arrive $0xFFFF  }
0x9a: {  	_ =	strace $0x90000050  }
0x9b: {  	s0 =	stileid.u32;
	[bflag:$0x2] =	sbarrier.arrive $0xFFFF  }
0x9c: {  	p0 =	sne.s32 s0, $0x0;
	s0 =	rddreg [dreg:$0x3]  }
0x9d: {  	s0 =	sadd.s32 @!p0 $0x100000, s0  }
0x9e: {  	[sflag:s0] =	ssyncadd.tile.s32 @!p0 $0x1;
	_ =	shalt  }
.Lfunc_end2:
_tile_overlayer_lowered:
.L_overlay_start_2:
0x9f: {  	(tag) =	ssettag $0x2  }
0xa0: {  	s0 =	rddreg [dreg:$0x0];
	s2 =	stileid.u32  }
0xa1: {  	s1 =	rddreg [dreg:$0x1];
	p0 =	sne.s32 s2, $0x0  }
0xa2: {  	s3 =	rddreg [dreg:$0x2];
	[bflag:$0x3] =	sbarrier.arrive $0xFFFF;
	s2 =	simm.s32 @!p0 $0x1C08  }
0xa3: {  	[timem:s3], [sflag:s2] =	dma.local @!p0 [hbm:s0], s1  }
0xa4: {  	s0 =	simm.s32 @!p0 $0x8  }
0xa5: {  	_ =	swait.ge @!p0 [sflag:s0], s1  }
0xa6: {  	s1 =	ssub.s32 @!p0 $0x0, s1;
	[sflag:s0] =	ssyncset.done @!p0 $0x0  }
0xa7: {  	[sflag:s0] =	ssyncadd.s32 @!p0 s1  }
0xa8: {  	[bflag:$0x3] =	sbarrier.arrive $0xFFFF  }
0xa9: {  	_ =	shalt  }

// kernel: kernel.9.cloned.1.call-start
scs
__scs_entry_jumppad:
0x0: {  	(pc) =	sbr.rel $0x88, $3  }
0x1: {  	(tag) =	ssettag $0x0;
	lr =	simm.s32 $0x1  }
0x2: {  	[smem:$0x3F9A] =	sst lr;
	_ =	strace $0xD0000000  }
0x3: {  	_ = 	snop  }
0x4: {  	_ = 	snop  }
0x5: {  	_ = 	snop  }
0x6: {  	_ = 	snop  }
0x7: {  	_ = 	snop  }
__scs_overlays_trampoline_lowered:
0x8: {  	[smem:$0x3FA9] =	sst s0  }
0x9: {  	[smem:$0x3FAA] =	sst s1  }
0xa: {  	[smem:$0x3FAB] =	sst s2  }
0xb: {  	[smem:$0x3FAC] =	sst s3  }
0xc: {  	[smem:$0x3FAD] =	sst s4  }
0xd: {  	[smem:$0x3FAE] =	sst s5  }
0xe: {  	[smem:$0x3FAF] =	sst s6  }
0xf: {  	[smem:$0x3FB0] =	sst s7  }
0x10: {  	[smem:$0x3FB1] =	sst s8  }
0x11: {  	[smem:$0x3FB2] =	sst s9;
	s0 =	simm.s32 @!p0 $0x0  }
0x12: {  	s1 =	sld [smem:$0x3F98];
	s0 =	simm.s32 @p0 $0x1  }
0x13: {  	[smem:$0x3FB3] =	sst s0;
	s0 =	simm.s32 @!p1 $0x0  }
0x14: {  	s2 =	sld [smem:$0x3F97];
	s0 =	simm.s32 @p1 $0x1  }
0x15: {  	[smem:$0x3FB4] =	sst s0;
	s0 =	simm.s32 @!p2 $0x0  }
0x16: {  	s3 =	sld [smem:$0x3FDB];
	s0 =	simm.s32 @p2 $0x1  }
0x17: {  	s4 =	simm.s32 $0x1BF5;
	[smem:$0x3FB6] =	sst s0  }
0x18: {  	s0 =	sld [smem:$0x3F99];
	_ =	swait.ge [sflag:s4], $0x0  }
0x19: {  	s7 =	sld [smem:$0x3F9A]  }
0x1a: {  	s8 =	sadd.s32 $0xFFFFE003, lr  }
0x1b: {  	s9 =	sadd.s32 $0xFFFFFEF7, lr;
	s5 =	simm.s32 $0xFFFFFFFF;
	p2 =	slt.u32 s8, $0xFFFFF086  }
0x1c: {  	p1 =	slt.u32 s9, $0xF7A;
	s5 =	simm.s32 @!p2 $0x0  }
0x1d: {  	s5 =	simm.s32 @p1 $0x1;
	p0 =	seq.s32 s7, s2  }
0x1e: {  	s7 =	smul.u32 @!p0 $0xF7A, s2;
	p2 =	seq.s32 @!p0 s5, $0x0  }
0x1f: {  	s9 =	smul.u32 $0xF7A, s1;
	s8 =	simm.s32 @!p0 $0x1BF5;
	p2 =	por !p2, p0  }
0x20: {  	[sflag:s8] =	ssyncset.s32 @!p0 $0xFFFFF086;
	s6 =	sadd.s32 @!p0 s3, s7;
	s7 =	simm.s32 @!p0 $0x108  }
0x21: {  	s3 =	sadd.s32 s3, s9;
	s6 =	sadd.s32 @!p0 $0x88, s6;
	s7 =	simm.s32 @p2 $0x1082  }
0x22: {  	[simem:s7], [sflag:s8] =	dma.local @!p0 [hbm:s6], $0xF7A  }
0x23: {  	s9 =	sor.u32 $0xD0000000, s2;
	s6 =	simm.s32 $0x108;
	_ =	swait.ge @!p0 [sflag:s8], $0x0  }
0x24: {  	s3 =	sadd.s32 $0x88, s3;
	s6 =	simm.s32 @!p1 $0x1082;
	[sflag:s4] =	ssyncset.s32 $0xFFFFF086  }
0x25: {  	[simem:s6], [sflag:s4] =	dma.local [hbm:s3], $0xF7A  }
0x26: {  	[smem:$0x3F9A] =	sst s1;
	(tag) =	ssettag s2;
	_ =	strace s9  }
0x27: {  	s1 =	sld [smem:$0x3FAA]  }
0x28: {  	s2 =	sld [smem:$0x3FAB]  }
0x29: {  	s4 =	sld [smem:$0x3FAD]  }
0x2a: {  	p0 =	seq.s32 s5, $0x0;
	s5 =	sld [smem:$0x3FAE]  }
0x2b: {  	s6 =	sld [smem:$0x3FAF]  }
0x2c: {  	s7 =	sld [smem:$0x3FB0]  }
0x2d: {  	s3 =	simm.s32 $0x108;
	s8 =	sld [smem:$0x3FB1]  }
0x2e: {  	s3 =	simm.s32 @!p0 $0x1082;
	s9 =	sld [smem:$0x3FB2]  }
0x2f: {  	lr =	sadd.s32 s0, s3;
	s0 =	sld [smem:$0x3FA9]  }
0x30: {  	s3 =	sld [smem:$0x3FAC]  }
0x31: {  	[smem:$0x3FB5] =	sst s10  }
0x32: {  	s10 =	sld [smem:$0x3FB3];
	_ =	sdelay $0x3  }
0x33: {  	p0 =	seq.s32 s10, $0x1;
	s10 =	sld [smem:$0x3FB5];
	_ =	sdelay $0x3  }
0x34: {  	[smem:$0x3FB5] =	sst s10  }
0x35: {  	s10 =	sld [smem:$0x3FB4];
	_ =	sdelay $0x3  }
0x36: {  	p1 =	seq.s32 s10, $0x1;
	s10 =	sld [smem:$0x3FB5];
	_ =	sdelay $0x3  }
0x37: {  	[smem:$0x3FB5] =	sst s10  }
0x38: {  	s10 =	sld [smem:$0x3FB6]  }
0x39: {  	_ = 	snop;
	(pc) =	sbr.ind lr, $3  }
0x3a: {  	_ = 	snop  }
0x3b: {  	_ = 	snop  }
0x3c: {  	p2 =	seq.s32 s10, $0x1;
	s10 =	sld [smem:$0x3FB5]  }
0x3d: {  	_ =	shalt  }
0x3e: {  	_ =	shalt  }
0x3f: {  	_ =	shalt  }
0x40: {  	_ =	shalt  }
0x41: {  	_ =	shalt  }
0x42: {  	_ =	shalt  }
0x43: {  	_ =	shalt  }
0x44: {  	_ =	shalt  }
0x45: {  	_ =	shalt  }
0x46: {  	_ =	shalt  }
0x47: {  	_ =	shalt  }
0x48: {  	_ =	shalt  }
0x49: {  	_ =	shalt  }
0x4a: {  	_ =	shalt  }
0x4b: {  	_ =	shalt  }
0x4c: {  	_ =	shalt  }
0x4d: {  	_ =	shalt  }
0x4e: {  	_ =	shalt  }
0x4f: {  	_ =	shalt  }
0x50: {  	_ =	shalt  }
0x51: {  	_ =	shalt  }
0x52: {  	_ =	shalt  }
0x53: {  	_ =	shalt  }
0x54: {  	_ =	shalt  }
0x55: {  	_ =	shalt  }
0x56: {  	_ =	shalt  }
0x57: {  	_ =	shalt  }
0x58: {  	_ =	shalt  }
0x59: {  	_ =	shalt  }
0x5a: {  	_ =	shalt  }
0x5b: {  	_ =	shalt  }
0x5c: {  	_ =	shalt  }
0x5d: {  	_ =	shalt  }
0x5e: {  	_ =	shalt  }
0x5f: {  	_ =	shalt  }
0x60: {  	_ =	shalt  }
0x61: {  	_ =	shalt  }
0x62: {  	_ =	shalt  }
0x63: {  	_ =	shalt  }
0x64: {  	_ =	shalt  }
0x65: {  	_ =	shalt  }
0x66: {  	_ =	shalt  }
0x67: {  	_ =	shalt  }
0x68: {  	_ =	shalt  }
0x69: {  	_ =	shalt  }
0x6a: {  	_ =	shalt  }
0x6b: {  	_ =	shalt  }
0x6c: {  	_ =	shalt  }
0x6d: {  	_ =	shalt  }
0x6e: {  	_ =	shalt  }
0x6f: {  	_ =	shalt  }
0x70: {  	_ =	shalt  }
0x71: {  	_ =	shalt  }
0x72: {  	_ =	shalt  }
0x73: {  	_ =	shalt  }
0x74: {  	_ =	shalt  }
0x75: {  	_ =	shalt  }
0x76: {  	_ =	shalt  }
0x77: {  	_ =	shalt  }
0x78: {  	_ =	shalt  }
0x79: {  	_ =	shalt  }
0x7a: {  	_ =	shalt  }
0x7b: {  	_ =	shalt  }
0x7c: {  	_ =	shalt  }
0x7d: {  	_ =	shalt  }
0x7e: {  	_ =	shalt  }
0x7f: {  	_ =	shalt  }
0x80: {  	_ =	shalt  }
0x81: {  	_ =	shalt  }
0x82: {  	_ =	shalt  }
0x83: {  	_ =	shalt  }
0x84: {  	_ =	shalt  }
0x85: {  	_ =	shalt  }
0x86: {  	_ =	shalt  }
0x87: {  	_ =	shalt  }
.Lfunc_end0:
.L_simem_size_0:
called_computation_lowered:
.L_overlay_start_0:
0x88: {  	s2 =	sld [smem:$0x3FD9]  }
0x89: {  	s3 =	sld [smem:$0x3FFE];
	_ =	sdelay $0x1  }
0x8a: {  	s1 =	srdreg.scid  }
0x8b: {  	s0 =	sand.u32 $0x1, s1  }
0x8c: {  	s16 =	sshll.u32 s0, $0xA;
	s2 =	sadd.s32 s3, s2  }
0x8d: {  	s2 =	sadd.s32 s2, s16  }
0x8e: {  	[smem:$0x3FC1] =	sst s2  }
0x8f: {  	_ = 	snop  }
0x90: {  	(tm) =	ssettm $0x1  }
0x91: {  	s17 =	sld [smem:$0x3FFB];
	_ =	sdelay $0x3  }
0x92: {  	_ =	strace s17  }
0x93: {  	s2 =	sld [smem:$0x3FFC];
	_ =	sdelay $0x3  }
0x94: {  	_ =	strace s2  }
0x95: {  	s2 =	sld [smem:$0x3FFD];
	_ =	sdelay $0x3  }
0x96: {  	_ =	strace s2  }
0x97: {  	_ =	strace $0x8FFFFFFF  }
0x98: {  	s18 =	sld [smem:$0x3FDB];
	_ =	sdelay $0x1  }
0x99: {  	s19 =	simm.s32 $_scs_section_size  }
0x9a: {  	s4 =	simm.s32 $_size__tile_overlayer_lowered;
	s5 =	simm.s32 $_tile_overlayer_lowered  }
0x9b: {  	s22 =	simm.s32 $0x1BFF;
	s21 =	sshll.u32 s5, $0x1;
	s2 =	sadd.s32 s19, s18  }
0x9c: {  	s6 =	simm.s32 $0x0;
	s20 =	sshll.u32 s4, $0x1;
	s4 =	sadd.s32 s21, s2  }
0x9d: {  	[timem:s6], [sflag:s22] =	dma.local [hbm:s4], s20  }
0x9e: {  	_ =	swait.ge [sflag:s22], s20  }
0x9f: {  	s3 =	ssub.s32 $0x0, s20;
	[sflag:s22] =	ssyncset.done $0x0  }
0xa0: {  	[sflag:s22] =	ssyncadd.s32 s3;
	_ =	sdelay $0x1  }
0xa1: {  	s23 =	simm.s32 $0x1B8B  }
0xa2: {  	_ =	swait.ge [sflag:s23], $0x1  }
0xa3: {  	[sflag:s23] =	ssyncset.done $0x0  }
0xa4: {  	s25 =	simm.s32 $0x1B8E;
	s24 =	sld [smem:$0x3FFE];
	[sflag:s23] =	ssyncadd.s32 $0xFFFFFFFF  }
0xa5: {  	s26 =	simm.s32 $execute0_lowered;
	[smem:$0x3FD2] =	sst s25  }
0xa6: {  	s4 =	sshll.u32 s26, $0x1;
	_ =	strace $0x80000046;
	[dreg:$0x1] =	wrdreg $0xFFFFFFFF  }
0xa7: {  	s28 =	simm.s32 $_size_execute0_lowered;
	s2 =	sadd.s32 s2, s4;
	[dreg:$0x0] =	wrdreg $0x0  }
0xa8: {  	s4 =	sshll.u32 s28, $0x1;
	[dreg:$0x2] =	wrdreg s2  }
0xa9: {  	[dreg:$0x3] =	wrdreg s4  }
0xaa: {  	[dreg:$0x4] =	wrdreg $0xC0  }
0xab: {  	_ =	task [dreg:s6], $0x5FFFF  }
0xac: {  	[dreg:$0x1] =	wrdreg $0xFFFFFFFF  }
0xad: {  	[dreg:$0x0] =	wrdreg $0x60  }
0xae: {  	[dreg:$0x2] =	wrdreg s24  }
0xaf: {  	[dreg:$0x3] =	wrdreg $0x9  }
0xb0: {  	_ =	task.clear_ibuf [dreg:s6], $0x4FFFF;
	_ =	strace $0x90000046  }
0xb1: {  	s29 =	simm.s32 $0x9;
	_ =	strace $0x80000048  }
0xb2: {  	_ =	swait.ge [sflag:s29], $0x1  }
0xb3: {  	[sflag:s29] =	ssyncadd.s32 $0xFFFFFFFF  }
0xb4: {  	_ =	strace $0x90000048  }
0xb5: {  	_ =	sfence  }
0xb6: {  	s30 =	sld [smem:$0x0];
	_ =	sdelay $0x2  }
0xb7: {  	s31 =	sshll.u32 s1, $0xD;
	s1 =	sshrl.u32 s1, $0x2  }
0xb8: {  	s3 =	sand.u32 $0x4000, s31;
	s1 =	sadd.s32 s1, s30  }
0xb9: {  	s0 =	sor.u32 s3, s0;
	s1 =	sshll.u32 s1, $0x11  }
0xba: {  	s0 =	sor.u32 s1, s0  }
0xbb: {  	s0 =	sadd.s32 $0x8F2B, s0  }
0xbc: {  	[sflag:s0] =	ssyncadd.remote.s32 $0x1  }
0xbd: {  	_ =	sfence.sel $0xFFFF  }
0xbe: {  	[dreg:$0x0] =	wrdreg $0xFFFFFFFF;
	(pc) =	sbr.abs _section_cstart, $3  }
0xbf: {  	[dreg:$0x1] =	wrdreg $0xFFFFFFFF  }
0xc0: {  	_ =	task.clear_ibuf [dreg:s6], $0x2FFFF;
	_ =	strace $0x9FFFFFFF  }
0xc1: {  	(tm) =	ssettm $0x7FFFFFFF  }
tec
execute0_lowered:
.L_overlay_start_1:
0x0: {  	(tag) =	ssettag $0x1  }
0x1: {  	s1 =	srdreg.scid;
	s0 =	stileid.u32  }
0x2: {  	s4 =	rddreg [dreg:$0x0];
	s2 =	simm.s32 $0x0;
	s10 =	simm.s32 $0x1  }
0x3: {  	s11 =	simm.s32 $0x7D0;
	s3 =	sand.u32 $0x1, s1;
	s31 =	sshll.u32 s0, $0x1  }
0x4: {  	s12 =	simm.s32 $0xFA0;
	s13 =	simm.s32 $0x1770;
	s5 =	sor.u32 s3, s31  }
0x5: {  	s14 =	simm.s32 $0x1F40;
	s15 =	simm.s32 $0x2710;
	s6 =	smul.u32 $0x2710, s5  }
0x6: {  	s16 =	simm.s32 $0x0;
	[smem:$0x7FF] =	sst s2;
	s5 =	smul.u32 $0x500, s5  }
0x7: {  	s1 =	rddreg [dreg:$0x1];
	s3 =	ssub.s32 $0x2, s3;
	_ =	strace $0x80000047  }
0x8: {  	s7 =	sshrl.u32 s3, $0x1;
	s6 =	sshrl.u32 s6, $0x3;
	s5 =	sadd.s32 s5, s4  }
0x9: {  	s7 =	ssub.s32 s3, s7;
	s9 =	sadd.s32 s6, s4;
	s3 =	sadd.s32 $0xDE00, s5  }
0xa: {  	s4 =	smax.u32 s7, $0x1;
	s5 =	sadd.s32 $0x4000, s9;
	s6 =	sadd.s32 $0x40FA, s9  }
0xb: {  	v0 =	vimm.f32 $0.0e+00;
	v1 =	vimm.f32 $1.000000000e+00;
	s7 =	sadd.s32 $0x41F4, s9;
	s8 =	sadd.s32 $0x42EE, s9;
	s9 =	sadd.s32 $0x43E8, s9  }
.LBB2_1:
0xc: {  	[tilespmem:s2], [sflag:$0x1] =	stream.linear.gather [hbm4b:s5+s2], $0x7D0, $0x38;
	[tilespmem:$0x4F10] =	vst v63  }
0xd: {  	_ =	swait.ge [sflag:s10], $0x7D0  }
0xe: {  	[sflag:s10] =	ssyncset.done $0x0  }
0xf: {  	[sflag:s10] =	ssyncadd.s32 $0xFFFFF830  }
0x10: {  	[tilespmem:s11], [sflag:$0x1] =	stream.linear.gather [hbm4b:s6+s2], $0x7D0, $0x38;
	[tilespmem:$0x4F10] =	vst v63  }
0x11: {  	_ =	swait.ge [sflag:s10], $0x7D0  }
0x12: {  	[sflag:s10] =	ssyncset.done $0x0  }
0x13: {  	[sflag:s10] =	ssyncadd.s32 $0xFFFFF830  }
0x14: {  	[tilespmem:s12], [sflag:$0x1] =	stream.linear.gather [hbm4b:s7+s2], $0x7D0, $0x38;
	[tilespmem:$0x4F10] =	vst v63  }
0x15: {  	_ =	swait.ge [sflag:s10], $0x7D0  }
0x16: {  	[sflag:s10] =	ssyncset.done $0x0  }
0x17: {  	[sflag:s10] =	ssyncadd.s32 $0xFFFFF830  }
0x18: {  	[tilespmem:s13], [sflag:$0x1] =	stream.linear.gather [hbm4b:s8+s2], $0x7D0, $0x38;
	[tilespmem:$0x4F10] =	vst v63  }
0x19: {  	_ =	swait.ge [sflag:s10], $0x7D0  }
0x1a: {  	[sflag:s10] =	ssyncset.done $0x0  }
0x1b: {  	[sflag:s10] =	ssyncadd.s32 $0xFFFFF830  }
0x1c: {  	[tilespmem:s14], [sflag:$0x1] =	stream.linear.gather [hbm4b:s9+s2], $0x7D0, $0x38;
	[tilespmem:$0x4F10] =	vst v63  }
0x1d: {  	_ =	swait.ge [sflag:s10], $0x7D0  }
0x1e: {  	[sflag:s10] =	ssyncset.done $0x0  }
0x1f: {  	s17 =	simm.s32 $0x0;
	[sflag:s10] =	ssyncadd.s32 $0xFFFFF830  }
.LBB2_2:
0x20: {  	p0 =	sne.s32 s17, $0x9FC0  }
.Ltmp0:
0x21: {  	_ = 	snop;
	(pc) =	sbr.rel @p0 .LBB2_2-.Ltmp0, $3  }
0x22: {  	_ =	sdelay $0x1  }
0x23: {  	s18 =	sshra.s32 s17, $0x2  }
0x24: {  	s17 =	sadd.s32 $0x40, s17;
	[tilespmem:s18+$0x2710] =	vst v0  }
0x25: {  	s18 =	simm.s32 $0x0;
	s17 =	simm.s32 $0x40  }
.LBB2_4:
0x26: {  	p0 =	sne.s32 s17, $0x9C00;
	v2 =	vld [tilespmem:s18+$0x0];
	_ =	sdelay $0x3  }
.Ltmp1:
0x27: {  	(pc) =	sbr.rel @p0 .LBB2_4-.Ltmp1, $2  }
0x28: {  	_ =	sdelay $0x2  }
0x29: {  	s18 =	sshra.s32 s17, $0x2;
	s17 =	sadd.s32 $0x40, s17;
	[tilespmem:v2+s15+$0x0] =	vst.idx.add.f32.msk $0xffff, v1  }
0x2a: {  	v2 =	vld [tilespmem:s18+$0x0];
	_ =	sdelay $0x5  }
0x2b: {  	s16 =	sadd.s32 $0x1, s16  }
0x2c: {  	p0 =	sne.s32 s16, s4  }
.Ltmp2:
0x2d: {  	[tilespmem:v2+s15+$0x0] =	vst.idx.add.f32.msk $0xffff, v1;
	(pc) =	sbr.rel @p0 .LBB2_1-.Ltmp2, $4  }
0x2e: {  	[hbm4b:s3+s2] =	stream.linear.scatter [tilespmem:s15], [sflag:$0x1], $0x2800, $0x38;
	[tilespmem:$0x4F10] =	vst v63  }
0x2f: {  	_ =	swait.ge [sflag:s10], $0x2800  }
0x30: {  	[sflag:s10] =	ssyncset.done $0x0  }
0x31: {  	[sflag:s10] =	ssyncadd.s32 $0xFFFFD800  }
0x32: {  	_ =	sfence.sel $0x180000  }
0x33: {  	[bflag:$0x0] =	sbarrier.arrive $0xFFFF  }
0x34: {  	p0 =	sne.s32 s0, $0x0;
	_ =	strace $0x90000047  }
0x35: {  	s0 =	sadd.s32 @!p0 $0x100000, s1;
	[bflag:$0x2] =	sbarrier.arrive $0xFFFF  }
0x36: {  	[sflag:s0] =	ssyncadd.tile.s32 @!p0 $0x1;
	_ =	shalt  }
.Lfunc_end2:
_tile_overlayer_lowered:
.L_overlay_start_2:
0x37: {  	(tag) =	ssettag $0x2  }
0x38: {  	s0 =	rddreg [dreg:$0x0];
	s2 =	stileid.u32  }
0x39: {  	s1 =	rddreg [dreg:$0x1];
	p0 =	sne.s32 s2, $0x0  }
0x3a: {  	s3 =	rddreg [dreg:$0x2];
	[bflag:$0x3] =	sbarrier.arrive $0xFFFF;
	s2 =	simm.s32 @!p0 $0x1C01  }
0x3b: {  	[timem:s3], [sflag:s2] =	dma.local @!p0 [hbm:s0], s1  }
0x3c: {  	s0 =	simm.s32 @!p0 $0x1  }
0x3d: {  	_ =	swait.ge @!p0 [sflag:s0], s1  }
0x3e: {  	s1 =	ssub.s32 @!p0 $0x0, s1;
	[sflag:s0] =	ssyncset.done @!p0 $0x0  }
0x3f: {  	[sflag:s0] =	ssyncadd.s32 @!p0 s1  }
0x40: {  	[bflag:$0x3] =	sbarrier.arrive $0xFFFF  }
0x41: {  	_ =	shalt  }

</sc_bundles>
